<compile_context>
chip_gen: v7x
topology: tpu7x:2x2x1
jax: 0.10.2.dev20260603
libtpu: 0.0.44.dev20260713+nightly
codegen_flags: <defaults>
</compile_context>

<pallas_src>
import functools

import jax
import jax.numpy as jnp
from jax import lax
from jax.experimental import pallas as pl
from jax.experimental.pallas import tpu as pltpu
from jax.experimental.pallas import tpu_sc as plsc

N = 10000
E = 160000
D = 256
H = 128
NC = 2
NS = 16
BATCH = 128
EPAD = 163840
NB3 = EPAD // (NS * BATCH)
NB1 = EPAD // (NC * NS * BATCH)
HB3 = NB3 // 2
HB1 = NB1 // 2
R = 10240
STRIPE = R // NS
RB = 2000


def _k1_body(dst_hbm, ones_hbm, zeros_hbm, out_hbm, idx_v, ones_v, zbuf_v, acc_sh):
    c = lax.axis_index("c")
    s = lax.axis_index("s")
    w = s * NC + c
    pltpu.sync_copy(zeros_hbm, zbuf_v)
    pltpu.sync_copy(zbuf_v, acc_sh.at[pl.ds(s * STRIPE, STRIPE)])
    pltpu.sync_copy(ones_hbm, ones_v)
    plsc.subcore_barrier()

    for h in range(2):
        pltpu.sync_copy(dst_hbm.at[h].at[w], idx_v)

        @pl.loop(0, HB1)
        def _(b):
            pltpu.sync_copy(ones_v, acc_sh.at[idx_v.at[b]], add=True)

    plsc.subcore_barrier()
    pltpu.sync_copy(acc_sh.at[pl.ds(s * STRIPE, STRIPE)], zbuf_v)
    pltpu.sync_copy(zbuf_v, out_hbm.at[c].at[pl.ds(s * STRIPE, STRIPE)])


def _k3_body(zl_hbm, zr_hbm, src_hbm, dst_hbm, zeros_hbm, out_hbm,
             src_v, dst_v, buf0_v, buf1_v, acc_sh, semg0, semg1):
    c = lax.axis_index("c")
    s = lax.axis_index("s")
    pltpu.sync_copy(zeros_hbm, buf0_v)
    for j in range(STRIPE // BATCH):
        pltpu.sync_copy(buf0_v, acc_sh.at[pl.ds(s * STRIPE + j * BATCH, BATCH)])
    plsc.subcore_barrier()

    def edge_loop(z_hbm):
        for h in range(2):
            pltpu.sync_copy(src_hbm.at[h].at[s], src_v)
            pltpu.sync_copy(dst_hbm.at[h].at[s], dst_v)
            pltpu.async_copy(z_hbm.at[src_v.at[0]], buf0_v, semg0)

            @pl.loop(0, HB3, step=2)
            def _(b):
                pltpu.make_async_copy(z_hbm.at[src_v.at[b]], buf0_v, semg0).wait()
                pltpu.async_copy(z_hbm.at[src_v.at[b + 1]], buf1_v, semg1)
                pltpu.sync_copy(buf0_v, acc_sh.at[dst_v.at[b]], add=True)
                pltpu.make_async_copy(z_hbm.at[src_v.at[b + 1]], buf1_v, semg1).wait()

                @pl.when(b + 2 < HB3)
                def _():
                    pltpu.async_copy(z_hbm.at[src_v.at[b + 2]], buf0_v, semg0)

                pltpu.sync_copy(buf1_v, acc_sh.at[dst_v.at[b + 1]], add=True)

    @pl.when(c == 0)
    def _():
        edge_loop(zl_hbm)

    @pl.when(c == 1)
    def _():
        edge_loop(zr_hbm)

    plsc.subcore_barrier()
    for j in range(STRIPE // BATCH):
        off = s * STRIPE + j * BATCH
        pltpu.sync_copy(acc_sh.at[pl.ds(off, BATCH)], buf0_v)
        pltpu.sync_copy(buf0_v, out_hbm.at[c].at[pl.ds(off, BATCH)])


def _k2_body(x_ref, w_ref, deg_ref, zl_ref, zr_ref):
    deg = deg_ref[:, 0:1] + deg_ref[:, 1:2]
    norm = lax.rsqrt(jnp.maximum(deg, 1.0))
    z = jnp.dot(x_ref[...], w_ref[...], preferred_element_type=jnp.float32) * norm
    zl_ref[...] = z[:, :H]
    zr_ref[...] = z[:, H:]


def _k4_body(agg_ref, deg_ref, b_ref, out_ref):
    deg = deg_ref[:, 0:1] + deg_ref[:, 1:2]
    norm = lax.rsqrt(jnp.maximum(deg, 1.0))
    out_ref[:, :H] = agg_ref[0] * norm + b_ref[0:1, :H]
    out_ref[:, H:] = agg_ref[1] * norm + b_ref[0:1, H:]


@jax.jit
def kernel(x, edge_index, W, b):
    mesh = plsc.VectorSubcoreMesh(
        core_axis_name="c", subcore_axis_name="s", num_cores=NC, num_subcores=NS
    )
    f32 = jnp.float32

    src = edge_index[0]
    dst = edge_index[1]
    pad = EPAD - E
    srcp = jnp.concatenate([src, jnp.zeros((pad,), jnp.int32)])
    dstp = jnp.concatenate([dst, jnp.full((pad,), N, jnp.int32)])
    dst1 = dstp.reshape(2, NC * NS, HB1, BATCH)
    src3 = srcp.reshape(2, NS, HB3, BATCH)
    dst3 = dstp.reshape(2, NS, HB3, BATCH)

    zeros1 = jnp.zeros((STRIPE,), f32)
    zerosB = jnp.zeros((BATCH, H), f32)

    k1 = pl.kernel(
        _k1_body,
        out_type=jax.ShapeDtypeStruct((NC, R), f32),
        mesh=mesh,
        scratch_types=[
            pltpu.VMEM((HB1, BATCH), jnp.int32),
            pltpu.VMEM((BATCH,), f32),
            pltpu.VMEM((STRIPE,), f32),
            pltpu.VMEM_SHARED((R,), f32),
        ],
    )
    degacc = k1(dst1, jnp.ones((BATCH,), f32), zeros1)
    degT = degacc[:, :N].T

    k2 = pl.pallas_call(
        _k2_body,
        grid=(N // RB,),
        in_specs=[
            pl.BlockSpec((RB, D), lambda i: (i, 0)),
            pl.BlockSpec((D, D), lambda i: (0, 0)),
            pl.BlockSpec((RB, NC), lambda i: (i, 0)),
        ],
        out_specs=[
            pl.BlockSpec((RB, H), lambda i: (i, 0)),
            pl.BlockSpec((RB, H), lambda i: (i, 0)),
        ],
        out_shape=[
            jax.ShapeDtypeStruct((N, H), f32),
            jax.ShapeDtypeStruct((N, H), f32),
        ],
    )
    zl, zr = k2(x, W, degT)

    k3 = pl.kernel(
        _k3_body,
        out_type=jax.ShapeDtypeStruct((NC, R, H), f32),
        mesh=mesh,
        scratch_types=[
            pltpu.VMEM((HB3, BATCH), jnp.int32),
            pltpu.VMEM((HB3, BATCH), jnp.int32),
            pltpu.VMEM((BATCH, H), f32),
            pltpu.VMEM((BATCH, H), f32),
            pltpu.VMEM_SHARED((R, H), f32),
            pltpu.SemaphoreType.DMA,
            pltpu.SemaphoreType.DMA,
        ],
    )
    agg = k3(zl, zr, src3, dst3, zerosB)

    k4 = pl.pallas_call(
        _k4_body,
        grid=(N // RB,),
        in_specs=[
            pl.BlockSpec((NC, RB, H), lambda i: (0, i, 0)),
            pl.BlockSpec((RB, NC), lambda i: (i, 0)),
            pl.BlockSpec((1, D), lambda i: (0, 0)),
        ],
        out_specs=pl.BlockSpec((RB, D), lambda i: (i, 0)),
        out_shape=jax.ShapeDtypeStruct((N, D), f32),
    )
    return k4(agg, degT, b.reshape(1, D))

# --- scband reference (transcript-rebuilt; emitter-appended) ---
"""Pipeline reference for scband-sgc-17016660426791 (READ-ONLY COPY).

The authoritative reference and input builder live on the scoring server;
editing this copy changes nothing except your own understanding.
"""

import jax, jax.numpy as jnp
import numpy as np

N_NODES = 10000
N_EDGES = 160000
D_IN = 256
D_OUT = 256


def setup_inputs(seed: int = 0) -> dict:
    key = jax.random.key(seed)
    k1, k2, k3, k4 = jax.random.split(key, 4)
    x = jax.random.normal(k1, (N_NODES, D_IN), dtype=jnp.float32)
    edge_index = jax.random.randint(k2, (2, N_EDGES), 0, N_NODES, dtype=jnp.int32)
    # Learned params of the SGConv linear layer (in_feats -> n_classes) with bias
    W = jax.random.normal(k3, (D_IN, D_OUT), dtype=jnp.float32) * 0.05
    b = jax.random.normal(k4, (D_OUT,), dtype=jnp.float32) * 0.01
    return {"x": x, "edge_index": edge_index, "W": W, "b": b}


def reference(x, edge_index, W, b):
    # DGL SGConv with k=1, norm='both', bias=True:
    #   h = D^{-1/2} A D^{-1/2} x, then linear(h) = h @ W + b
    # DGL uses in-degrees (dst) for both normalization factors, clamped to >= 1.
    src = edge_index[0]
    dst = edge_index[1]
    n = x.shape[0]
    ones = jnp.ones((src.shape[0],), dtype=x.dtype)
    deg = jax.ops.segment_sum(ones, dst, num_segments=n)
    deg = jnp.clip(deg, 1.0)
    norm = deg ** -0.5
    # pre-normalize source features
    h = x * norm[:, None]
    # gather over src nodes, scatter-add into dst nodes
    msg = jnp.take(h, src, axis=0)
    agg = jax.ops.segment_sum(msg, dst, num_segments=n)
    # post-normalize by dst degree
    agg = agg * norm[:, None]
    # linear projection
    out = agg @ W + b
    return out

if __name__ == "__main__":
    import jax
    _d = setup_inputs()
    print(jax.jit(kernel)(*tuple(_d.values())))

</pallas_src>

<mosaic_0001>
#map = affine_map<(d0, d1) -> (0, 0, 0, 0)>
#map1 = affine_map<(d0, d1) -> (0)>
#map2 = affine_map<(d0, d1) -> (0, 0)>
module attributes {stable_mosaic.version = 14 : i64} {
  func.func @_k1_body(%arg0: i32, %arg1: i32, %arg2: memref<2x32x20x128xi32, #tpu.memory_space<hbm>>, %arg3: memref<128xf32, #tpu.memory_space<hbm>>, %arg4: memref<640xf32, #tpu.memory_space<hbm>>, %arg5: memref<2x10240xf32, #tpu.memory_space<hbm>>, %arg6: memref<20x128xi32, #tpu.memory_space<vmem>>, %arg7: memref<128xf32, #tpu.memory_space<vmem>>, %arg8: memref<640xf32, #tpu.memory_space<vmem>>, %arg9: memref<10240xf32, #tpu.memory_space<vmem_shared>>) attributes {dimension_semantics = [#tpu.dimension_semantics<core_parallel>, #tpu.dimension_semantics<subcore_parallel>], iteration_bounds = array<i64: 2, 16>, scalar_prefetch = 0 : i64, scratch_operands = 4 : i64, tpu.core_type = #tpu.core_type<sc_vector_subcore>, window_params = [{transform_indices = #map}, {transform_indices = #map1}, {transform_indices = #map1}, {transform_indices = #map2}]} {
    %mul3A = arith.constant 2 : i32
    %mul3A_0 = arith.muli %arg1, %mul3A : i32
    %add3A = arith.addi %mul3A_0, %arg0 : i32
    "tpu.region"() ({
      %run_scoped3A_18 = tpu.sem_alloc : memref<!tpu.dma_semaphore, #tpu.memory_space<semaphore_mem>>
      tpu.enqueue_dma source(%arg4 : memref<640xf32, #tpu.memory_space<hbm>>) target(%arg8 : memref<640xf32, #tpu.memory_space<vmem>>) target_semaphore(%run_scoped3A_18 : memref<!tpu.dma_semaphore, #tpu.memory_space<semaphore_mem>>)
      tpu.wait_dma2 semaphore(%run_scoped3A_18 : memref<!tpu.dma_semaphore, #tpu.memory_space<semaphore_mem>>) src(%arg4 : memref<640xf32, #tpu.memory_space<hbm>>) dst(%arg8 : memref<640xf32, #tpu.memory_space<vmem>>)
      tpu.yield
    }) : () -> ()
    %mul3A_1 = arith.constant 640 : i32
    %mul3A_2 = arith.muli %arg1, %mul3A_1 : i32
    "tpu.region"() ({
      %run_scoped3A_18 = tpu.sem_alloc : memref<!tpu.dma_semaphore, #tpu.memory_space<semaphore_mem>>
      %dma_start3A = tpu.memref_slice %arg9[%mul3A_2] : memref<10240xf32, #tpu.memory_space<vmem_shared>> -> memref<640xf32, #tpu.memory_space<vmem_shared>>
      %dma_start3A_19 = tpu.memref_slice %arg9[%mul3A_2] : memref<10240xf32, #tpu.memory_space<vmem_shared>> -> memref<640xf32, #tpu.memory_space<vmem_shared>>
      tpu.enqueue_dma source(%arg8 : memref<640xf32, #tpu.memory_space<vmem>>) target(%dma_start3A_19 : memref<640xf32, #tpu.memory_space<vmem_shared>>) target_semaphore(%run_scoped3A_18 : memref<!tpu.dma_semaphore, #tpu.memory_space<semaphore_mem>>)
      %dma_wait3A = tpu.memref_slice %arg9[%mul3A_2] : memref<10240xf32, #tpu.memory_space<vmem_shared>> -> memref<640xf32, #tpu.memory_space<vmem_shared>>
      %dma_wait3A_20 = tpu.memref_slice %arg9[%mul3A_2] : memref<10240xf32, #tpu.memory_space<vmem_shared>> -> memref<640xf32, #tpu.memory_space<vmem_shared>>
      tpu.wait_dma2 semaphore(%run_scoped3A_18 : memref<!tpu.dma_semaphore, #tpu.memory_space<semaphore_mem>>) src(%arg8 : memref<640xf32, #tpu.memory_space<vmem>>) dst(%dma_wait3A_20 : memref<640xf32, #tpu.memory_space<vmem_shared>>)
      tpu.yield
    }) : () -> ()
    "tpu.region"() ({
      %run_scoped3A_18 = tpu.sem_alloc : memref<!tpu.dma_semaphore, #tpu.memory_space<semaphore_mem>>
      tpu.enqueue_dma source(%arg3 : memref<128xf32, #tpu.memory_space<hbm>>) target(%arg7 : memref<128xf32, #tpu.memory_space<vmem>>) target_semaphore(%run_scoped3A_18 : memref<!tpu.dma_semaphore, #tpu.memory_space<semaphore_mem>>)
      tpu.wait_dma2 semaphore(%run_scoped3A_18 : memref<!tpu.dma_semaphore, #tpu.memory_space<semaphore_mem>>) src(%arg3 : memref<128xf32, #tpu.memory_space<hbm>>) dst(%arg7 : memref<128xf32, #tpu.memory_space<vmem>>)
      tpu.yield
    }) : () -> ()
    %barrier3A = arith.constant 0 : index
    tpu.barrier barrier_id(%barrier3A)
    %run_scoped3A = arith.constant 0 : i32
    "tpu.region"() ({
      %run_scoped3A_18 = tpu.sem_alloc : memref<!tpu.dma_semaphore, #tpu.memory_space<semaphore_mem>>
      %dma_start3A = arith.constant 0 : i32
      %dma_start3A_19 = arith.constant 0 : i32
      %dma_start3A_20 = arith.constant 0 : i32
      %dma_start3A_21 = tpu.memref_slice %arg2[%run_scoped3A, %dma_start3A, %dma_start3A_19, %dma_start3A_20] : memref<2x32x20x128xi32, #tpu.memory_space<hbm>> -> memref<1x32x20x128xi32, #tpu.memory_space<hbm>>
      %dma_start3A_22 = tpu.memref_squeeze %dma_start3A_21 : memref<1x32x20x128xi32, #tpu.memory_space<hbm>> -> memref<32x20x128xi32, #tpu.memory_space<hbm>>
      %dma_start3A_23 = arith.constant 0 : i32
      %dma_start3A_24 = arith.constant 0 : i32
      %dma_start3A_25 = tpu.memref_slice %dma_start3A_22[%add3A, %dma_start3A_23, %dma_start3A_24] : memref<32x20x128xi32, #tpu.memory_space<hbm>> -> memref<1x20x128xi32, #tpu.memory_space<hbm>>
      %dma_start3A_26 = tpu.memref_squeeze %dma_start3A_25 : memref<1x20x128xi32, #tpu.memory_space<hbm>> -> memref<20x128xi32, #tpu.memory_space<hbm>>
      %dma_start3A_27 = arith.constant 0 : i32
      %dma_start3A_28 = arith.constant 0 : i32
      %dma_start3A_29 = arith.constant 0 : i32
      %dma_start3A_30 = tpu.memref_slice %arg2[%run_scoped3A, %dma_start3A_27, %dma_start3A_28, %dma_start3A_29] : memref<2x32x20x128xi32, #tpu.memory_space<hbm>> -> memref<1x32x20x128xi32, #tpu.memory_space<hbm>>
      %dma_start3A_31 = tpu.memref_squeeze %dma_start3A_30 : memref<1x32x20x128xi32, #tpu.memory_space<hbm>> -> memref<32x20x128xi32, #tpu.memory_space<hbm>>
      %dma_start3A_32 = arith.constant 0 : i32
      %dma_start3A_33 = arith.constant 0 : i32
      %dma_start3A_34 = tpu.memref_slice %dma_start3A_31[%add3A, %dma_start3A_32, %dma_start3A_33] : memref<32x20x128xi32, #tpu.memory_space<hbm>> -> memref<1x20x128xi32, #tpu.memory_space<hbm>>
      %dma_start3A_35 = tpu.memref_squeeze %dma_start3A_34 : memref<1x20x128xi32, #tpu.memory_space<hbm>> -> memref<20x128xi32, #tpu.memory_space<hbm>>
      tpu.enqueue_dma source(%dma_start3A_35 : memref<20x128xi32, #tpu.memory_space<hbm>>) target(%arg6 : memref<20x128xi32, #tpu.memory_space<vmem>>) target_semaphore(%run_scoped3A_18 : memref<!tpu.dma_semaphore, #tpu.memory_space<semaphore_mem>>)
      %dma_wait3A = arith.constant 0 : i32
      %dma_wait3A_36 = arith.constant 0 : i32
      %dma_wait3A_37 = arith.constant 0 : i32
      %dma_wait3A_38 = tpu.memref_slice %arg2[%run_scoped3A, %dma_wait3A, %dma_wait3A_36, %dma_wait3A_37] : memref<2x32x20x128xi32, #tpu.memory_space<hbm>> -> memref<1x32x20x128xi32, #tpu.memory_space<hbm>>
      %dma_wait3A_39 = tpu.memref_squeeze %dma_wait3A_38 : memref<1x32x20x128xi32, #tpu.memory_space<hbm>> -> memref<32x20x128xi32, #tpu.memory_space<hbm>>
      %dma_wait3A_40 = arith.constant 0 : i32
      %dma_wait3A_41 = arith.constant 0 : i32
      %dma_wait3A_42 = tpu.memref_slice %dma_wait3A_39[%add3A, %dma_wait3A_40, %dma_wait3A_41] : memref<32x20x128xi32, #tpu.memory_space<hbm>> -> memref<1x20x128xi32, #tpu.memory_space<hbm>>
      %dma_wait3A_43 = tpu.memref_squeeze %dma_wait3A_42 : memref<1x20x128xi32, #tpu.memory_space<hbm>> -> memref<20x128xi32, #tpu.memory_space<hbm>>
      %dma_wait3A_44 = arith.constant 0 : i32
      %dma_wait3A_45 = arith.constant 0 : i32
      %dma_wait3A_46 = arith.constant 0 : i32
      %dma_wait3A_47 = tpu.memref_slice %arg2[%run_scoped3A, %dma_wait3A_44, %dma_wait3A_45, %dma_wait3A_46] : memref<2x32x20x128xi32, #tpu.memory_space<hbm>> -> memref<1x32x20x128xi32, #tpu.memory_space<hbm>>
      %dma_wait3A_48 = tpu.memref_squeeze %dma_wait3A_47 : memref<1x32x20x128xi32, #tpu.memory_space<hbm>> -> memref<32x20x128xi32, #tpu.memory_space<hbm>>
      %dma_wait3A_49 = arith.constant 0 : i32
      %dma_wait3A_50 = arith.constant 0 : i32
      %dma_wait3A_51 = tpu.memref_slice %dma_wait3A_48[%add3A, %dma_wait3A_49, %dma_wait3A_50] : memref<32x20x128xi32, #tpu.memory_space<hbm>> -> memref<1x20x128xi32, #tpu.memory_space<hbm>>
      %dma_wait3A_52 = tpu.memref_squeeze %dma_wait3A_51 : memref<1x20x128xi32, #tpu.memory_space<hbm>> -> memref<20x128xi32, #tpu.memory_space<hbm>>
      tpu.wait_dma2 semaphore(%run_scoped3A_18 : memref<!tpu.dma_semaphore, #tpu.memory_space<semaphore_mem>>) src(%dma_wait3A_52 : memref<20x128xi32, #tpu.memory_space<hbm>>) dst(%arg6 : memref<20x128xi32, #tpu.memory_space<vmem>>)
      tpu.yield
    }) : () -> ()
    %scan3A = arith.constant 0 : i32
    %scan3A_3 = arith.constant 20 : i32
    %scan3A_4 = arith.addi %scan3A, %scan3A_3 : i32
    %scan3A_5 = arith.constant 1 : i32
    scf.for %scan3A_18 = %scan3A to %scan3A_4 step %scan3A_5  : i32 {
      %mul3A_19 = arith.constant 1 : i32
      %mul3A_20 = arith.muli %scan3A_18, %mul3A_19 : i32
      %add3A_21 = arith.constant 0 : i32
      %add3A_22 = arith.addi %add3A_21, %mul3A_20 : i32
      "tpu.region"() ({
        %run_scoped3A_23 = tpu.sem_alloc : memref<!tpu.dma_semaphore, #tpu.memory_space<semaphore_mem>>
        %dma_start3A = arith.constant 0 : i32
        %dma_start3A_24 = tpu.memref_slice %arg6[%add3A_22, %dma_start3A] : memref<20x128xi32, #tpu.memory_space<vmem>> -> memref<1x128xi32, #tpu.memory_space<vmem>>
        %dma_start3A_25 = tpu.memref_squeeze %dma_start3A_24 : memref<1x128xi32, #tpu.memory_space<vmem>> -> memref<128xi32, #tpu.memory_space<vmem>>
        %dma_start3A_26 = arith.constant 0 : i32
        %dma_start3A_27 = tpu.memref_slice %arg9[%dma_start3A_26] : memref<10240xf32, #tpu.memory_space<vmem_shared>> -> memref<10240xf32, #tpu.memory_space<vmem_shared>>
        tpu.enqueue_indirect_dma source(%arg7 : memref<128xf32, #tpu.memory_space<vmem>>) target(%dma_start3A_27 : memref<10240xf32, #tpu.memory_space<vmem_shared>>) offsets(%dma_start3A_25 : memref<128xi32, #tpu.memory_space<vmem>>) semaphore(%run_scoped3A_23 : memref<!tpu.dma_semaphore, #tpu.memory_space<semaphore_mem>>) {add = true}
        %dma_wait3A = arith.constant 0 : i32
        %dma_wait3A_28 = tpu.memref_slice %arg6[%add3A_22, %dma_wait3A] : memref<20x128xi32, #tpu.memory_space<vmem>> -> memref<1x128xi32, #tpu.memory_space<vmem>>
        %dma_wait3A_29 = tpu.memref_squeeze %dma_wait3A_28 : memref<1x128xi32, #tpu.memory_space<vmem>> -> memref<128xi32, #tpu.memory_space<vmem>>
        %dma_wait3A_30 = arith.constant 0 : i32
        %dma_wait3A_31 = tpu.memref_slice %arg9[%dma_wait3A_30] : memref<10240xf32, #tpu.memory_space<vmem_shared>> -> memref<10240xf32, #tpu.memory_space<vmem_shared>>
        tpu.wait_indirect_dma semaphore(%run_scoped3A_23 : memref<!tpu.dma_semaphore, #tpu.memory_space<semaphore_mem>>) src(%arg7 : memref<128xf32, #tpu.memory_space<vmem>>) dst(%dma_wait3A_31 : memref<10240xf32, #tpu.memory_space<vmem_shared>>)
        tpu.yield
      }) : () -> ()
    }
    %scan3A_6 = arith.constant 20 : i32
    %run_scoped3A_7 = arith.constant 1 : i32
    "tpu.region"() ({
      %run_scoped3A_18 = tpu.sem_alloc : memref<!tpu.dma_semaphore, #tpu.memory_space<semaphore_mem>>
      %dma_start3A = arith.constant 0 : i32
      %dma_start3A_19 = arith.constant 0 : i32
      %dma_start3A_20 = arith.constant 0 : i32
      %dma_start3A_21 = tpu.memref_slice %arg2[%run_scoped3A_7, %dma_start3A, %dma_start3A_19, %dma_start3A_20] : memref<2x32x20x128xi32, #tpu.memory_space<hbm>> -> memref<1x32x20x128xi32, #tpu.memory_space<hbm>>
      %dma_start3A_22 = tpu.memref_squeeze %dma_start3A_21 : memref<1x32x20x128xi32, #tpu.memory_space<hbm>> -> memref<32x20x128xi32, #tpu.memory_space<hbm>>
      %dma_start3A_23 = arith.constant 0 : i32
      %dma_start3A_24 = arith.constant 0 : i32
      %dma_start3A_25 = tpu.memref_slice %dma_start3A_22[%add3A, %dma_start3A_23, %dma_start3A_24] : memref<32x20x128xi32, #tpu.memory_space<hbm>> -> memref<1x20x128xi32, #tpu.memory_space<hbm>>
      %dma_start3A_26 = tpu.memref_squeeze %dma_start3A_25 : memref<1x20x128xi32, #tpu.memory_space<hbm>> -> memref<20x128xi32, #tpu.memory_space<hbm>>
      %dma_start3A_27 = arith.constant 0 : i32
      %dma_start3A_28 = arith.constant 0 : i32
      %dma_start3A_29 = arith.constant 0 : i32
      %dma_start3A_30 = tpu.memref_slice %arg2[%run_scoped3A_7, %dma_start3A_27, %dma_start3A_28, %dma_start3A_29] : memref<2x32x20x128xi32, #tpu.memory_space<hbm>> -> memref<1x32x20x128xi32, #tpu.memory_space<hbm>>
      %dma_start3A_31 = tpu.memref_squeeze %dma_start3A_30 : memref<1x32x20x128xi32, #tpu.memory_space<hbm>> -> memref<32x20x128xi32, #tpu.memory_space<hbm>>
      %dma_start3A_32 = arith.constant 0 : i32
      %dma_start3A_33 = arith.constant 0 : i32
      %dma_start3A_34 = tpu.memref_slice %dma_start3A_31[%add3A, %dma_start3A_32, %dma_start3A_33] : memref<32x20x128xi32, #tpu.memory_space<hbm>> -> memref<1x20x128xi32, #tpu.memory_space<hbm>>
      %dma_start3A_35 = tpu.memref_squeeze %dma_start3A_34 : memref<1x20x128xi32, #tpu.memory_space<hbm>> -> memref<20x128xi32, #tpu.memory_space<hbm>>
      tpu.enqueue_dma source(%dma_start3A_35 : memref<20x128xi32, #tpu.memory_space<hbm>>) target(%arg6 : memref<20x128xi32, #tpu.memory_space<vmem>>) target_semaphore(%run_scoped3A_18 : memref<!tpu.dma_semaphore, #tpu.memory_space<semaphore_mem>>)
      %dma_wait3A = arith.constant 0 : i32
      %dma_wait3A_36 = arith.constant 0 : i32
      %dma_wait3A_37 = arith.constant 0 : i32
      %dma_wait3A_38 = tpu.memref_slice %arg2[%run_scoped3A_7, %dma_wait3A, %dma_wait3A_36, %dma_wait3A_37] : memref<2x32x20x128xi32, #tpu.memory_space<hbm>> -> memref<1x32x20x128xi32, #tpu.memory_space<hbm>>
      %dma_wait3A_39 = tpu.memref_squeeze %dma_wait3A_38 : memref<1x32x20x128xi32, #tpu.memory_space<hbm>> -> memref<32x20x128xi32, #tpu.memory_space<hbm>>
      %dma_wait3A_40 = arith.constant 0 : i32
      %dma_wait3A_41 = arith.constant 0 : i32
      %dma_wait3A_42 = tpu.memref_slice %dma_wait3A_39[%add3A, %dma_wait3A_40, %dma_wait3A_41] : memref<32x20x128xi32, #tpu.memory_space<hbm>> -> memref<1x20x128xi32, #tpu.memory_space<hbm>>
      %dma_wait3A_43 = tpu.memref_squeeze %dma_wait3A_42 : memref<1x20x128xi32, #tpu.memory_space<hbm>> -> memref<20x128xi32, #tpu.memory_space<hbm>>
      %dma_wait3A_44 = arith.constant 0 : i32
      %dma_wait3A_45 = arith.constant 0 : i32
      %dma_wait3A_46 = arith.constant 0 : i32
      %dma_wait3A_47 = tpu.memref_slice %arg2[%run_scoped3A_7, %dma_wait3A_44, %dma_wait3A_45, %dma_wait3A_46] : memref<2x32x20x128xi32, #tpu.memory_space<hbm>> -> memref<1x32x20x128xi32, #tpu.memory_space<hbm>>
      %dma_wait3A_48 = tpu.memref_squeeze %dma_wait3A_47 : memref<1x32x20x128xi32, #tpu.memory_space<hbm>> -> memref<32x20x128xi32, #tpu.memory_space<hbm>>
      %dma_wait3A_49 = arith.constant 0 : i32
      %dma_wait3A_50 = arith.constant 0 : i32
      %dma_wait3A_51 = tpu.memref_slice %dma_wait3A_48[%add3A, %dma_wait3A_49, %dma_wait3A_50] : memref<32x20x128xi32, #tpu.memory_space<hbm>> -> memref<1x20x128xi32, #tpu.memory_space<hbm>>
      %dma_wait3A_52 = tpu.memref_squeeze %dma_wait3A_51 : memref<1x20x128xi32, #tpu.memory_space<hbm>> -> memref<20x128xi32, #tpu.memory_space<hbm>>
      tpu.wait_dma2 semaphore(%run_scoped3A_18 : memref<!tpu.dma_semaphore, #tpu.memory_space<semaphore_mem>>) src(%dma_wait3A_52 : memref<20x128xi32, #tpu.memory_space<hbm>>) dst(%arg6 : memref<20x128xi32, #tpu.memory_space<vmem>>)
      tpu.yield
    }) : () -> ()
    %scan3A_8 = arith.constant 0 : i32
    %scan3A_9 = arith.constant 20 : i32
    %scan3A_10 = arith.addi %scan3A_8, %scan3A_9 : i32
    %scan3A_11 = arith.constant 1 : i32
    scf.for %scan3A_18 = %scan3A_8 to %scan3A_10 step %scan3A_11  : i32 {
      %mul3A_19 = arith.constant 1 : i32
      %mul3A_20 = arith.muli %scan3A_18, %mul3A_19 : i32
      %add3A_21 = arith.constant 0 : i32
      %add3A_22 = arith.addi %add3A_21, %mul3A_20 : i32
      "tpu.region"() ({
        %run_scoped3A_23 = tpu.sem_alloc : memref<!tpu.dma_semaphore, #tpu.memory_space<semaphore_mem>>
        %dma_start3A = arith.constant 0 : i32
        %dma_start3A_24 = tpu.memref_slice %arg6[%add3A_22, %dma_start3A] : memref<20x128xi32, #tpu.memory_space<vmem>> -> memref<1x128xi32, #tpu.memory_space<vmem>>
        %dma_start3A_25 = tpu.memref_squeeze %dma_start3A_24 : memref<1x128xi32, #tpu.memory_space<vmem>> -> memref<128xi32, #tpu.memory_space<vmem>>
        %dma_start3A_26 = arith.constant 0 : i32
        %dma_start3A_27 = tpu.memref_slice %arg9[%dma_start3A_26] : memref<10240xf32, #tpu.memory_space<vmem_shared>> -> memref<10240xf32, #tpu.memory_space<vmem_shared>>
        tpu.enqueue_indirect_dma source(%arg7 : memref<128xf32, #tpu.memory_space<vmem>>) target(%dma_start3A_27 : memref<10240xf32, #tpu.memory_space<vmem_shared>>) offsets(%dma_start3A_25 : memref<128xi32, #tpu.memory_space<vmem>>) semaphore(%run_scoped3A_23 : memref<!tpu.dma_semaphore, #tpu.memory_space<semaphore_mem>>) {add = true}
        %dma_wait3A = arith.constant 0 : i32
        %dma_wait3A_28 = tpu.memref_slice %arg6[%add3A_22, %dma_wait3A] : memref<20x128xi32, #tpu.memory_space<vmem>> -> memref<1x128xi32, #tpu.memory_space<vmem>>
        %dma_wait3A_29 = tpu.memref_squeeze %dma_wait3A_28 : memref<1x128xi32, #tpu.memory_space<vmem>> -> memref<128xi32, #tpu.memory_space<vmem>>
        %dma_wait3A_30 = arith.constant 0 : i32
        %dma_wait3A_31 = tpu.memref_slice %arg9[%dma_wait3A_30] : memref<10240xf32, #tpu.memory_space<vmem_shared>> -> memref<10240xf32, #tpu.memory_space<vmem_shared>>
        tpu.wait_indirect_dma semaphore(%run_scoped3A_23 : memref<!tpu.dma_semaphore, #tpu.memory_space<semaphore_mem>>) src(%arg7 : memref<128xf32, #tpu.memory_space<vmem>>) dst(%dma_wait3A_31 : memref<10240xf32, #tpu.memory_space<vmem_shared>>)
        tpu.yield
      }) : () -> ()
    }
    %scan3A_12 = arith.constant 20 : i32
    %barrier3A_13 = arith.constant 0 : index
    tpu.barrier barrier_id(%barrier3A_13)
    %mul3A_14 = arith.constant 640 : i32
    %mul3A_15 = arith.muli %arg1, %mul3A_14 : i32
    "tpu.region"() ({
      %run_scoped3A_18 = tpu.sem_alloc : memref<!tpu.dma_semaphore, #tpu.memory_space<semaphore_mem>>
      %dma_start3A = tpu.memref_slice %arg9[%mul3A_15] : memref<10240xf32, #tpu.memory_space<vmem_shared>> -> memref<640xf32, #tpu.memory_space<vmem_shared>>
      %dma_start3A_19 = tpu.memref_slice %arg9[%mul3A_15] : memref<10240xf32, #tpu.memory_space<vmem_shared>> -> memref<640xf32, #tpu.memory_space<vmem_shared>>
      tpu.enqueue_dma source(%dma_start3A_19 : memref<640xf32, #tpu.memory_space<vmem_shared>>) target(%arg8 : memref<640xf32, #tpu.memory_space<vmem>>) target_semaphore(%run_scoped3A_18 : memref<!tpu.dma_semaphore, #tpu.memory_space<semaphore_mem>>)
      %dma_wait3A = tpu.memref_slice %arg9[%mul3A_15] : memref<10240xf32, #tpu.memory_space<vmem_shared>> -> memref<640xf32, #tpu.memory_space<vmem_shared>>
      %dma_wait3A_20 = tpu.memref_slice %arg9[%mul3A_15] : memref<10240xf32, #tpu.memory_space<vmem_shared>> -> memref<640xf32, #tpu.memory_space<vmem_shared>>
      tpu.wait_dma2 semaphore(%run_scoped3A_18 : memref<!tpu.dma_semaphore, #tpu.memory_space<semaphore_mem>>) src(%dma_wait3A_20 : memref<640xf32, #tpu.memory_space<vmem_shared>>) dst(%arg8 : memref<640xf32, #tpu.memory_space<vmem>>)
      tpu.yield
    }) : () -> ()
    %mul3A_16 = arith.constant 640 : i32
    %mul3A_17 = arith.muli %arg1, %mul3A_16 : i32
    "tpu.region"() ({
      %run_scoped3A_18 = tpu.sem_alloc : memref<!tpu.dma_semaphore, #tpu.memory_space<semaphore_mem>>
      %dma_start3A = arith.constant 0 : i32
      %dma_start3A_19 = tpu.memref_slice %arg5[%arg0, %dma_start3A] : memref<2x10240xf32, #tpu.memory_space<hbm>> -> memref<1x10240xf32, #tpu.memory_space<hbm>>
      %dma_start3A_20 = tpu.memref_squeeze %dma_start3A_19 : memref<1x10240xf32, #tpu.memory_space<hbm>> -> memref<10240xf32, #tpu.memory_space<hbm>>
      %dma_start3A_21 = tpu.memref_slice %dma_start3A_20[%mul3A_17] : memref<10240xf32, #tpu.memory_space<hbm>> -> memref<640xf32, #tpu.memory_space<hbm>>
      %dma_start3A_22 = arith.constant 0 : i32
      %dma_start3A_23 = tpu.memref_slice %arg5[%arg0, %dma_start3A_22] : memref<2x10240xf32, #tpu.memory_space<hbm>> -> memref<1x10240xf32, #tpu.memory_space<hbm>>
      %dma_start3A_24 = tpu.memref_squeeze %dma_start3A_23 : memref<1x10240xf32, #tpu.memory_space<hbm>> -> memref<10240xf32, #tpu.memory_space<hbm>>
      %dma_start3A_25 = tpu.memref_slice %dma_start3A_24[%mul3A_17] : memref<10240xf32, #tpu.memory_space<hbm>> -> memref<640xf32, #tpu.memory_space<hbm>>
      tpu.enqueue_dma source(%arg8 : memref<640xf32, #tpu.memory_space<vmem>>) target(%dma_start3A_25 : memref<640xf32, #tpu.memory_space<hbm>>) target_semaphore(%run_scoped3A_18 : memref<!tpu.dma_semaphore, #tpu.memory_space<semaphore_mem>>)
      %dma_wait3A = arith.constant 0 : i32
      %dma_wait3A_26 = tpu.memref_slice %arg5[%arg0, %dma_wait3A] : memref<2x10240xf32, #tpu.memory_space<hbm>> -> memref<1x10240xf32, #tpu.memory_space<hbm>>
      %dma_wait3A_27 = tpu.memref_squeeze %dma_wait3A_26 : memref<1x10240xf32, #tpu.memory_space<hbm>> -> memref<10240xf32, #tpu.memory_space<hbm>>
      %dma_wait3A_28 = tpu.memref_slice %dma_wait3A_27[%mul3A_17] : memref<10240xf32, #tpu.memory_space<hbm>> -> memref<640xf32, #tpu.memory_space<hbm>>
      %dma_wait3A_29 = arith.constant 0 : i32
      %dma_wait3A_30 = tpu.memref_slice %arg5[%arg0, %dma_wait3A_29] : memref<2x10240xf32, #tpu.memory_space<hbm>> -> memref<1x10240xf32, #tpu.memory_space<hbm>>
      %dma_wait3A_31 = tpu.memref_squeeze %dma_wait3A_30 : memref<1x10240xf32, #tpu.memory_space<hbm>> -> memref<10240xf32, #tpu.memory_space<hbm>>
      %dma_wait3A_32 = tpu.memref_slice %dma_wait3A_31[%mul3A_17] : memref<10240xf32, #tpu.memory_space<hbm>> -> memref<640xf32, #tpu.memory_space<hbm>>
      tpu.wait_dma2 semaphore(%run_scoped3A_18 : memref<!tpu.dma_semaphore, #tpu.memory_space<semaphore_mem>>) src(%arg8 : memref<640xf32, #tpu.memory_space<vmem>>) dst(%dma_wait3A_32 : memref<640xf32, #tpu.memory_space<hbm>>)
      tpu.yield
    }) : () -> ()
    return
  }
}

#map = affine_map<(d0, d1) -> (0, 0)>
#map1 = affine_map<(d0, d1) -> (0, 0, 0, 0)>
#map2 = affine_map<(d0, d1) -> (0, 0, 0)>
module attributes {stable_mosaic.version = 14 : i64} {
  func.func @_k3_body(%arg0: i32, %arg1: i32, %arg2: memref<10000x128xf32, #tpu.memory_space<hbm>>, %arg3: memref<10000x128xf32, #tpu.memory_space<hbm>>, %arg4: memref<2x16x40x128xi32, #tpu.memory_space<hbm>>, %arg5: memref<2x16x40x128xi32, #tpu.memory_space<hbm>>, %arg6: memref<128x128xf32, #tpu.memory_space<hbm>>, %arg7: memref<2x10240x128xf32, #tpu.memory_space<hbm>>, %arg8: memref<40x128xi32, #tpu.memory_space<vmem>>, %arg9: memref<40x128xi32, #tpu.memory_space<vmem>>, %arg10: memref<128x128xf32, #tpu.memory_space<vmem>>, %arg11: memref<128x128xf32, #tpu.memory_space<vmem>>, %arg12: memref<10240x128xf32, #tpu.memory_space<vmem_shared>>, %arg13: memref<!tpu.dma_semaphore, #tpu.memory_space<semaphore_mem>>, %arg14: memref<!tpu.dma_semaphore, #tpu.memory_space<semaphore_mem>>) attributes {dimension_semantics = [#tpu.dimension_semantics<core_parallel>, #tpu.dimension_semantics<subcore_parallel>], iteration_bounds = array<i64: 2, 16>, scalar_prefetch = 0 : i64, scratch_operands = 7 : i64, tpu.core_type = #tpu.core_type<sc_vector_subcore>, window_params = [{transform_indices = #map}, {transform_indices = #map}, {transform_indices = #map1}, {transform_indices = #map1}, {transform_indices = #map}, {transform_indices = #map2}]} {
    "tpu.region"() ({
      %run_scoped3A = tpu.sem_alloc : memref<!tpu.dma_semaphore, #tpu.memory_space<semaphore_mem>>
      tpu.enqueue_dma source(%arg6 : memref<128x128xf32, #tpu.memory_space<hbm>>) target(%arg10 : memref<128x128xf32, #tpu.memory_space<vmem>>) target_semaphore(%run_scoped3A : memref<!tpu.dma_semaphore, #tpu.memory_space<semaphore_mem>>)
      tpu.wait_dma2 semaphore(%run_scoped3A : memref<!tpu.dma_semaphore, #tpu.memory_space<semaphore_mem>>) src(%arg6 : memref<128x128xf32, #tpu.memory_space<hbm>>) dst(%arg10 : memref<128x128xf32, #tpu.memory_space<vmem>>)
      tpu.yield
    }) : () -> ()
    %mul3A = arith.constant 640 : i32
    %mul3A_0 = arith.muli %arg1, %mul3A : i32
    %add3A = arith.constant 0 : i32
    %add3A_1 = arith.addi %mul3A_0, %add3A : i32
    "tpu.region"() ({
      %run_scoped3A = tpu.sem_alloc : memref<!tpu.dma_semaphore, #tpu.memory_space<semaphore_mem>>
      %dma_start3A = arith.constant 0 : i32
      %dma_start3A_46 = tpu.memref_slice %arg12[%add3A_1, %dma_start3A] : memref<10240x128xf32, #tpu.memory_space<vmem_shared>> -> memref<128x128xf32, #tpu.memory_space<vmem_shared>>
      %dma_start3A_47 = arith.constant 0 : i32
      %dma_start3A_48 = tpu.memref_slice %arg12[%add3A_1, %dma_start3A_47] : memref<10240x128xf32, #tpu.memory_space<vmem_shared>> -> memref<128x128xf32, #tpu.memory_space<vmem_shared>>
      tpu.enqueue_dma source(%arg10 : memref<128x128xf32, #tpu.memory_space<vmem>>) target(%dma_start3A_48 : memref<128x128xf32, #tpu.memory_space<vmem_shared>>) target_semaphore(%run_scoped3A : memref<!tpu.dma_semaphore, #tpu.memory_space<semaphore_mem>>)
      %dma_wait3A = arith.constant 0 : i32
      %dma_wait3A_49 = tpu.memref_slice %arg12[%add3A_1, %dma_wait3A] : memref<10240x128xf32, #tpu.memory_space<vmem_shared>> -> memref<128x128xf32, #tpu.memory_space<vmem_shared>>
      %dma_wait3A_50 = arith.constant 0 : i32
      %dma_wait3A_51 = tpu.memref_slice %arg12[%add3A_1, %dma_wait3A_50] : memref<10240x128xf32, #tpu.memory_space<vmem_shared>> -> memref<128x128xf32, #tpu.memory_space<vmem_shared>>
      tpu.wait_dma2 semaphore(%run_scoped3A : memref<!tpu.dma_semaphore, #tpu.memory_space<semaphore_mem>>) src(%arg10 : memref<128x128xf32, #tpu.memory_space<vmem>>) dst(%dma_wait3A_51 : memref<128x128xf32, #tpu.memory_space<vmem_shared>>)
      tpu.yield
    }) : () -> ()
    %mul3A_2 = arith.constant 640 : i32
    %mul3A_3 = arith.muli %arg1, %mul3A_2 : i32
    %add3A_4 = arith.constant 128 : i32
    %add3A_5 = arith.addi %mul3A_3, %add3A_4 : i32
    "tpu.region"() ({
      %run_scoped3A = tpu.sem_alloc : memref<!tpu.dma_semaphore, #tpu.memory_space<semaphore_mem>>
      %dma_start3A = arith.constant 0 : i32
      %dma_start3A_46 = tpu.memref_slice %arg12[%add3A_5, %dma_start3A] : memref<10240x128xf32, #tpu.memory_space<vmem_shared>> -> memref<128x128xf32, #tpu.memory_space<vmem_shared>>
      %dma_start3A_47 = arith.constant 0 : i32
      %dma_start3A_48 = tpu.memref_slice %arg12[%add3A_5, %dma_start3A_47] : memref<10240x128xf32, #tpu.memory_space<vmem_shared>> -> memref<128x128xf32, #tpu.memory_space<vmem_shared>>
      tpu.enqueue_dma source(%arg10 : memref<128x128xf32, #tpu.memory_space<vmem>>) target(%dma_start3A_48 : memref<128x128xf32, #tpu.memory_space<vmem_shared>>) target_semaphore(%run_scoped3A : memref<!tpu.dma_semaphore, #tpu.memory_space<semaphore_mem>>)
      %dma_wait3A = arith.constant 0 : i32
      %dma_wait3A_49 = tpu.memref_slice %arg12[%add3A_5, %dma_wait3A] : memref<10240x128xf32, #tpu.memory_space<vmem_shared>> -> memref<128x128xf32, #tpu.memory_space<vmem_shared>>
      %dma_wait3A_50 = arith.constant 0 : i32
      %dma_wait3A_51 = tpu.memref_slice %arg12[%add3A_5, %dma_wait3A_50] : memref<10240x128xf32, #tpu.memory_space<vmem_shared>> -> memref<128x128xf32, #tpu.memory_space<vmem_shared>>
      tpu.wait_dma2 semaphore(%run_scoped3A : memref<!tpu.dma_semaphore, #tpu.memory_space<semaphore_mem>>) src(%arg10 : memref<128x128xf32, #tpu.memory_space<vmem>>) dst(%dma_wait3A_51 : memref<128x128xf32, #tpu.memory_space<vmem_shared>>)
      tpu.yield
    }) : () -> ()
    %mul3A_6 = arith.constant 640 : i32
    %mul3A_7 = arith.muli %arg1, %mul3A_6 : i32
    %add3A_8 = arith.constant 256 : i32
    %add3A_9 = arith.addi %mul3A_7, %add3A_8 : i32
    "tpu.region"() ({
      %run_scoped3A = tpu.sem_alloc : memref<!tpu.dma_semaphore, #tpu.memory_space<semaphore_mem>>
      %dma_start3A = arith.constant 0 : i32
      %dma_start3A_46 = tpu.memref_slice %arg12[%add3A_9, %dma_start3A] : memref<10240x128xf32, #tpu.memory_space<vmem_shared>> -> memref<128x128xf32, #tpu.memory_space<vmem_shared>>
      %dma_start3A_47 = arith.constant 0 : i32
      %dma_start3A_48 = tpu.memref_slice %arg12[%add3A_9, %dma_start3A_47] : memref<10240x128xf32, #tpu.memory_space<vmem_shared>> -> memref<128x128xf32, #tpu.memory_space<vmem_shared>>
      tpu.enqueue_dma source(%arg10 : memref<128x128xf32, #tpu.memory_space<vmem>>) target(%dma_start3A_48 : memref<128x128xf32, #tpu.memory_space<vmem_shared>>) target_semaphore(%run_scoped3A : memref<!tpu.dma_semaphore, #tpu.memory_space<semaphore_mem>>)
      %dma_wait3A = arith.constant 0 : i32
      %dma_wait3A_49 = tpu.memref_slice %arg12[%add3A_9, %dma_wait3A] : memref<10240x128xf32, #tpu.memory_space<vmem_shared>> -> memref<128x128xf32, #tpu.memory_space<vmem_shared>>
      %dma_wait3A_50 = arith.constant 0 : i32
      %dma_wait3A_51 = tpu.memref_slice %arg12[%add3A_9, %dma_wait3A_50] : memref<10240x128xf32, #tpu.memory_space<vmem_shared>> -> memref<128x128xf32, #tpu.memory_space<vmem_shared>>
      tpu.wait_dma2 semaphore(%run_scoped3A : memref<!tpu.dma_semaphore, #tpu.memory_space<semaphore_mem>>) src(%arg10 : memref<128x128xf32, #tpu.memory_space<vmem>>) dst(%dma_wait3A_51 : memref<128x128xf32, #tpu.memory_space<vmem_shared>>)
      tpu.yield
    }) : () -> ()
    %mul3A_10 = arith.constant 640 : i32
    %mul3A_11 = arith.muli %arg1, %mul3A_10 : i32
    %add3A_12 = arith.constant 384 : i32
    %add3A_13 = arith.addi %mul3A_11, %add3A_12 : i32
    "tpu.region"() ({
      %run_scoped3A = tpu.sem_alloc : memref<!tpu.dma_semaphore, #tpu.memory_space<semaphore_mem>>
      %dma_start3A = arith.constant 0 : i32
      %dma_start3A_46 = tpu.memref_slice %arg12[%add3A_13, %dma_start3A] : memref<10240x128xf32, #tpu.memory_space<vmem_shared>> -> memref<128x128xf32, #tpu.memory_space<vmem_shared>>
      %dma_start3A_47 = arith.constant 0 : i32
      %dma_start3A_48 = tpu.memref_slice %arg12[%add3A_13, %dma_start3A_47] : memref<10240x128xf32, #tpu.memory_space<vmem_shared>> -> memref<128x128xf32, #tpu.memory_space<vmem_shared>>
      tpu.enqueue_dma source(%arg10 : memref<128x128xf32, #tpu.memory_space<vmem>>) target(%dma_start3A_48 : memref<128x128xf32, #tpu.memory_space<vmem_shared>>) target_semaphore(%run_scoped3A : memref<!tpu.dma_semaphore, #tpu.memory_space<semaphore_mem>>)
      %dma_wait3A = arith.constant 0 : i32
      %dma_wait3A_49 = tpu.memref_slice %arg12[%add3A_13, %dma_wait3A] : memref<10240x128xf32, #tpu.memory_space<vmem_shared>> -> memref<128x128xf32, #tpu.memory_space<vmem_shared>>
      %dma_wait3A_50 = arith.constant 0 : i32
      %dma_wait3A_51 = tpu.memref_slice %arg12[%add3A_13, %dma_wait3A_50] : memref<10240x128xf32, #tpu.memory_space<vmem_shared>> -> memref<128x128xf32, #tpu.memory_space<vmem_shared>>
      tpu.wait_dma2 semaphore(%run_scoped3A : memref<!tpu.dma_semaphore, #tpu.memory_space<semaphore_mem>>) src(%arg10 : memref<128x128xf32, #tpu.memory_space<vmem>>) dst(%dma_wait3A_51 : memref<128x128xf32, #tpu.memory_space<vmem_shared>>)
      tpu.yield
    }) : () -> ()
    %mul3A_14 = arith.constant 640 : i32
    %mul3A_15 = arith.muli %arg1, %mul3A_14 : i32
    %add3A_16 = arith.constant 512 : i32
    %add3A_17 = arith.addi %mul3A_15, %add3A_16 : i32
    "tpu.region"() ({
      %run_scoped3A = tpu.sem_alloc : memref<!tpu.dma_semaphore, #tpu.memory_space<semaphore_mem>>
      %dma_start3A = arith.constant 0 : i32
      %dma_start3A_46 = tpu.memref_slice %arg12[%add3A_17, %dma_start3A] : memref<10240x128xf32, #tpu.memory_space<vmem_shared>> -> memref<128x128xf32, #tpu.memory_space<vmem_shared>>
      %dma_start3A_47 = arith.constant 0 : i32
      %dma_start3A_48 = tpu.memref_slice %arg12[%add3A_17, %dma_start3A_47] : memref<10240x128xf32, #tpu.memory_space<vmem_shared>> -> memref<128x128xf32, #tpu.memory_space<vmem_shared>>
      tpu.enqueue_dma source(%arg10 : memref<128x128xf32, #tpu.memory_space<vmem>>) target(%dma_start3A_48 : memref<128x128xf32, #tpu.memory_space<vmem_shared>>) target_semaphore(%run_scoped3A : memref<!tpu.dma_semaphore, #tpu.memory_space<semaphore_mem>>)
      %dma_wait3A = arith.constant 0 : i32
      %dma_wait3A_49 = tpu.memref_slice %arg12[%add3A_17, %dma_wait3A] : memref<10240x128xf32, #tpu.memory_space<vmem_shared>> -> memref<128x128xf32, #tpu.memory_space<vmem_shared>>
      %dma_wait3A_50 = arith.constant 0 : i32
      %dma_wait3A_51 = tpu.memref_slice %arg12[%add3A_17, %dma_wait3A_50] : memref<10240x128xf32, #tpu.memory_space<vmem_shared>> -> memref<128x128xf32, #tpu.memory_space<vmem_shared>>
      tpu.wait_dma2 semaphore(%run_scoped3A : memref<!tpu.dma_semaphore, #tpu.memory_space<semaphore_mem>>) src(%arg10 : memref<128x128xf32, #tpu.memory_space<vmem>>) dst(%dma_wait3A_51 : memref<128x128xf32, #tpu.memory_space<vmem_shared>>)
      tpu.yield
    }) : () -> ()
    %barrier3A = arith.constant 0 : index
    tpu.barrier barrier_id(%barrier3A)
    %eq3A = arith.constant 0 : i32
    %eq3A_18 = arith.cmpi eq, %arg0, %eq3A : i32
    %convert_element_type3A = arith.extui %eq3A_18 : i1 to i32
    %cond3A = arith.constant 0 : i32
    %cond3A_19 = arith.cmpi ne, %convert_element_type3A, %cond3A : i32
    scf.if %cond3A_19 {
      %run_scoped3A = arith.constant 0 : i32
      "tpu.region"() ({
        %run_scoped3A_71 = tpu.sem_alloc : memref<!tpu.dma_semaphore, #tpu.memory_space<semaphore_mem>>
        %dma_start3A_72 = arith.constant 0 : i32
        %dma_start3A_73 = arith.constant 0 : i32
        %dma_start3A_74 = arith.constant 0 : i32
        %dma_start3A_75 = tpu.memref_slice %arg4[%run_scoped3A, %dma_start3A_72, %dma_start3A_73, %dma_start3A_74] : memref<2x16x40x128xi32, #tpu.memory_space<hbm>> -> memref<1x16x40x128xi32, #tpu.memory_space<hbm>>
        %dma_start3A_76 = tpu.memref_squeeze %dma_start3A_75 : memref<1x16x40x128xi32, #tpu.memory_space<hbm>> -> memref<16x40x128xi32, #tpu.memory_space<hbm>>
        %dma_start3A_77 = arith.constant 0 : i32
        %dma_start3A_78 = arith.constant 0 : i32
        %dma_start3A_79 = tpu.memref_slice %dma_start3A_76[%arg1, %dma_start3A_77, %dma_start3A_78] : memref<16x40x128xi32, #tpu.memory_space<hbm>> -> memref<1x40x128xi32, #tpu.memory_space<hbm>>
        %dma_start3A_80 = tpu.memref_squeeze %dma_start3A_79 : memref<1x40x128xi32, #tpu.memory_space<hbm>> -> memref<40x128xi32, #tpu.memory_space<hbm>>
        %dma_start3A_81 = arith.constant 0 : i32
        %dma_start3A_82 = arith.constant 0 : i32
        %dma_start3A_83 = arith.constant 0 : i32
        %dma_start3A_84 = tpu.memref_slice %arg4[%run_scoped3A, %dma_start3A_81, %dma_start3A_82, %dma_start3A_83] : memref<2x16x40x128xi32, #tpu.memory_space<hbm>> -> memref<1x16x40x128xi32, #tpu.memory_space<hbm>>
        %dma_start3A_85 = tpu.memref_squeeze %dma_start3A_84 : memref<1x16x40x128xi32, #tpu.memory_space<hbm>> -> memref<16x40x128xi32, #tpu.memory_space<hbm>>
        %dma_start3A_86 = arith.constant 0 : i32
        %dma_start3A_87 = arith.constant 0 : i32
        %dma_start3A_88 = tpu.memref_slice %dma_start3A_85[%arg1, %dma_start3A_86, %dma_start3A_87] : memref<16x40x128xi32, #tpu.memory_space<hbm>> -> memref<1x40x128xi32, #tpu.memory_space<hbm>>
        %dma_start3A_89 = tpu.memref_squeeze %dma_start3A_88 : memref<1x40x128xi32, #tpu.memory_space<hbm>> -> memref<40x128xi32, #tpu.memory_space<hbm>>
        tpu.enqueue_dma source(%dma_start3A_89 : memref<40x128xi32, #tpu.memory_space<hbm>>) target(%arg8 : memref<40x128xi32, #tpu.memory_space<vmem>>) target_semaphore(%run_scoped3A_71 : memref<!tpu.dma_semaphore, #tpu.memory_space<semaphore_mem>>)
        %dma_wait3A = arith.constant 0 : i32
        %dma_wait3A_90 = arith.constant 0 : i32
        %dma_wait3A_91 = arith.constant 0 : i32
        %dma_wait3A_92 = tpu.memref_slice %arg4[%run_scoped3A, %dma_wait3A, %dma_wait3A_90, %dma_wait3A_91] : memref<2x16x40x128xi32, #tpu.memory_space<hbm>> -> memref<1x16x40x128xi32, #tpu.memory_space<hbm>>
        %dma_wait3A_93 = tpu.memref_squeeze %dma_wait3A_92 : memref<1x16x40x128xi32, #tpu.memory_space<hbm>> -> memref<16x40x128xi32, #tpu.memory_space<hbm>>
        %dma_wait3A_94 = arith.constant 0 : i32
        %dma_wait3A_95 = arith.constant 0 : i32
        %dma_wait3A_96 = tpu.memref_slice %dma_wait3A_93[%arg1, %dma_wait3A_94, %dma_wait3A_95] : memref<16x40x128xi32, #tpu.memory_space<hbm>> -> memref<1x40x128xi32, #tpu.memory_space<hbm>>
        %dma_wait3A_97 = tpu.memref_squeeze %dma_wait3A_96 : memref<1x40x128xi32, #tpu.memory_space<hbm>> -> memref<40x128xi32, #tpu.memory_space<hbm>>
        %dma_wait3A_98 = arith.constant 0 : i32
        %dma_wait3A_99 = arith.constant 0 : i32
        %dma_wait3A_100 = arith.constant 0 : i32
        %dma_wait3A_101 = tpu.memref_slice %arg4[%run_scoped3A, %dma_wait3A_98, %dma_wait3A_99, %dma_wait3A_100] : memref<2x16x40x128xi32, #tpu.memory_space<hbm>> -> memref<1x16x40x128xi32, #tpu.memory_space<hbm>>
        %dma_wait3A_102 = tpu.memref_squeeze %dma_wait3A_101 : memref<1x16x40x128xi32, #tpu.memory_space<hbm>> -> memref<16x40x128xi32, #tpu.memory_space<hbm>>
        %dma_wait3A_103 = arith.constant 0 : i32
        %dma_wait3A_104 = arith.constant 0 : i32
        %dma_wait3A_105 = tpu.memref_slice %dma_wait3A_102[%arg1, %dma_wait3A_103, %dma_wait3A_104] : memref<16x40x128xi32, #tpu.memory_space<hbm>> -> memref<1x40x128xi32, #tpu.memory_space<hbm>>
        %dma_wait3A_106 = tpu.memref_squeeze %dma_wait3A_105 : memref<1x40x128xi32, #tpu.memory_space<hbm>> -> memref<40x128xi32, #tpu.memory_space<hbm>>
        tpu.wait_dma2 semaphore(%run_scoped3A_71 : memref<!tpu.dma_semaphore, #tpu.memory_space<semaphore_mem>>) src(%dma_wait3A_106 : memref<40x128xi32, #tpu.memory_space<hbm>>) dst(%arg8 : memref<40x128xi32, #tpu.memory_space<vmem>>)
        tpu.yield
      }) : () -> ()
      %run_scoped3A_46 = arith.constant 0 : i32
      "tpu.region"() ({
        %run_scoped3A_71 = tpu.sem_alloc : memref<!tpu.dma_semaphore, #tpu.memory_space<semaphore_mem>>
        %dma_start3A_72 = arith.constant 0 : i32
        %dma_start3A_73 = arith.constant 0 : i32
        %dma_start3A_74 = arith.constant 0 : i32
        %dma_start3A_75 = tpu.memref_slice %arg5[%run_scoped3A_46, %dma_start3A_72, %dma_start3A_73, %dma_start3A_74] : memref<2x16x40x128xi32, #tpu.memory_space<hbm>> -> memref<1x16x40x128xi32, #tpu.memory_space<hbm>>
        %dma_start3A_76 = tpu.memref_squeeze %dma_start3A_75 : memref<1x16x40x128xi32, #tpu.memory_space<hbm>> -> memref<16x40x128xi32, #tpu.memory_space<hbm>>
        %dma_start3A_77 = arith.constant 0 : i32
        %dma_start3A_78 = arith.constant 0 : i32
        %dma_start3A_79 = tpu.memref_slice %dma_start3A_76[%arg1, %dma_start3A_77, %dma_start3A_78] : memref<16x40x128xi32, #tpu.memory_space<hbm>> -> memref<1x40x128xi32, #tpu.memory_space<hbm>>
        %dma_start3A_80 = tpu.memref_squeeze %dma_start3A_79 : memref<1x40x128xi32, #tpu.memory_space<hbm>> -> memref<40x128xi32, #tpu.memory_space<hbm>>
        %dma_start3A_81 = arith.constant 0 : i32
        %dma_start3A_82 = arith.constant 0 : i32
        %dma_start3A_83 = arith.constant 0 : i32
        %dma_start3A_84 = tpu.memref_slice %arg5[%run_scoped3A_46, %dma_start3A_81, %dma_start3A_82, %dma_start3A_83] : memref<2x16x40x128xi32, #tpu.memory_space<hbm>> -> memref<1x16x40x128xi32, #tpu.memory_space<hbm>>
        %dma_start3A_85 = tpu.memref_squeeze %dma_start3A_84 : memref<1x16x40x128xi32, #tpu.memory_space<hbm>> -> memref<16x40x128xi32, #tpu.memory_space<hbm>>
        %dma_start3A_86 = arith.constant 0 : i32
        %dma_start3A_87 = arith.constant 0 : i32
        %dma_start3A_88 = tpu.memref_slice %dma_start3A_85[%arg1, %dma_start3A_86, %dma_start3A_87] : memref<16x40x128xi32, #tpu.memory_space<hbm>> -> memref<1x40x128xi32, #tpu.memory_space<hbm>>
        %dma_start3A_89 = tpu.memref_squeeze %dma_start3A_88 : memref<1x40x128xi32, #tpu.memory_space<hbm>> -> memref<40x128xi32, #tpu.memory_space<hbm>>
        tpu.enqueue_dma source(%dma_start3A_89 : memref<40x128xi32, #tpu.memory_space<hbm>>) target(%arg9 : memref<40x128xi32, #tpu.memory_space<vmem>>) target_semaphore(%run_scoped3A_71 : memref<!tpu.dma_semaphore, #tpu.memory_space<semaphore_mem>>)
        %dma_wait3A = arith.constant 0 : i32
        %dma_wait3A_90 = arith.constant 0 : i32
        %dma_wait3A_91 = arith.constant 0 : i32
        %dma_wait3A_92 = tpu.memref_slice %arg5[%run_scoped3A_46, %dma_wait3A, %dma_wait3A_90, %dma_wait3A_91] : memref<2x16x40x128xi32, #tpu.memory_space<hbm>> -> memref<1x16x40x128xi32, #tpu.memory_space<hbm>>
        %dma_wait3A_93 = tpu.memref_squeeze %dma_wait3A_92 : memref<1x16x40x128xi32, #tpu.memory_space<hbm>> -> memref<16x40x128xi32, #tpu.memory_space<hbm>>
        %dma_wait3A_94 = arith.constant 0 : i32
        %dma_wait3A_95 = arith.constant 0 : i32
        %dma_wait3A_96 = tpu.memref_slice %dma_wait3A_93[%arg1, %dma_wait3A_94, %dma_wait3A_95] : memref<16x40x128xi32, #tpu.memory_space<hbm>> -> memref<1x40x128xi32, #tpu.memory_space<hbm>>
        %dma_wait3A_97 = tpu.memref_squeeze %dma_wait3A_96 : memref<1x40x128xi32, #tpu.memory_space<hbm>> -> memref<40x128xi32, #tpu.memory_space<hbm>>
        %dma_wait3A_98 = arith.constant 0 : i32
        %dma_wait3A_99 = arith.constant 0 : i32
        %dma_wait3A_100 = arith.constant 0 : i32
        %dma_wait3A_101 = tpu.memref_slice %arg5[%run_scoped3A_46, %dma_wait3A_98, %dma_wait3A_99, %dma_wait3A_100] : memref<2x16x40x128xi32, #tpu.memory_space<hbm>> -> memref<1x16x40x128xi32, #tpu.memory_space<hbm>>
        %dma_wait3A_102 = tpu.memref_squeeze %dma_wait3A_101 : memref<1x16x40x128xi32, #tpu.memory_space<hbm>> -> memref<16x40x128xi32, #tpu.memory_space<hbm>>
        %dma_wait3A_103 = arith.constant 0 : i32
        %dma_wait3A_104 = arith.constant 0 : i32
        %dma_wait3A_105 = tpu.memref_slice %dma_wait3A_102[%arg1, %dma_wait3A_103, %dma_wait3A_104] : memref<16x40x128xi32, #tpu.memory_space<hbm>> -> memref<1x40x128xi32, #tpu.memory_space<hbm>>
        %dma_wait3A_106 = tpu.memref_squeeze %dma_wait3A_105 : memref<1x40x128xi32, #tpu.memory_space<hbm>> -> memref<40x128xi32, #tpu.memory_space<hbm>>
        tpu.wait_dma2 semaphore(%run_scoped3A_71 : memref<!tpu.dma_semaphore, #tpu.memory_space<semaphore_mem>>) src(%dma_wait3A_106 : memref<40x128xi32, #tpu.memory_space<hbm>>) dst(%arg9 : memref<40x128xi32, #tpu.memory_space<vmem>>)
        tpu.yield
      }) : () -> ()
      %dma_start3A = arith.constant 0 : i32
      %dma_start3A_47 = arith.constant 0 : i32
      %dma_start3A_48 = tpu.memref_slice %arg8[%dma_start3A, %dma_start3A_47] : memref<40x128xi32, #tpu.memory_space<vmem>> -> memref<1x128xi32, #tpu.memory_space<vmem>>
      %dma_start3A_49 = tpu.memref_squeeze %dma_start3A_48 : memref<1x128xi32, #tpu.memory_space<vmem>> -> memref<128xi32, #tpu.memory_space<vmem>>
      %dma_start3A_50 = arith.constant 0 : i32
      %dma_start3A_51 = arith.constant 0 : i32
      %dma_start3A_52 = tpu.memref_slice %arg2[%dma_start3A_50, %dma_start3A_51] : memref<10000x128xf32, #tpu.memory_space<hbm>> -> memref<10000x128xf32, #tpu.memory_space<hbm>>
      tpu.enqueue_indirect_dma source(%dma_start3A_52 : memref<10000x128xf32, #tpu.memory_space<hbm>>) target(%arg10 : memref<128x128xf32, #tpu.memory_space<vmem>>) offsets(%dma_start3A_49 : memref<128xi32, #tpu.memory_space<vmem>>) semaphore(%arg13 : memref<!tpu.dma_semaphore, #tpu.memory_space<semaphore_mem>>)
      %scan3A = arith.constant 0 : i32
      %scan3A_53 = arith.constant 20 : i32
      %scan3A_54 = arith.addi %scan3A, %scan3A_53 : i32
      %scan3A_55 = arith.constant 1 : i32
      scf.for %scan3A_71 = %scan3A to %scan3A_54 step %scan3A_55  : i32 {
        %mul3A_72 = arith.constant 2 : i32
        %mul3A_73 = arith.muli %scan3A_71, %mul3A_72 : i32
        %add3A_74 = arith.constant 0 : i32
        %add3A_75 = arith.addi %add3A_74, %mul3A_73 : i32
        %dma_wait3A = arith.constant 0 : i32
        %dma_wait3A_76 = tpu.memref_slice %arg8[%add3A_75, %dma_wait3A] : memref<40x128xi32, #tpu.memory_space<vmem>> -> memref<1x128xi32, #tpu.memory_space<vmem>>
        %dma_wait3A_77 = tpu.memref_squeeze %dma_wait3A_76 : memref<1x128xi32, #tpu.memory_space<vmem>> -> memref<128xi32, #tpu.memory_space<vmem>>
        %dma_wait3A_78 = arith.constant 0 : i32
        %dma_wait3A_79 = arith.constant 0 : i32
        %dma_wait3A_80 = tpu.memref_slice %arg2[%dma_wait3A_78, %dma_wait3A_79] : memref<10000x128xf32, #tpu.memory_space<hbm>> -> memref<10000x128xf32, #tpu.memory_space<hbm>>
        tpu.wait_indirect_dma semaphore(%arg13 : memref<!tpu.dma_semaphore, #tpu.memory_space<semaphore_mem>>) src(%dma_wait3A_80 : memref<10000x128xf32, #tpu.memory_space<hbm>>) dst(%arg10 : memref<128x128xf32, #tpu.memory_space<vmem>>)
        %add3A_81 = arith.constant 1 : i32
        %add3A_82 = arith.addi %add3A_75, %add3A_81 : i32
        %dma_start3A_83 = arith.constant 0 : i32
        %dma_start3A_84 = tpu.memref_slice %arg8[%add3A_82, %dma_start3A_83] : memref<40x128xi32, #tpu.memory_space<vmem>> -> memref<1x128xi32, #tpu.memory_space<vmem>>
        %dma_start3A_85 = tpu.memref_squeeze %dma_start3A_84 : memref<1x128xi32, #tpu.memory_space<vmem>> -> memref<128xi32, #tpu.memory_space<vmem>>
        %dma_start3A_86 = arith.constant 0 : i32
        %dma_start3A_87 = arith.constant 0 : i32
        %dma_start3A_88 = tpu.memref_slice %arg2[%dma_start3A_86, %dma_start3A_87] : memref<10000x128xf32, #tpu.memory_space<hbm>> -> memref<10000x128xf32, #tpu.memory_space<hbm>>
        tpu.enqueue_indirect_dma source(%dma_start3A_88 : memref<10000x128xf32, #tpu.memory_space<hbm>>) target(%arg11 : memref<128x128xf32, #tpu.memory_space<vmem>>) offsets(%dma_start3A_85 : memref<128xi32, #tpu.memory_space<vmem>>) semaphore(%arg14 : memref<!tpu.dma_semaphore, #tpu.memory_space<semaphore_mem>>)
        "tpu.region"() ({
          %run_scoped3A_105 = tpu.sem_alloc : memref<!tpu.dma_semaphore, #tpu.memory_space<semaphore_mem>>
          %dma_start3A_106 = arith.constant 0 : i32
          %dma_start3A_107 = tpu.memref_slice %arg9[%add3A_75, %dma_start3A_106] : memref<40x128xi32, #tpu.memory_space<vmem>> -> memref<1x128xi32, #tpu.memory_space<vmem>>
          %dma_start3A_108 = tpu.memref_squeeze %dma_start3A_107 : memref<1x128xi32, #tpu.memory_space<vmem>> -> memref<128xi32, #tpu.memory_space<vmem>>
          %dma_start3A_109 = arith.constant 0 : i32
          %dma_start3A_110 = arith.constant 0 : i32
          %dma_start3A_111 = tpu.memref_slice %arg12[%dma_start3A_109, %dma_start3A_110] : memref<10240x128xf32, #tpu.memory_space<vmem_shared>> -> memref<10240x128xf32, #tpu.memory_space<vmem_shared>>
          tpu.enqueue_indirect_dma source(%arg10 : memref<128x128xf32, #tpu.memory_space<vmem>>) target(%dma_start3A_111 : memref<10240x128xf32, #tpu.memory_space<vmem_shared>>) offsets(%dma_start3A_108 : memref<128xi32, #tpu.memory_space<vmem>>) semaphore(%run_scoped3A_105 : memref<!tpu.dma_semaphore, #tpu.memory_space<semaphore_mem>>) {add = true}
          %dma_wait3A_112 = arith.constant 0 : i32
          %dma_wait3A_113 = tpu.memref_slice %arg9[%add3A_75, %dma_wait3A_112] : memref<40x128xi32, #tpu.memory_space<vmem>> -> memref<1x128xi32, #tpu.memory_space<vmem>>
          %dma_wait3A_114 = tpu.memref_squeeze %dma_wait3A_113 : memref<1x128xi32, #tpu.memory_space<vmem>> -> memref<128xi32, #tpu.memory_space<vmem>>
          %dma_wait3A_115 = arith.constant 0 : i32
          %dma_wait3A_116 = arith.constant 0 : i32
          %dma_wait3A_117 = tpu.memref_slice %arg12[%dma_wait3A_115, %dma_wait3A_116] : memref<10240x128xf32, #tpu.memory_space<vmem_shared>> -> memref<10240x128xf32, #tpu.memory_space<vmem_shared>>
          tpu.wait_indirect_dma semaphore(%run_scoped3A_105 : memref<!tpu.dma_semaphore, #tpu.memory_space<semaphore_mem>>) src(%arg10 : memref<128x128xf32, #tpu.memory_space<vmem>>) dst(%dma_wait3A_117 : memref<10240x128xf32, #tpu.memory_space<vmem_shared>>)
          tpu.yield
        }) : () -> ()
        %add3A_89 = arith.constant 1 : i32
        %add3A_90 = arith.addi %add3A_75, %add3A_89 : i32
        %dma_wait3A_91 = arith.constant 0 : i32
        %dma_wait3A_92 = tpu.memref_slice %arg8[%add3A_90, %dma_wait3A_91] : memref<40x128xi32, #tpu.memory_space<vmem>> -> memref<1x128xi32, #tpu.memory_space<vmem>>
        %dma_wait3A_93 = tpu.memref_squeeze %dma_wait3A_92 : memref<1x128xi32, #tpu.memory_space<vmem>> -> memref<128xi32, #tpu.memory_space<vmem>>
        %dma_wait3A_94 = arith.constant 0 : i32
        %dma_wait3A_95 = arith.constant 0 : i32
        %dma_wait3A_96 = tpu.memref_slice %arg2[%dma_wait3A_94, %dma_wait3A_95] : memref<10000x128xf32, #tpu.memory_space<hbm>> -> memref<10000x128xf32, #tpu.memory_space<hbm>>
        tpu.wait_indirect_dma semaphore(%arg14 : memref<!tpu.dma_semaphore, #tpu.memory_space<semaphore_mem>>) src(%dma_wait3A_96 : memref<10000x128xf32, #tpu.memory_space<hbm>>) dst(%arg11 : memref<128x128xf32, #tpu.memory_space<vmem>>)
        %add3A_97 = arith.constant 2 : i32
        %add3A_98 = arith.addi %add3A_75, %add3A_97 : i32
        %lt3A = arith.constant 40 : i32
        %lt3A_99 = arith.cmpi slt, %add3A_98, %lt3A : i32
        %convert_element_type3A_100 = arith.extui %lt3A_99 : i1 to i32
        %cond3A_101 = arith.constant 0 : i32
        %cond3A_102 = arith.cmpi ne, %convert_element_type3A_100, %cond3A_101 : i32
        scf.if %cond3A_102 {
          %add3A_105 = arith.constant 2 : i32
          %add3A_106 = arith.addi %add3A_75, %add3A_105 : i32
          %dma_start3A_107 = arith.constant 0 : i32
          %dma_start3A_108 = tpu.memref_slice %arg8[%add3A_106, %dma_start3A_107] : memref<40x128xi32, #tpu.memory_space<vmem>> -> memref<1x128xi32, #tpu.memory_space<vmem>>
          %dma_start3A_109 = tpu.memref_squeeze %dma_start3A_108 : memref<1x128xi32, #tpu.memory_space<vmem>> -> memref<128xi32, #tpu.memory_space<vmem>>
          %dma_start3A_110 = arith.constant 0 : i32
          %dma_start3A_111 = arith.constant 0 : i32
          %dma_start3A_112 = tpu.memref_slice %arg2[%dma_start3A_110, %dma_start3A_111] : memref<10000x128xf32, #tpu.memory_space<hbm>> -> memref<10000x128xf32, #tpu.memory_space<hbm>>
          tpu.enqueue_indirect_dma source(%dma_start3A_112 : memref<10000x128xf32, #tpu.memory_space<hbm>>) target(%arg10 : memref<128x128xf32, #tpu.memory_space<vmem>>) offsets(%dma_start3A_109 : memref<128xi32, #tpu.memory_space<vmem>>) semaphore(%arg13 : memref<!tpu.dma_semaphore, #tpu.memory_space<semaphore_mem>>)
        } else {
        }
        %add3A_103 = arith.constant 1 : i32
        %add3A_104 = arith.addi %add3A_75, %add3A_103 : i32
        "tpu.region"() ({
          %run_scoped3A_105 = tpu.sem_alloc : memref<!tpu.dma_semaphore, #tpu.memory_space<semaphore_mem>>
          %dma_start3A_106 = arith.constant 0 : i32
          %dma_start3A_107 = tpu.memref_slice %arg9[%add3A_104, %dma_start3A_106] : memref<40x128xi32, #tpu.memory_space<vmem>> -> memref<1x128xi32, #tpu.memory_space<vmem>>
          %dma_start3A_108 = tpu.memref_squeeze %dma_start3A_107 : memref<1x128xi32, #tpu.memory_space<vmem>> -> memref<128xi32, #tpu.memory_space<vmem>>
          %dma_start3A_109 = arith.constant 0 : i32
          %dma_start3A_110 = arith.constant 0 : i32
          %dma_start3A_111 = tpu.memref_slice %arg12[%dma_start3A_109, %dma_start3A_110] : memref<10240x128xf32, #tpu.memory_space<vmem_shared>> -> memref<10240x128xf32, #tpu.memory_space<vmem_shared>>
          tpu.enqueue_indirect_dma source(%arg11 : memref<128x128xf32, #tpu.memory_space<vmem>>) target(%dma_start3A_111 : memref<10240x128xf32, #tpu.memory_space<vmem_shared>>) offsets(%dma_start3A_108 : memref<128xi32, #tpu.memory_space<vmem>>) semaphore(%run_scoped3A_105 : memref<!tpu.dma_semaphore, #tpu.memory_space<semaphore_mem>>) {add = true}
          %dma_wait3A_112 = arith.constant 0 : i32
          %dma_wait3A_113 = tpu.memref_slice %arg9[%add3A_104, %dma_wait3A_112] : memref<40x128xi32, #tpu.memory_space<vmem>> -> memref<1x128xi32, #tpu.memory_space<vmem>>
          %dma_wait3A_114 = tpu.memref_squeeze %dma_wait3A_113 : memref<1x128xi32, #tpu.memory_space<vmem>> -> memref<128xi32, #tpu.memory_space<vmem>>
          %dma_wait3A_115 = arith.constant 0 : i32
          %dma_wait3A_116 = arith.constant 0 : i32
          %dma_wait3A_117 = tpu.memref_slice %arg12[%dma_wait3A_115, %dma_wait3A_116] : memref<10240x128xf32, #tpu.memory_space<vmem_shared>> -> memref<10240x128xf32, #tpu.memory_space<vmem_shared>>
          tpu.wait_indirect_dma semaphore(%run_scoped3A_105 : memref<!tpu.dma_semaphore, #tpu.memory_space<semaphore_mem>>) src(%arg11 : memref<128x128xf32, #tpu.memory_space<vmem>>) dst(%dma_wait3A_117 : memref<10240x128xf32, #tpu.memory_space<vmem_shared>>)
          tpu.yield
        }) : () -> ()
      }
      %scan3A_56 = arith.constant 20 : i32
      %run_scoped3A_57 = arith.constant 1 : i32
      "tpu.region"() ({
        %run_scoped3A_71 = tpu.sem_alloc : memref<!tpu.dma_semaphore, #tpu.memory_space<semaphore_mem>>
        %dma_start3A_72 = arith.constant 0 : i32
        %dma_start3A_73 = arith.constant 0 : i32
        %dma_start3A_74 = arith.constant 0 : i32
        %dma_start3A_75 = tpu.memref_slice %arg4[%run_scoped3A_57, %dma_start3A_72, %dma_start3A_73, %dma_start3A_74] : memref<2x16x40x128xi32, #tpu.memory_space<hbm>> -> memref<1x16x40x128xi32, #tpu.memory_space<hbm>>
        %dma_start3A_76 = tpu.memref_squeeze %dma_start3A_75 : memref<1x16x40x128xi32, #tpu.memory_space<hbm>> -> memref<16x40x128xi32, #tpu.memory_space<hbm>>
        %dma_start3A_77 = arith.constant 0 : i32
        %dma_start3A_78 = arith.constant 0 : i32
        %dma_start3A_79 = tpu.memref_slice %dma_start3A_76[%arg1, %dma_start3A_77, %dma_start3A_78] : memref<16x40x128xi32, #tpu.memory_space<hbm>> -> memref<1x40x128xi32, #tpu.memory_space<hbm>>
        %dma_start3A_80 = tpu.memref_squeeze %dma_start3A_79 : memref<1x40x128xi32, #tpu.memory_space<hbm>> -> memref<40x128xi32, #tpu.memory_space<hbm>>
        %dma_start3A_81 = arith.constant 0 : i32
        %dma_start3A_82 = arith.constant 0 : i32
        %dma_start3A_83 = arith.constant 0 : i32
        %dma_start3A_84 = tpu.memref_slice %arg4[%run_scoped3A_57, %dma_start3A_81, %dma_start3A_82, %dma_start3A_83] : memref<2x16x40x128xi32, #tpu.memory_space<hbm>> -> memref<1x16x40x128xi32, #tpu.memory_space<hbm>>
        %dma_start3A_85 = tpu.memref_squeeze %dma_start3A_84 : memref<1x16x40x128xi32, #tpu.memory_space<hbm>> -> memref<16x40x128xi32, #tpu.memory_space<hbm>>
        %dma_start3A_86 = arith.constant 0 : i32
        %dma_start3A_87 = arith.constant 0 : i32
        %dma_start3A_88 = tpu.memref_slice %dma_start3A_85[%arg1, %dma_start3A_86, %dma_start3A_87] : memref<16x40x128xi32, #tpu.memory_space<hbm>> -> memref<1x40x128xi32, #tpu.memory_space<hbm>>
        %dma_start3A_89 = tpu.memref_squeeze %dma_start3A_88 : memref<1x40x128xi32, #tpu.memory_space<hbm>> -> memref<40x128xi32, #tpu.memory_space<hbm>>
        tpu.enqueue_dma source(%dma_start3A_89 : memref<40x128xi32, #tpu.memory_space<hbm>>) target(%arg8 : memref<40x128xi32, #tpu.memory_space<vmem>>) target_semaphore(%run_scoped3A_71 : memref<!tpu.dma_semaphore, #tpu.memory_space<semaphore_mem>>)
        %dma_wait3A = arith.constant 0 : i32
        %dma_wait3A_90 = arith.constant 0 : i32
        %dma_wait3A_91 = arith.constant 0 : i32
        %dma_wait3A_92 = tpu.memref_slice %arg4[%run_scoped3A_57, %dma_wait3A, %dma_wait3A_90, %dma_wait3A_91] : memref<2x16x40x128xi32, #tpu.memory_space<hbm>> -> memref<1x16x40x128xi32, #tpu.memory_space<hbm>>
        %dma_wait3A_93 = tpu.memref_squeeze %dma_wait3A_92 : memref<1x16x40x128xi32, #tpu.memory_space<hbm>> -> memref<16x40x128xi32, #tpu.memory_space<hbm>>
        %dma_wait3A_94 = arith.constant 0 : i32
        %dma_wait3A_95 = arith.constant 0 : i32
        %dma_wait3A_96 = tpu.memref_slice %dma_wait3A_93[%arg1, %dma_wait3A_94, %dma_wait3A_95] : memref<16x40x128xi32, #tpu.memory_space<hbm>> -> memref<1x40x128xi32, #tpu.memory_space<hbm>>
        %dma_wait3A_97 = tpu.memref_squeeze %dma_wait3A_96 : memref<1x40x128xi32, #tpu.memory_space<hbm>> -> memref<40x128xi32, #tpu.memory_space<hbm>>
        %dma_wait3A_98 = arith.constant 0 : i32
        %dma_wait3A_99 = arith.constant 0 : i32
        %dma_wait3A_100 = arith.constant 0 : i32
        %dma_wait3A_101 = tpu.memref_slice %arg4[%run_scoped3A_57, %dma_wait3A_98, %dma_wait3A_99, %dma_wait3A_100] : memref<2x16x40x128xi32, #tpu.memory_space<hbm>> -> memref<1x16x40x128xi32, #tpu.memory_space<hbm>>
        %dma_wait3A_102 = tpu.memref_squeeze %dma_wait3A_101 : memref<1x16x40x128xi32, #tpu.memory_space<hbm>> -> memref<16x40x128xi32, #tpu.memory_space<hbm>>
        %dma_wait3A_103 = arith.constant 0 : i32
        %dma_wait3A_104 = arith.constant 0 : i32
        %dma_wait3A_105 = tpu.memref_slice %dma_wait3A_102[%arg1, %dma_wait3A_103, %dma_wait3A_104] : memref<16x40x128xi32, #tpu.memory_space<hbm>> -> memref<1x40x128xi32, #tpu.memory_space<hbm>>
        %dma_wait3A_106 = tpu.memref_squeeze %dma_wait3A_105 : memref<1x40x128xi32, #tpu.memory_space<hbm>> -> memref<40x128xi32, #tpu.memory_space<hbm>>
        tpu.wait_dma2 semaphore(%run_scoped3A_71 : memref<!tpu.dma_semaphore, #tpu.memory_space<semaphore_mem>>) src(%dma_wait3A_106 : memref<40x128xi32, #tpu.memory_space<hbm>>) dst(%arg8 : memref<40x128xi32, #tpu.memory_space<vmem>>)
        tpu.yield
      }) : () -> ()
      %run_scoped3A_58 = arith.constant 1 : i32
      "tpu.region"() ({
        %run_scoped3A_71 = tpu.sem_alloc : memref<!tpu.dma_semaphore, #tpu.memory_space<semaphore_mem>>
        %dma_start3A_72 = arith.constant 0 : i32
        %dma_start3A_73 = arith.constant 0 : i32
        %dma_start3A_74 = arith.constant 0 : i32
        %dma_start3A_75 = tpu.memref_slice %arg5[%run_scoped3A_58, %dma_start3A_72, %dma_start3A_73, %dma_start3A_74] : memref<2x16x40x128xi32, #tpu.memory_space<hbm>> -> memref<1x16x40x128xi32, #tpu.memory_space<hbm>>
        %dma_start3A_76 = tpu.memref_squeeze %dma_start3A_75 : memref<1x16x40x128xi32, #tpu.memory_space<hbm>> -> memref<16x40x128xi32, #tpu.memory_space<hbm>>
        %dma_start3A_77 = arith.constant 0 : i32
        %dma_start3A_78 = arith.constant 0 : i32
        %dma_start3A_79 = tpu.memref_slice %dma_start3A_76[%arg1, %dma_start3A_77, %dma_start3A_78] : memref<16x40x128xi32, #tpu.memory_space<hbm>> -> memref<1x40x128xi32, #tpu.memory_space<hbm>>
        %dma_start3A_80 = tpu.memref_squeeze %dma_start3A_79 : memref<1x40x128xi32, #tpu.memory_space<hbm>> -> memref<40x128xi32, #tpu.memory_space<hbm>>
        %dma_start3A_81 = arith.constant 0 : i32
        %dma_start3A_82 = arith.constant 0 : i32
        %dma_start3A_83 = arith.constant 0 : i32
        %dma_start3A_84 = tpu.memref_slice %arg5[%run_scoped3A_58, %dma_start3A_81, %dma_start3A_82, %dma_start3A_83] : memref<2x16x40x128xi32, #tpu.memory_space<hbm>> -> memref<1x16x40x128xi32, #tpu.memory_space<hbm>>
        %dma_start3A_85 = tpu.memref_squeeze %dma_start3A_84 : memref<1x16x40x128xi32, #tpu.memory_space<hbm>> -> memref<16x40x128xi32, #tpu.memory_space<hbm>>
        %dma_start3A_86 = arith.constant 0 : i32
        %dma_start3A_87 = arith.constant 0 : i32
        %dma_start3A_88 = tpu.memref_slice %dma_start3A_85[%arg1, %dma_start3A_86, %dma_start3A_87] : memref<16x40x128xi32, #tpu.memory_space<hbm>> -> memref<1x40x128xi32, #tpu.memory_space<hbm>>
        %dma_start3A_89 = tpu.memref_squeeze %dma_start3A_88 : memref<1x40x128xi32, #tpu.memory_space<hbm>> -> memref<40x128xi32, #tpu.memory_space<hbm>>
        tpu.enqueue_dma source(%dma_start3A_89 : memref<40x128xi32, #tpu.memory_space<hbm>>) target(%arg9 : memref<40x128xi32, #tpu.memory_space<vmem>>) target_semaphore(%run_scoped3A_71 : memref<!tpu.dma_semaphore, #tpu.memory_space<semaphore_mem>>)
        %dma_wait3A = arith.constant 0 : i32
        %dma_wait3A_90 = arith.constant 0 : i32
        %dma_wait3A_91 = arith.constant 0 : i32
        %dma_wait3A_92 = tpu.memref_slice %arg5[%run_scoped3A_58, %dma_wait3A, %dma_wait3A_90, %dma_wait3A_91] : memref<2x16x40x128xi32, #tpu.memory_space<hbm>> -> memref<1x16x40x128xi32, #tpu.memory_space<hbm>>
        %dma_wait3A_93 = tpu.memref_squeeze %dma_wait3A_92 : memref<1x16x40x128xi32, #tpu.memory_space<hbm>> -> memref<16x40x128xi32, #tpu.memory_space<hbm>>
        %dma_wait3A_94 = arith.constant 0 : i32
        %dma_wait3A_95 = arith.constant 0 : i32
        %dma_wait3A_96 = tpu.memref_slice %dma_wait3A_93[%arg1, %dma_wait3A_94, %dma_wait3A_95] : memref<16x40x128xi32, #tpu.memory_space<hbm>> -> memref<1x40x128xi32, #tpu.memory_space<hbm>>
        %dma_wait3A_97 = tpu.memref_squeeze %dma_wait3A_96 : memref<1x40x128xi32, #tpu.memory_space<hbm>> -> memref<40x128xi32, #tpu.memory_space<hbm>>
        %dma_wait3A_98 = arith.constant 0 : i32
        %dma_wait3A_99 = arith.constant 0 : i32
        %dma_wait3A_100 = arith.constant 0 : i32
        %dma_wait3A_101 = tpu.memref_slice %arg5[%run_scoped3A_58, %dma_wait3A_98, %dma_wait3A_99, %dma_wait3A_100] : memref<2x16x40x128xi32, #tpu.memory_space<hbm>> -> memref<1x16x40x128xi32, #tpu.memory_space<hbm>>
        %dma_wait3A_102 = tpu.memref_squeeze %dma_wait3A_101 : memref<1x16x40x128xi32, #tpu.memory_space<hbm>> -> memref<16x40x128xi32, #tpu.memory_space<hbm>>
        %dma_wait3A_103 = arith.constant 0 : i32
        %dma_wait3A_104 = arith.constant 0 : i32
        %dma_wait3A_105 = tpu.memref_slice %dma_wait3A_102[%arg1, %dma_wait3A_103, %dma_wait3A_104] : memref<16x40x128xi32, #tpu.memory_space<hbm>> -> memref<1x40x128xi32, #tpu.memory_space<hbm>>
        %dma_wait3A_106 = tpu.memref_squeeze %dma_wait3A_105 : memref<1x40x128xi32, #tpu.memory_space<hbm>> -> memref<40x128xi32, #tpu.memory_space<hbm>>
        tpu.wait_dma2 semaphore(%run_scoped3A_71 : memref<!tpu.dma_semaphore, #tpu.memory_space<semaphore_mem>>) src(%dma_wait3A_106 : memref<40x128xi32, #tpu.memory_space<hbm>>) dst(%arg9 : memref<40x128xi32, #tpu.memory_space<vmem>>)
        tpu.yield
      }) : () -> ()
      %dma_start3A_59 = arith.constant 0 : i32
      %dma_start3A_60 = arith.constant 0 : i32
      %dma_start3A_61 = tpu.memref_slice %arg8[%dma_start3A_59, %dma_start3A_60] : memref<40x128xi32, #tpu.memory_space<vmem>> -> memref<1x128xi32, #tpu.memory_space<vmem>>
      %dma_start3A_62 = tpu.memref_squeeze %dma_start3A_61 : memref<1x128xi32, #tpu.memory_space<vmem>> -> memref<128xi32, #tpu.memory_space<vmem>>
      %dma_start3A_63 = arith.constant 0 : i32
      %dma_start3A_64 = arith.constant 0 : i32
      %dma_start3A_65 = tpu.memref_slice %arg2[%dma_start3A_63, %dma_start3A_64] : memref<10000x128xf32, #tpu.memory_space<hbm>> -> memref<10000x128xf32, #tpu.memory_space<hbm>>
      tpu.enqueue_indirect_dma source(%dma_start3A_65 : memref<10000x128xf32, #tpu.memory_space<hbm>>) target(%arg10 : memref<128x128xf32, #tpu.memory_space<vmem>>) offsets(%dma_start3A_62 : memref<128xi32, #tpu.memory_space<vmem>>) semaphore(%arg13 : memref<!tpu.dma_semaphore, #tpu.memory_space<semaphore_mem>>)
      %scan3A_66 = arith.constant 0 : i32
      %scan3A_67 = arith.constant 20 : i32
      %scan3A_68 = arith.addi %scan3A_66, %scan3A_67 : i32
      %scan3A_69 = arith.constant 1 : i32
      scf.for %scan3A_71 = %scan3A_66 to %scan3A_68 step %scan3A_69  : i32 {
        %mul3A_72 = arith.constant 2 : i32
        %mul3A_73 = arith.muli %scan3A_71, %mul3A_72 : i32
        %add3A_74 = arith.constant 0 : i32
        %add3A_75 = arith.addi %add3A_74, %mul3A_73 : i32
        %dma_wait3A = arith.constant 0 : i32
        %dma_wait3A_76 = tpu.memref_slice %arg8[%add3A_75, %dma_wait3A] : memref<40x128xi32, #tpu.memory_space<vmem>> -> memref<1x128xi32, #tpu.memory_space<vmem>>
        %dma_wait3A_77 = tpu.memref_squeeze %dma_wait3A_76 : memref<1x128xi32, #tpu.memory_space<vmem>> -> memref<128xi32, #tpu.memory_space<vmem>>
        %dma_wait3A_78 = arith.constant 0 : i32
        %dma_wait3A_79 = arith.constant 0 : i32
        %dma_wait3A_80 = tpu.memref_slice %arg2[%dma_wait3A_78, %dma_wait3A_79] : memref<10000x128xf32, #tpu.memory_space<hbm>> -> memref<10000x128xf32, #tpu.memory_space<hbm>>
        tpu.wait_indirect_dma semaphore(%arg13 : memref<!tpu.dma_semaphore, #tpu.memory_space<semaphore_mem>>) src(%dma_wait3A_80 : memref<10000x128xf32, #tpu.memory_space<hbm>>) dst(%arg10 : memref<128x128xf32, #tpu.memory_space<vmem>>)
        %add3A_81 = arith.constant 1 : i32
        %add3A_82 = arith.addi %add3A_75, %add3A_81 : i32
        %dma_start3A_83 = arith.constant 0 : i32
        %dma_start3A_84 = tpu.memref_slice %arg8[%add3A_82, %dma_start3A_83] : memref<40x128xi32, #tpu.memory_space<vmem>> -> memref<1x128xi32, #tpu.memory_space<vmem>>
        %dma_start3A_85 = tpu.memref_squeeze %dma_start3A_84 : memref<1x128xi32, #tpu.memory_space<vmem>> -> memref<128xi32, #tpu.memory_space<vmem>>
        %dma_start3A_86 = arith.constant 0 : i32
        %dma_start3A_87 = arith.constant 0 : i32
        %dma_start3A_88 = tpu.memref_slice %arg2[%dma_start3A_86, %dma_start3A_87] : memref<10000x128xf32, #tpu.memory_space<hbm>> -> memref<10000x128xf32, #tpu.memory_space<hbm>>
        tpu.enqueue_indirect_dma source(%dma_start3A_88 : memref<10000x128xf32, #tpu.memory_space<hbm>>) target(%arg11 : memref<128x128xf32, #tpu.memory_space<vmem>>) offsets(%dma_start3A_85 : memref<128xi32, #tpu.memory_space<vmem>>) semaphore(%arg14 : memref<!tpu.dma_semaphore, #tpu.memory_space<semaphore_mem>>)
        "tpu.region"() ({
          %run_scoped3A_105 = tpu.sem_alloc : memref<!tpu.dma_semaphore, #tpu.memory_space<semaphore_mem>>
          %dma_start3A_106 = arith.constant 0 : i32
          %dma_start3A_107 = tpu.memref_slice %arg9[%add3A_75, %dma_start3A_106] : memref<40x128xi32, #tpu.memory_space<vmem>> -> memref<1x128xi32, #tpu.memory_space<vmem>>
          %dma_start3A_108 = tpu.memref_squeeze %dma_start3A_107 : memref<1x128xi32, #tpu.memory_space<vmem>> -> memref<128xi32, #tpu.memory_space<vmem>>
          %dma_start3A_109 = arith.constant 0 : i32
          %dma_start3A_110 = arith.constant 0 : i32
          %dma_start3A_111 = tpu.memref_slice %arg12[%dma_start3A_109, %dma_start3A_110] : memref<10240x128xf32, #tpu.memory_space<vmem_shared>> -> memref<10240x128xf32, #tpu.memory_space<vmem_shared>>
          tpu.enqueue_indirect_dma source(%arg10 : memref<128x128xf32, #tpu.memory_space<vmem>>) target(%dma_start3A_111 : memref<10240x128xf32, #tpu.memory_space<vmem_shared>>) offsets(%dma_start3A_108 : memref<128xi32, #tpu.memory_space<vmem>>) semaphore(%run_scoped3A_105 : memref<!tpu.dma_semaphore, #tpu.memory_space<semaphore_mem>>) {add = true}
          %dma_wait3A_112 = arith.constant 0 : i32
          %dma_wait3A_113 = tpu.memref_slice %arg9[%add3A_75, %dma_wait3A_112] : memref<40x128xi32, #tpu.memory_space<vmem>> -> memref<1x128xi32, #tpu.memory_space<vmem>>
          %dma_wait3A_114 = tpu.memref_squeeze %dma_wait3A_113 : memref<1x128xi32, #tpu.memory_space<vmem>> -> memref<128xi32, #tpu.memory_space<vmem>>
          %dma_wait3A_115 = arith.constant 0 : i32
          %dma_wait3A_116 = arith.constant 0 : i32
          %dma_wait3A_117 = tpu.memref_slice %arg12[%dma_wait3A_115, %dma_wait3A_116] : memref<10240x128xf32, #tpu.memory_space<vmem_shared>> -> memref<10240x128xf32, #tpu.memory_space<vmem_shared>>
          tpu.wait_indirect_dma semaphore(%run_scoped3A_105 : memref<!tpu.dma_semaphore, #tpu.memory_space<semaphore_mem>>) src(%arg10 : memref<128x128xf32, #tpu.memory_space<vmem>>) dst(%dma_wait3A_117 : memref<10240x128xf32, #tpu.memory_space<vmem_shared>>)
          tpu.yield
        }) : () -> ()
        %add3A_89 = arith.constant 1 : i32
        %add3A_90 = arith.addi %add3A_75, %add3A_89 : i32
        %dma_wait3A_91 = arith.constant 0 : i32
        %dma_wait3A_92 = tpu.memref_slice %arg8[%add3A_90, %dma_wait3A_91] : memref<40x128xi32, #tpu.memory_space<vmem>> -> memref<1x128xi32, #tpu.memory_space<vmem>>
        %dma_wait3A_93 = tpu.memref_squeeze %dma_wait3A_92 : memref<1x128xi32, #tpu.memory_space<vmem>> -> memref<128xi32, #tpu.memory_space<vmem>>
        %dma_wait3A_94 = arith.constant 0 : i32
        %dma_wait3A_95 = arith.constant 0 : i32
        %dma_wait3A_96 = tpu.memref_slice %arg2[%dma_wait3A_94, %dma_wait3A_95] : memref<10000x128xf32, #tpu.memory_space<hbm>> -> memref<10000x128xf32, #tpu.memory_space<hbm>>
        tpu.wait_indirect_dma semaphore(%arg14 : memref<!tpu.dma_semaphore, #tpu.memory_space<semaphore_mem>>) src(%dma_wait3A_96 : memref<10000x128xf32, #tpu.memory_space<hbm>>) dst(%arg11 : memref<128x128xf32, #tpu.memory_space<vmem>>)
        %add3A_97 = arith.constant 2 : i32
        %add3A_98 = arith.addi %add3A_75, %add3A_97 : i32
        %lt3A = arith.constant 40 : i32
        %lt3A_99 = arith.cmpi slt, %add3A_98, %lt3A : i32
        %convert_element_type3A_100 = arith.extui %lt3A_99 : i1 to i32
        %cond3A_101 = arith.constant 0 : i32
        %cond3A_102 = arith.cmpi ne, %convert_element_type3A_100, %cond3A_101 : i32
        scf.if %cond3A_102 {
          %add3A_105 = arith.constant 2 : i32
          %add3A_106 = arith.addi %add3A_75, %add3A_105 : i32
          %dma_start3A_107 = arith.constant 0 : i32
          %dma_start3A_108 = tpu.memref_slice %arg8[%add3A_106, %dma_start3A_107] : memref<40x128xi32, #tpu.memory_space<vmem>> -> memref<1x128xi32, #tpu.memory_space<vmem>>
          %dma_start3A_109 = tpu.memref_squeeze %dma_start3A_108 : memref<1x128xi32, #tpu.memory_space<vmem>> -> memref<128xi32, #tpu.memory_space<vmem>>
          %dma_start3A_110 = arith.constant 0 : i32
          %dma_start3A_111 = arith.constant 0 : i32
          %dma_start3A_112 = tpu.memref_slice %arg2[%dma_start3A_110, %dma_start3A_111] : memref<10000x128xf32, #tpu.memory_space<hbm>> -> memref<10000x128xf32, #tpu.memory_space<hbm>>
          tpu.enqueue_indirect_dma source(%dma_start3A_112 : memref<10000x128xf32, #tpu.memory_space<hbm>>) target(%arg10 : memref<128x128xf32, #tpu.memory_space<vmem>>) offsets(%dma_start3A_109 : memref<128xi32, #tpu.memory_space<vmem>>) semaphore(%arg13 : memref<!tpu.dma_semaphore, #tpu.memory_space<semaphore_mem>>)
        } else {
        }
        %add3A_103 = arith.constant 1 : i32
        %add3A_104 = arith.addi %add3A_75, %add3A_103 : i32
        "tpu.region"() ({
          %run_scoped3A_105 = tpu.sem_alloc : memref<!tpu.dma_semaphore, #tpu.memory_space<semaphore_mem>>
          %dma_start3A_106 = arith.constant 0 : i32
          %dma_start3A_107 = tpu.memref_slice %arg9[%add3A_104, %dma_start3A_106] : memref<40x128xi32, #tpu.memory_space<vmem>> -> memref<1x128xi32, #tpu.memory_space<vmem>>
          %dma_start3A_108 = tpu.memref_squeeze %dma_start3A_107 : memref<1x128xi32, #tpu.memory_space<vmem>> -> memref<128xi32, #tpu.memory_space<vmem>>
          %dma_start3A_109 = arith.constant 0 : i32
          %dma_start3A_110 = arith.constant 0 : i32
          %dma_start3A_111 = tpu.memref_slice %arg12[%dma_start3A_109, %dma_start3A_110] : memref<10240x128xf32, #tpu.memory_space<vmem_shared>> -> memref<10240x128xf32, #tpu.memory_space<vmem_shared>>
          tpu.enqueue_indirect_dma source(%arg11 : memref<128x128xf32, #tpu.memory_space<vmem>>) target(%dma_start3A_111 : memref<10240x128xf32, #tpu.memory_space<vmem_shared>>) offsets(%dma_start3A_108 : memref<128xi32, #tpu.memory_space<vmem>>) semaphore(%run_scoped3A_105 : memref<!tpu.dma_semaphore, #tpu.memory_space<semaphore_mem>>) {add = true}
          %dma_wait3A_112 = arith.constant 0 : i32
          %dma_wait3A_113 = tpu.memref_slice %arg9[%add3A_104, %dma_wait3A_112] : memref<40x128xi32, #tpu.memory_space<vmem>> -> memref<1x128xi32, #tpu.memory_space<vmem>>
          %dma_wait3A_114 = tpu.memref_squeeze %dma_wait3A_113 : memref<1x128xi32, #tpu.memory_space<vmem>> -> memref<128xi32, #tpu.memory_space<vmem>>
          %dma_wait3A_115 = arith.constant 0 : i32
          %dma_wait3A_116 = arith.constant 0 : i32
          %dma_wait3A_117 = tpu.memref_slice %arg12[%dma_wait3A_115, %dma_wait3A_116] : memref<10240x128xf32, #tpu.memory_space<vmem_shared>> -> memref<10240x128xf32, #tpu.memory_space<vmem_shared>>
          tpu.wait_indirect_dma semaphore(%run_scoped3A_105 : memref<!tpu.dma_semaphore, #tpu.memory_space<semaphore_mem>>) src(%arg11 : memref<128x128xf32, #tpu.memory_space<vmem>>) dst(%dma_wait3A_117 : memref<10240x128xf32, #tpu.memory_space<vmem_shared>>)
          tpu.yield
        }) : () -> ()
      }
      %scan3A_70 = arith.constant 20 : i32
    } else {
    }
    %eq3A_20 = arith.constant 1 : i32
    %eq3A_21 = arith.cmpi eq, %arg0, %eq3A_20 : i32
    %convert_element_type3A_22 = arith.extui %eq3A_21 : i1 to i32
    %cond3A_23 = arith.constant 0 : i32
    %cond3A_24 = arith.cmpi ne, %convert_element_type3A_22, %cond3A_23 : i32
    scf.if %cond3A_24 {
      %run_scoped3A = arith.constant 0 : i32
      "tpu.region"() ({
        %run_scoped3A_71 = tpu.sem_alloc : memref<!tpu.dma_semaphore, #tpu.memory_space<semaphore_mem>>
        %dma_start3A_72 = arith.constant 0 : i32
        %dma_start3A_73 = arith.constant 0 : i32
        %dma_start3A_74 = arith.constant 0 : i32
        %dma_start3A_75 = tpu.memref_slice %arg4[%run_scoped3A, %dma_start3A_72, %dma_start3A_73, %dma_start3A_74] : memref<2x16x40x128xi32, #tpu.memory_space<hbm>> -> memref<1x16x40x128xi32, #tpu.memory_space<hbm>>
        %dma_start3A_76 = tpu.memref_squeeze %dma_start3A_75 : memref<1x16x40x128xi32, #tpu.memory_space<hbm>> -> memref<16x40x128xi32, #tpu.memory_space<hbm>>
        %dma_start3A_77 = arith.constant 0 : i32
        %dma_start3A_78 = arith.constant 0 : i32
        %dma_start3A_79 = tpu.memref_slice %dma_start3A_76[%arg1, %dma_start3A_77, %dma_start3A_78] : memref<16x40x128xi32, #tpu.memory_space<hbm>> -> memref<1x40x128xi32, #tpu.memory_space<hbm>>
        %dma_start3A_80 = tpu.memref_squeeze %dma_start3A_79 : memref<1x40x128xi32, #tpu.memory_space<hbm>> -> memref<40x128xi32, #tpu.memory_space<hbm>>
        %dma_start3A_81 = arith.constant 0 : i32
        %dma_start3A_82 = arith.constant 0 : i32
        %dma_start3A_83 = arith.constant 0 : i32
        %dma_start3A_84 = tpu.memref_slice %arg4[%run_scoped3A, %dma_start3A_81, %dma_start3A_82, %dma_start3A_83] : memref<2x16x40x128xi32, #tpu.memory_space<hbm>> -> memref<1x16x40x128xi32, #tpu.memory_space<hbm>>
        %dma_start3A_85 = tpu.memref_squeeze %dma_start3A_84 : memref<1x16x40x128xi32, #tpu.memory_space<hbm>> -> memref<16x40x128xi32, #tpu.memory_space<hbm>>
        %dma_start3A_86 = arith.constant 0 : i32
        %dma_start3A_87 = arith.constant 0 : i32
        %dma_start3A_88 = tpu.memref_slice %dma_start3A_85[%arg1, %dma_start3A_86, %dma_start3A_87] : memref<16x40x128xi32, #tpu.memory_space<hbm>> -> memref<1x40x128xi32, #tpu.memory_space<hbm>>
        %dma_start3A_89 = tpu.memref_squeeze %dma_start3A_88 : memref<1x40x128xi32, #tpu.memory_space<hbm>> -> memref<40x128xi32, #tpu.memory_space<hbm>>
        tpu.enqueue_dma source(%dma_start3A_89 : memref<40x128xi32, #tpu.memory_space<hbm>>) target(%arg8 : memref<40x128xi32, #tpu.memory_space<vmem>>) target_semaphore(%run_scoped3A_71 : memref<!tpu.dma_semaphore, #tpu.memory_space<semaphore_mem>>)
        %dma_wait3A = arith.constant 0 : i32
        %dma_wait3A_90 = arith.constant 0 : i32
        %dma_wait3A_91 = arith.constant 0 : i32
        %dma_wait3A_92 = tpu.memref_slice %arg4[%run_scoped3A, %dma_wait3A, %dma_wait3A_90, %dma_wait3A_91] : memref<2x16x40x128xi32, #tpu.memory_space<hbm>> -> memref<1x16x40x128xi32, #tpu.memory_space<hbm>>
        %dma_wait3A_93 = tpu.memref_squeeze %dma_wait3A_92 : memref<1x16x40x128xi32, #tpu.memory_space<hbm>> -> memref<16x40x128xi32, #tpu.memory_space<hbm>>
        %dma_wait3A_94 = arith.constant 0 : i32
        %dma_wait3A_95 = arith.constant 0 : i32
        %dma_wait3A_96 = tpu.memref_slice %dma_wait3A_93[%arg1, %dma_wait3A_94, %dma_wait3A_95] : memref<16x40x128xi32, #tpu.memory_space<hbm>> -> memref<1x40x128xi32, #tpu.memory_space<hbm>>
        %dma_wait3A_97 = tpu.memref_squeeze %dma_wait3A_96 : memref<1x40x128xi32, #tpu.memory_space<hbm>> -> memref<40x128xi32, #tpu.memory_space<hbm>>
        %dma_wait3A_98 = arith.constant 0 : i32
        %dma_wait3A_99 = arith.constant 0 : i32
        %dma_wait3A_100 = arith.constant 0 : i32
        %dma_wait3A_101 = tpu.memref_slice %arg4[%run_scoped3A, %dma_wait3A_98, %dma_wait3A_99, %dma_wait3A_100] : memref<2x16x40x128xi32, #tpu.memory_space<hbm>> -> memref<1x16x40x128xi32, #tpu.memory_space<hbm>>
        %dma_wait3A_102 = tpu.memref_squeeze %dma_wait3A_101 : memref<1x16x40x128xi32, #tpu.memory_space<hbm>> -> memref<16x40x128xi32, #tpu.memory_space<hbm>>
        %dma_wait3A_103 = arith.constant 0 : i32
        %dma_wait3A_104 = arith.constant 0 : i32
        %dma_wait3A_105 = tpu.memref_slice %dma_wait3A_102[%arg1, %dma_wait3A_103, %dma_wait3A_104] : memref<16x40x128xi32, #tpu.memory_space<hbm>> -> memref<1x40x128xi32, #tpu.memory_space<hbm>>
        %dma_wait3A_106 = tpu.memref_squeeze %dma_wait3A_105 : memref<1x40x128xi32, #tpu.memory_space<hbm>> -> memref<40x128xi32, #tpu.memory_space<hbm>>
        tpu.wait_dma2 semaphore(%run_scoped3A_71 : memref<!tpu.dma_semaphore, #tpu.memory_space<semaphore_mem>>) src(%dma_wait3A_106 : memref<40x128xi32, #tpu.memory_space<hbm>>) dst(%arg8 : memref<40x128xi32, #tpu.memory_space<vmem>>)
        tpu.yield
      }) : () -> ()
      %run_scoped3A_46 = arith.constant 0 : i32
      "tpu.region"() ({
        %run_scoped3A_71 = tpu.sem_alloc : memref<!tpu.dma_semaphore, #tpu.memory_space<semaphore_mem>>
        %dma_start3A_72 = arith.constant 0 : i32
        %dma_start3A_73 = arith.constant 0 : i32
        %dma_start3A_74 = arith.constant 0 : i32
        %dma_start3A_75 = tpu.memref_slice %arg5[%run_scoped3A_46, %dma_start3A_72, %dma_start3A_73, %dma_start3A_74] : memref<2x16x40x128xi32, #tpu.memory_space<hbm>> -> memref<1x16x40x128xi32, #tpu.memory_space<hbm>>
        %dma_start3A_76 = tpu.memref_squeeze %dma_start3A_75 : memref<1x16x40x128xi32, #tpu.memory_space<hbm>> -> memref<16x40x128xi32, #tpu.memory_space<hbm>>
        %dma_start3A_77 = arith.constant 0 : i32
        %dma_start3A_78 = arith.constant 0 : i32
        %dma_start3A_79 = tpu.memref_slice %dma_start3A_76[%arg1, %dma_start3A_77, %dma_start3A_78] : memref<16x40x128xi32, #tpu.memory_space<hbm>> -> memref<1x40x128xi32, #tpu.memory_space<hbm>>
        %dma_start3A_80 = tpu.memref_squeeze %dma_start3A_79 : memref<1x40x128xi32, #tpu.memory_space<hbm>> -> memref<40x128xi32, #tpu.memory_space<hbm>>
        %dma_start3A_81 = arith.constant 0 : i32
        %dma_start3A_82 = arith.constant 0 : i32
        %dma_start3A_83 = arith.constant 0 : i32
        %dma_start3A_84 = tpu.memref_slice %arg5[%run_scoped3A_46, %dma_start3A_81, %dma_start3A_82, %dma_start3A_83] : memref<2x16x40x128xi32, #tpu.memory_space<hbm>> -> memref<1x16x40x128xi32, #tpu.memory_space<hbm>>
        %dma_start3A_85 = tpu.memref_squeeze %dma_start3A_84 : memref<1x16x40x128xi32, #tpu.memory_space<hbm>> -> memref<16x40x128xi32, #tpu.memory_space<hbm>>
        %dma_start3A_86 = arith.constant 0 : i32
        %dma_start3A_87 = arith.constant 0 : i32
        %dma_start3A_88 = tpu.memref_slice %dma_start3A_85[%arg1, %dma_start3A_86, %dma_start3A_87] : memref<16x40x128xi32, #tpu.memory_space<hbm>> -> memref<1x40x128xi32, #tpu.memory_space<hbm>>
        %dma_start3A_89 = tpu.memref_squeeze %dma_start3A_88 : memref<1x40x128xi32, #tpu.memory_space<hbm>> -> memref<40x128xi32, #tpu.memory_space<hbm>>
        tpu.enqueue_dma source(%dma_start3A_89 : memref<40x128xi32, #tpu.memory_space<hbm>>) target(%arg9 : memref<40x128xi32, #tpu.memory_space<vmem>>) target_semaphore(%run_scoped3A_71 : memref<!tpu.dma_semaphore, #tpu.memory_space<semaphore_mem>>)
        %dma_wait3A = arith.constant 0 : i32
        %dma_wait3A_90 = arith.constant 0 : i32
        %dma_wait3A_91 = arith.constant 0 : i32
        %dma_wait3A_92 = tpu.memref_slice %arg5[%run_scoped3A_46, %dma_wait3A, %dma_wait3A_90, %dma_wait3A_91] : memref<2x16x40x128xi32, #tpu.memory_space<hbm>> -> memref<1x16x40x128xi32, #tpu.memory_space<hbm>>
        %dma_wait3A_93 = tpu.memref_squeeze %dma_wait3A_92 : memref<1x16x40x128xi32, #tpu.memory_space<hbm>> -> memref<16x40x128xi32, #tpu.memory_space<hbm>>
        %dma_wait3A_94 = arith.constant 0 : i32
        %dma_wait3A_95 = arith.constant 0 : i32
        %dma_wait3A_96 = tpu.memref_slice %dma_wait3A_93[%arg1, %dma_wait3A_94, %dma_wait3A_95] : memref<16x40x128xi32, #tpu.memory_space<hbm>> -> memref<1x40x128xi32, #tpu.memory_space<hbm>>
        %dma_wait3A_97 = tpu.memref_squeeze %dma_wait3A_96 : memref<1x40x128xi32, #tpu.memory_space<hbm>> -> memref<40x128xi32, #tpu.memory_space<hbm>>
        %dma_wait3A_98 = arith.constant 0 : i32
        %dma_wait3A_99 = arith.constant 0 : i32
        %dma_wait3A_100 = arith.constant 0 : i32
        %dma_wait3A_101 = tpu.memref_slice %arg5[%run_scoped3A_46, %dma_wait3A_98, %dma_wait3A_99, %dma_wait3A_100] : memref<2x16x40x128xi32, #tpu.memory_space<hbm>> -> memref<1x16x40x128xi32, #tpu.memory_space<hbm>>
        %dma_wait3A_102 = tpu.memref_squeeze %dma_wait3A_101 : memref<1x16x40x128xi32, #tpu.memory_space<hbm>> -> memref<16x40x128xi32, #tpu.memory_space<hbm>>
        %dma_wait3A_103 = arith.constant 0 : i32
        %dma_wait3A_104 = arith.constant 0 : i32
        %dma_wait3A_105 = tpu.memref_slice %dma_wait3A_102[%arg1, %dma_wait3A_103, %dma_wait3A_104] : memref<16x40x128xi32, #tpu.memory_space<hbm>> -> memref<1x40x128xi32, #tpu.memory_space<hbm>>
        %dma_wait3A_106 = tpu.memref_squeeze %dma_wait3A_105 : memref<1x40x128xi32, #tpu.memory_space<hbm>> -> memref<40x128xi32, #tpu.memory_space<hbm>>
        tpu.wait_dma2 semaphore(%run_scoped3A_71 : memref<!tpu.dma_semaphore, #tpu.memory_space<semaphore_mem>>) src(%dma_wait3A_106 : memref<40x128xi32, #tpu.memory_space<hbm>>) dst(%arg9 : memref<40x128xi32, #tpu.memory_space<vmem>>)
        tpu.yield
      }) : () -> ()
      %dma_start3A = arith.constant 0 : i32
      %dma_start3A_47 = arith.constant 0 : i32
      %dma_start3A_48 = tpu.memref_slice %arg8[%dma_start3A, %dma_start3A_47] : memref<40x128xi32, #tpu.memory_space<vmem>> -> memref<1x128xi32, #tpu.memory_space<vmem>>
      %dma_start3A_49 = tpu.memref_squeeze %dma_start3A_48 : memref<1x128xi32, #tpu.memory_space<vmem>> -> memref<128xi32, #tpu.memory_space<vmem>>
      %dma_start3A_50 = arith.constant 0 : i32
      %dma_start3A_51 = arith.constant 0 : i32
      %dma_start3A_52 = tpu.memref_slice %arg3[%dma_start3A_50, %dma_start3A_51] : memref<10000x128xf32, #tpu.memory_space<hbm>> -> memref<10000x128xf32, #tpu.memory_space<hbm>>
      tpu.enqueue_indirect_dma source(%dma_start3A_52 : memref<10000x128xf32, #tpu.memory_space<hbm>>) target(%arg10 : memref<128x128xf32, #tpu.memory_space<vmem>>) offsets(%dma_start3A_49 : memref<128xi32, #tpu.memory_space<vmem>>) semaphore(%arg13 : memref<!tpu.dma_semaphore, #tpu.memory_space<semaphore_mem>>)
      %scan3A = arith.constant 0 : i32
      %scan3A_53 = arith.constant 20 : i32
      %scan3A_54 = arith.addi %scan3A, %scan3A_53 : i32
      %scan3A_55 = arith.constant 1 : i32
      scf.for %scan3A_71 = %scan3A to %scan3A_54 step %scan3A_55  : i32 {
        %mul3A_72 = arith.constant 2 : i32
        %mul3A_73 = arith.muli %scan3A_71, %mul3A_72 : i32
        %add3A_74 = arith.constant 0 : i32
        %add3A_75 = arith.addi %add3A_74, %mul3A_73 : i32
        %dma_wait3A = arith.constant 0 : i32
        %dma_wait3A_76 = tpu.memref_slice %arg8[%add3A_75, %dma_wait3A] : memref<40x128xi32, #tpu.memory_space<vmem>> -> memref<1x128xi32, #tpu.memory_space<vmem>>
        %dma_wait3A_77 = tpu.memref_squeeze %dma_wait3A_76 : memref<1x128xi32, #tpu.memory_space<vmem>> -> memref<128xi32, #tpu.memory_space<vmem>>
        %dma_wait3A_78 = arith.constant 0 : i32
        %dma_wait3A_79 = arith.constant 0 : i32
        %dma_wait3A_80 = tpu.memref_slice %arg3[%dma_wait3A_78, %dma_wait3A_79] : memref<10000x128xf32, #tpu.memory_space<hbm>> -> memref<10000x128xf32, #tpu.memory_space<hbm>>
        tpu.wait_indirect_dma semaphore(%arg13 : memref<!tpu.dma_semaphore, #tpu.memory_space<semaphore_mem>>) src(%dma_wait3A_80 : memref<10000x128xf32, #tpu.memory_space<hbm>>) dst(%arg10 : memref<128x128xf32, #tpu.memory_space<vmem>>)
        %add3A_81 = arith.constant 1 : i32
        %add3A_82 = arith.addi %add3A_75, %add3A_81 : i32
        %dma_start3A_83 = arith.constant 0 : i32
        %dma_start3A_84 = tpu.memref_slice %arg8[%add3A_82, %dma_start3A_83] : memref<40x128xi32, #tpu.memory_space<vmem>> -> memref<1x128xi32, #tpu.memory_space<vmem>>
        %dma_start3A_85 = tpu.memref_squeeze %dma_start3A_84 : memref<1x128xi32, #tpu.memory_space<vmem>> -> memref<128xi32, #tpu.memory_space<vmem>>
        %dma_start3A_86 = arith.constant 0 : i32
        %dma_start3A_87 = arith.constant 0 : i32
        %dma_start3A_88 = tpu.memref_slice %arg3[%dma_start3A_86, %dma_start3A_87] : memref<10000x128xf32, #tpu.memory_space<hbm>> -> memref<10000x128xf32, #tpu.memory_space<hbm>>
        tpu.enqueue_indirect_dma source(%dma_start3A_88 : memref<10000x128xf32, #tpu.memory_space<hbm>>) target(%arg11 : memref<128x128xf32, #tpu.memory_space<vmem>>) offsets(%dma_start3A_85 : memref<128xi32, #tpu.memory_space<vmem>>) semaphore(%arg14 : memref<!tpu.dma_semaphore, #tpu.memory_space<semaphore_mem>>)
        "tpu.region"() ({
          %run_scoped3A_105 = tpu.sem_alloc : memref<!tpu.dma_semaphore, #tpu.memory_space<semaphore_mem>>
          %dma_start3A_106 = arith.constant 0 : i32
          %dma_start3A_107 = tpu.memref_slice %arg9[%add3A_75, %dma_start3A_106] : memref<40x128xi32, #tpu.memory_space<vmem>> -> memref<1x128xi32, #tpu.memory_space<vmem>>
          %dma_start3A_108 = tpu.memref_squeeze %dma_start3A_107 : memref<1x128xi32, #tpu.memory_space<vmem>> -> memref<128xi32, #tpu.memory_space<vmem>>
          %dma_start3A_109 = arith.constant 0 : i32
          %dma_start3A_110 = arith.constant 0 : i32
          %dma_start3A_111 = tpu.memref_slice %arg12[%dma_start3A_109, %dma_start3A_110] : memref<10240x128xf32, #tpu.memory_space<vmem_shared>> -> memref<10240x128xf32, #tpu.memory_space<vmem_shared>>
          tpu.enqueue_indirect_dma source(%arg10 : memref<128x128xf32, #tpu.memory_space<vmem>>) target(%dma_start3A_111 : memref<10240x128xf32, #tpu.memory_space<vmem_shared>>) offsets(%dma_start3A_108 : memref<128xi32, #tpu.memory_space<vmem>>) semaphore(%run_scoped3A_105 : memref<!tpu.dma_semaphore, #tpu.memory_space<semaphore_mem>>) {add = true}
          %dma_wait3A_112 = arith.constant 0 : i32
          %dma_wait3A_113 = tpu.memref_slice %arg9[%add3A_75, %dma_wait3A_112] : memref<40x128xi32, #tpu.memory_space<vmem>> -> memref<1x128xi32, #tpu.memory_space<vmem>>
          %dma_wait3A_114 = tpu.memref_squeeze %dma_wait3A_113 : memref<1x128xi32, #tpu.memory_space<vmem>> -> memref<128xi32, #tpu.memory_space<vmem>>
          %dma_wait3A_115 = arith.constant 0 : i32
          %dma_wait3A_116 = arith.constant 0 : i32
          %dma_wait3A_117 = tpu.memref_slice %arg12[%dma_wait3A_115, %dma_wait3A_116] : memref<10240x128xf32, #tpu.memory_space<vmem_shared>> -> memref<10240x128xf32, #tpu.memory_space<vmem_shared>>
          tpu.wait_indirect_dma semaphore(%run_scoped3A_105 : memref<!tpu.dma_semaphore, #tpu.memory_space<semaphore_mem>>) src(%arg10 : memref<128x128xf32, #tpu.memory_space<vmem>>) dst(%dma_wait3A_117 : memref<10240x128xf32, #tpu.memory_space<vmem_shared>>)
          tpu.yield
        }) : () -> ()
        %add3A_89 = arith.constant 1 : i32
        %add3A_90 = arith.addi %add3A_75, %add3A_89 : i32
        %dma_wait3A_91 = arith.constant 0 : i32
        %dma_wait3A_92 = tpu.memref_slice %arg8[%add3A_90, %dma_wait3A_91] : memref<40x128xi32, #tpu.memory_space<vmem>> -> memref<1x128xi32, #tpu.memory_space<vmem>>
        %dma_wait3A_93 = tpu.memref_squeeze %dma_wait3A_92 : memref<1x128xi32, #tpu.memory_space<vmem>> -> memref<128xi32, #tpu.memory_space<vmem>>
        %dma_wait3A_94 = arith.constant 0 : i32
        %dma_wait3A_95 = arith.constant 0 : i32
        %dma_wait3A_96 = tpu.memref_slice %arg3[%dma_wait3A_94, %dma_wait3A_95] : memref<10000x128xf32, #tpu.memory_space<hbm>> -> memref<10000x128xf32, #tpu.memory_space<hbm>>
        tpu.wait_indirect_dma semaphore(%arg14 : memref<!tpu.dma_semaphore, #tpu.memory_space<semaphore_mem>>) src(%dma_wait3A_96 : memref<10000x128xf32, #tpu.memory_space<hbm>>) dst(%arg11 : memref<128x128xf32, #tpu.memory_space<vmem>>)
        %add3A_97 = arith.constant 2 : i32
        %add3A_98 = arith.addi %add3A_75, %add3A_97 : i32
        %lt3A = arith.constant 40 : i32
        %lt3A_99 = arith.cmpi slt, %add3A_98, %lt3A : i32
        %convert_element_type3A_100 = arith.extui %lt3A_99 : i1 to i32
        %cond3A_101 = arith.constant 0 : i32
        %cond3A_102 = arith.cmpi ne, %convert_element_type3A_100, %cond3A_101 : i32
        scf.if %cond3A_102 {
          %add3A_105 = arith.constant 2 : i32
          %add3A_106 = arith.addi %add3A_75, %add3A_105 : i32
          %dma_start3A_107 = arith.constant 0 : i32
          %dma_start3A_108 = tpu.memref_slice %arg8[%add3A_106, %dma_start3A_107] : memref<40x128xi32, #tpu.memory_space<vmem>> -> memref<1x128xi32, #tpu.memory_space<vmem>>
          %dma_start3A_109 = tpu.memref_squeeze %dma_start3A_108 : memref<1x128xi32, #tpu.memory_space<vmem>> -> memref<128xi32, #tpu.memory_space<vmem>>
          %dma_start3A_110 = arith.constant 0 : i32
          %dma_start3A_111 = arith.constant 0 : i32
          %dma_start3A_112 = tpu.memref_slice %arg3[%dma_start3A_110, %dma_start3A_111] : memref<10000x128xf32, #tpu.memory_space<hbm>> -> memref<10000x128xf32, #tpu.memory_space<hbm>>
          tpu.enqueue_indirect_dma source(%dma_start3A_112 : memref<10000x128xf32, #tpu.memory_space<hbm>>) target(%arg10 : memref<128x128xf32, #tpu.memory_space<vmem>>) offsets(%dma_start3A_109 : memref<128xi32, #tpu.memory_space<vmem>>) semaphore(%arg13 : memref<!tpu.dma_semaphore, #tpu.memory_space<semaphore_mem>>)
        } else {
        }
        %add3A_103 = arith.constant 1 : i32
        %add3A_104 = arith.addi %add3A_75, %add3A_103 : i32
        "tpu.region"() ({
          %run_scoped3A_105 = tpu.sem_alloc : memref<!tpu.dma_semaphore, #tpu.memory_space<semaphore_mem>>
          %dma_start3A_106 = arith.constant 0 : i32
          %dma_start3A_107 = tpu.memref_slice %arg9[%add3A_104, %dma_start3A_106] : memref<40x128xi32, #tpu.memory_space<vmem>> -> memref<1x128xi32, #tpu.memory_space<vmem>>
          %dma_start3A_108 = tpu.memref_squeeze %dma_start3A_107 : memref<1x128xi32, #tpu.memory_space<vmem>> -> memref<128xi32, #tpu.memory_space<vmem>>
          %dma_start3A_109 = arith.constant 0 : i32
          %dma_start3A_110 = arith.constant 0 : i32
          %dma_start3A_111 = tpu.memref_slice %arg12[%dma_start3A_109, %dma_start3A_110] : memref<10240x128xf32, #tpu.memory_space<vmem_shared>> -> memref<10240x128xf32, #tpu.memory_space<vmem_shared>>
          tpu.enqueue_indirect_dma source(%arg11 : memref<128x128xf32, #tpu.memory_space<vmem>>) target(%dma_start3A_111 : memref<10240x128xf32, #tpu.memory_space<vmem_shared>>) offsets(%dma_start3A_108 : memref<128xi32, #tpu.memory_space<vmem>>) semaphore(%run_scoped3A_105 : memref<!tpu.dma_semaphore, #tpu.memory_space<semaphore_mem>>) {add = true}
          %dma_wait3A_112 = arith.constant 0 : i32
          %dma_wait3A_113 = tpu.memref_slice %arg9[%add3A_104, %dma_wait3A_112] : memref<40x128xi32, #tpu.memory_space<vmem>> -> memref<1x128xi32, #tpu.memory_space<vmem>>
          %dma_wait3A_114 = tpu.memref_squeeze %dma_wait3A_113 : memref<1x128xi32, #tpu.memory_space<vmem>> -> memref<128xi32, #tpu.memory_space<vmem>>
          %dma_wait3A_115 = arith.constant 0 : i32
          %dma_wait3A_116 = arith.constant 0 : i32
          %dma_wait3A_117 = tpu.memref_slice %arg12[%dma_wait3A_115, %dma_wait3A_116] : memref<10240x128xf32, #tpu.memory_space<vmem_shared>> -> memref<10240x128xf32, #tpu.memory_space<vmem_shared>>
          tpu.wait_indirect_dma semaphore(%run_scoped3A_105 : memref<!tpu.dma_semaphore, #tpu.memory_space<semaphore_mem>>) src(%arg11 : memref<128x128xf32, #tpu.memory_space<vmem>>) dst(%dma_wait3A_117 : memref<10240x128xf32, #tpu.memory_space<vmem_shared>>)
          tpu.yield
        }) : () -> ()
      }
      %scan3A_56 = arith.constant 20 : i32
      %run_scoped3A_57 = arith.constant 1 : i32
      "tpu.region"() ({
        %run_scoped3A_71 = tpu.sem_alloc : memref<!tpu.dma_semaphore, #tpu.memory_space<semaphore_mem>>
        %dma_start3A_72 = arith.constant 0 : i32
        %dma_start3A_73 = arith.constant 0 : i32
        %dma_start3A_74 = arith.constant 0 : i32
        %dma_start3A_75 = tpu.memref_slice %arg4[%run_scoped3A_57, %dma_start3A_72, %dma_start3A_73, %dma_start3A_74] : memref<2x16x40x128xi32, #tpu.memory_space<hbm>> -> memref<1x16x40x128xi32, #tpu.memory_space<hbm>>
        %dma_start3A_76 = tpu.memref_squeeze %dma_start3A_75 : memref<1x16x40x128xi32, #tpu.memory_space<hbm>> -> memref<16x40x128xi32, #tpu.memory_space<hbm>>
        %dma_start3A_77 = arith.constant 0 : i32
        %dma_start3A_78 = arith.constant 0 : i32
        %dma_start3A_79 = tpu.memref_slice %dma_start3A_76[%arg1, %dma_start3A_77, %dma_start3A_78] : memref<16x40x128xi32, #tpu.memory_space<hbm>> -> memref<1x40x128xi32, #tpu.memory_space<hbm>>
        %dma_start3A_80 = tpu.memref_squeeze %dma_start3A_79 : memref<1x40x128xi32, #tpu.memory_space<hbm>> -> memref<40x128xi32, #tpu.memory_space<hbm>>
        %dma_start3A_81 = arith.constant 0 : i32
        %dma_start3A_82 = arith.constant 0 : i32
        %dma_start3A_83 = arith.constant 0 : i32
        %dma_start3A_84 = tpu.memref_slice %arg4[%run_scoped3A_57, %dma_start3A_81, %dma_start3A_82, %dma_start3A_83] : memref<2x16x40x128xi32, #tpu.memory_space<hbm>> -> memref<1x16x40x128xi32, #tpu.memory_space<hbm>>
        %dma_start3A_85 = tpu.memref_squeeze %dma_start3A_84 : memref<1x16x40x128xi32, #tpu.memory_space<hbm>> -> memref<16x40x128xi32, #tpu.memory_space<hbm>>
        %dma_start3A_86 = arith.constant 0 : i32
        %dma_start3A_87 = arith.constant 0 : i32
        %dma_start3A_88 = tpu.memref_slice %dma_start3A_85[%arg1, %dma_start3A_86, %dma_start3A_87] : memref<16x40x128xi32, #tpu.memory_space<hbm>> -> memref<1x40x128xi32, #tpu.memory_space<hbm>>
        %dma_start3A_89 = tpu.memref_squeeze %dma_start3A_88 : memref<1x40x128xi32, #tpu.memory_space<hbm>> -> memref<40x128xi32, #tpu.memory_space<hbm>>
        tpu.enqueue_dma source(%dma_start3A_89 : memref<40x128xi32, #tpu.memory_space<hbm>>) target(%arg8 : memref<40x128xi32, #tpu.memory_space<vmem>>) target_semaphore(%run_scoped3A_71 : memref<!tpu.dma_semaphore, #tpu.memory_space<semaphore_mem>>)
        %dma_wait3A = arith.constant 0 : i32
        %dma_wait3A_90 = arith.constant 0 : i32
        %dma_wait3A_91 = arith.constant 0 : i32
        %dma_wait3A_92 = tpu.memref_slice %arg4[%run_scoped3A_57, %dma_wait3A, %dma_wait3A_90, %dma_wait3A_91] : memref<2x16x40x128xi32, #tpu.memory_space<hbm>> -> memref<1x16x40x128xi32, #tpu.memory_space<hbm>>
        %dma_wait3A_93 = tpu.memref_squeeze %dma_wait3A_92 : memref<1x16x40x128xi32, #tpu.memory_space<hbm>> -> memref<16x40x128xi32, #tpu.memory_space<hbm>>
        %dma_wait3A_94 = arith.constant 0 : i32
        %dma_wait3A_95 = arith.constant 0 : i32
        %dma_wait3A_96 = tpu.memref_slice %dma_wait3A_93[%arg1, %dma_wait3A_94, %dma_wait3A_95] : memref<16x40x128xi32, #tpu.memory_space<hbm>> -> memref<1x40x128xi32, #tpu.memory_space<hbm>>
        %dma_wait3A_97 = tpu.memref_squeeze %dma_wait3A_96 : memref<1x40x128xi32, #tpu.memory_space<hbm>> -> memref<40x128xi32, #tpu.memory_space<hbm>>
        %dma_wait3A_98 = arith.constant 0 : i32
        %dma_wait3A_99 = arith.constant 0 : i32
        %dma_wait3A_100 = arith.constant 0 : i32
        %dma_wait3A_101 = tpu.memref_slice %arg4[%run_scoped3A_57, %dma_wait3A_98, %dma_wait3A_99, %dma_wait3A_100] : memref<2x16x40x128xi32, #tpu.memory_space<hbm>> -> memref<1x16x40x128xi32, #tpu.memory_space<hbm>>
        %dma_wait3A_102 = tpu.memref_squeeze %dma_wait3A_101 : memref<1x16x40x128xi32, #tpu.memory_space<hbm>> -> memref<16x40x128xi32, #tpu.memory_space<hbm>>
        %dma_wait3A_103 = arith.constant 0 : i32
        %dma_wait3A_104 = arith.constant 0 : i32
        %dma_wait3A_105 = tpu.memref_slice %dma_wait3A_102[%arg1, %dma_wait3A_103, %dma_wait3A_104] : memref<16x40x128xi32, #tpu.memory_space<hbm>> -> memref<1x40x128xi32, #tpu.memory_space<hbm>>
        %dma_wait3A_106 = tpu.memref_squeeze %dma_wait3A_105 : memref<1x40x128xi32, #tpu.memory_space<hbm>> -> memref<40x128xi32, #tpu.memory_space<hbm>>
        tpu.wait_dma2 semaphore(%run_scoped3A_71 : memref<!tpu.dma_semaphore, #tpu.memory_space<semaphore_mem>>) src(%dma_wait3A_106 : memref<40x128xi32, #tpu.memory_space<hbm>>) dst(%arg8 : memref<40x128xi32, #tpu.memory_space<vmem>>)
        tpu.yield
      }) : () -> ()
      %run_scoped3A_58 = arith.constant 1 : i32
      "tpu.region"() ({
        %run_scoped3A_71 = tpu.sem_alloc : memref<!tpu.dma_semaphore, #tpu.memory_space<semaphore_mem>>
        %dma_start3A_72 = arith.constant 0 : i32
        %dma_start3A_73 = arith.constant 0 : i32
        %dma_start3A_74 = arith.constant 0 : i32
        %dma_start3A_75 = tpu.memref_slice %arg5[%run_scoped3A_58, %dma_start3A_72, %dma_start3A_73, %dma_start3A_74] : memref<2x16x40x128xi32, #tpu.memory_space<hbm>> -> memref<1x16x40x128xi32, #tpu.memory_space<hbm>>
        %dma_start3A_76 = tpu.memref_squeeze %dma_start3A_75 : memref<1x16x40x128xi32, #tpu.memory_space<hbm>> -> memref<16x40x128xi32, #tpu.memory_space<hbm>>
        %dma_start3A_77 = arith.constant 0 : i32
        %dma_start3A_78 = arith.constant 0 : i32
        %dma_start3A_79 = tpu.memref_slice %dma_start3A_76[%arg1, %dma_start3A_77, %dma_start3A_78] : memref<16x40x128xi32, #tpu.memory_space<hbm>> -> memref<1x40x128xi32, #tpu.memory_space<hbm>>
        %dma_start3A_80 = tpu.memref_squeeze %dma_start3A_79 : memref<1x40x128xi32, #tpu.memory_space<hbm>> -> memref<40x128xi32, #tpu.memory_space<hbm>>
        %dma_start3A_81 = arith.constant 0 : i32
        %dma_start3A_82 = arith.constant 0 : i32
        %dma_start3A_83 = arith.constant 0 : i32
        %dma_start3A_84 = tpu.memref_slice %arg5[%run_scoped3A_58, %dma_start3A_81, %dma_start3A_82, %dma_start3A_83] : memref<2x16x40x128xi32, #tpu.memory_space<hbm>> -> memref<1x16x40x128xi32, #tpu.memory_space<hbm>>
        %dma_start3A_85 = tpu.memref_squeeze %dma_start3A_84 : memref<1x16x40x128xi32, #tpu.memory_space<hbm>> -> memref<16x40x128xi32, #tpu.memory_space<hbm>>
        %dma_start3A_86 = arith.constant 0 : i32
        %dma_start3A_87 = arith.constant 0 : i32
        %dma_start3A_88 = tpu.memref_slice %dma_start3A_85[%arg1, %dma_start3A_86, %dma_start3A_87] : memref<16x40x128xi32, #tpu.memory_space<hbm>> -> memref<1x40x128xi32, #tpu.memory_space<hbm>>
        %dma_start3A_89 = tpu.memref_squeeze %dma_start3A_88 : memref<1x40x128xi32, #tpu.memory_space<hbm>> -> memref<40x128xi32, #tpu.memory_space<hbm>>
        tpu.enqueue_dma source(%dma_start3A_89 : memref<40x128xi32, #tpu.memory_space<hbm>>) target(%arg9 : memref<40x128xi32, #tpu.memory_space<vmem>>) target_semaphore(%run_scoped3A_71 : memref<!tpu.dma_semaphore, #tpu.memory_space<semaphore_mem>>)
        %dma_wait3A = arith.constant 0 : i32
        %dma_wait3A_90 = arith.constant 0 : i32
        %dma_wait3A_91 = arith.constant 0 : i32
        %dma_wait3A_92 = tpu.memref_slice %arg5[%run_scoped3A_58, %dma_wait3A, %dma_wait3A_90, %dma_wait3A_91] : memref<2x16x40x128xi32, #tpu.memory_space<hbm>> -> memref<1x16x40x128xi32, #tpu.memory_space<hbm>>
        %dma_wait3A_93 = tpu.memref_squeeze %dma_wait3A_92 : memref<1x16x40x128xi32, #tpu.memory_space<hbm>> -> memref<16x40x128xi32, #tpu.memory_space<hbm>>
        %dma_wait3A_94 = arith.constant 0 : i32
        %dma_wait3A_95 = arith.constant 0 : i32
        %dma_wait3A_96 = tpu.memref_slice %dma_wait3A_93[%arg1, %dma_wait3A_94, %dma_wait3A_95] : memref<16x40x128xi32, #tpu.memory_space<hbm>> -> memref<1x40x128xi32, #tpu.memory_space<hbm>>
        %dma_wait3A_97 = tpu.memref_squeeze %dma_wait3A_96 : memref<1x40x128xi32, #tpu.memory_space<hbm>> -> memref<40x128xi32, #tpu.memory_space<hbm>>
        %dma_wait3A_98 = arith.constant 0 : i32
        %dma_wait3A_99 = arith.constant 0 : i32
        %dma_wait3A_100 = arith.constant 0 : i32
        %dma_wait3A_101 = tpu.memref_slice %arg5[%run_scoped3A_58, %dma_wait3A_98, %dma_wait3A_99, %dma_wait3A_100] : memref<2x16x40x128xi32, #tpu.memory_space<hbm>> -> memref<1x16x40x128xi32, #tpu.memory_space<hbm>>
        %dma_wait3A_102 = tpu.memref_squeeze %dma_wait3A_101 : memref<1x16x40x128xi32, #tpu.memory_space<hbm>> -> memref<16x40x128xi32, #tpu.memory_space<hbm>>
        %dma_wait3A_103 = arith.constant 0 : i32
        %dma_wait3A_104 = arith.constant 0 : i32
        %dma_wait3A_105 = tpu.memref_slice %dma_wait3A_102[%arg1, %dma_wait3A_103, %dma_wait3A_104] : memref<16x40x128xi32, #tpu.memory_space<hbm>> -> memref<1x40x128xi32, #tpu.memory_space<hbm>>
        %dma_wait3A_106 = tpu.memref_squeeze %dma_wait3A_105 : memref<1x40x128xi32, #tpu.memory_space<hbm>> -> memref<40x128xi32, #tpu.memory_space<hbm>>
        tpu.wait_dma2 semaphore(%run_scoped3A_71 : memref<!tpu.dma_semaphore, #tpu.memory_space<semaphore_mem>>) src(%dma_wait3A_106 : memref<40x128xi32, #tpu.memory_space<hbm>>) dst(%arg9 : memref<40x128xi32, #tpu.memory_space<vmem>>)
        tpu.yield
      }) : () -> ()
      %dma_start3A_59 = arith.constant 0 : i32
      %dma_start3A_60 = arith.constant 0 : i32
      %dma_start3A_61 = tpu.memref_slice %arg8[%dma_start3A_59, %dma_start3A_60] : memref<40x128xi32, #tpu.memory_space<vmem>> -> memref<1x128xi32, #tpu.memory_space<vmem>>
      %dma_start3A_62 = tpu.memref_squeeze %dma_start3A_61 : memref<1x128xi32, #tpu.memory_space<vmem>> -> memref<128xi32, #tpu.memory_space<vmem>>
      %dma_start3A_63 = arith.constant 0 : i32
      %dma_start3A_64 = arith.constant 0 : i32
      %dma_start3A_65 = tpu.memref_slice %arg3[%dma_start3A_63, %dma_start3A_64] : memref<10000x128xf32, #tpu.memory_space<hbm>> -> memref<10000x128xf32, #tpu.memory_space<hbm>>
      tpu.enqueue_indirect_dma source(%dma_start3A_65 : memref<10000x128xf32, #tpu.memory_space<hbm>>) target(%arg10 : memref<128x128xf32, #tpu.memory_space<vmem>>) offsets(%dma_start3A_62 : memref<128xi32, #tpu.memory_space<vmem>>) semaphore(%arg13 : memref<!tpu.dma_semaphore, #tpu.memory_space<semaphore_mem>>)
      %scan3A_66 = arith.constant 0 : i32
      %scan3A_67 = arith.constant 20 : i32
      %scan3A_68 = arith.addi %scan3A_66, %scan3A_67 : i32
      %scan3A_69 = arith.constant 1 : i32
      scf.for %scan3A_71 = %scan3A_66 to %scan3A_68 step %scan3A_69  : i32 {
        %mul3A_72 = arith.constant 2 : i32
        %mul3A_73 = arith.muli %scan3A_71, %mul3A_72 : i32
        %add3A_74 = arith.constant 0 : i32
        %add3A_75 = arith.addi %add3A_74, %mul3A_73 : i32
        %dma_wait3A = arith.constant 0 : i32
        %dma_wait3A_76 = tpu.memref_slice %arg8[%add3A_75, %dma_wait3A] : memref<40x128xi32, #tpu.memory_space<vmem>> -> memref<1x128xi32, #tpu.memory_space<vmem>>
        %dma_wait3A_77 = tpu.memref_squeeze %dma_wait3A_76 : memref<1x128xi32, #tpu.memory_space<vmem>> -> memref<128xi32, #tpu.memory_space<vmem>>
        %dma_wait3A_78 = arith.constant 0 : i32
        %dma_wait3A_79 = arith.constant 0 : i32
        %dma_wait3A_80 = tpu.memref_slice %arg3[%dma_wait3A_78, %dma_wait3A_79] : memref<10000x128xf32, #tpu.memory_space<hbm>> -> memref<10000x128xf32, #tpu.memory_space<hbm>>
        tpu.wait_indirect_dma semaphore(%arg13 : memref<!tpu.dma_semaphore, #tpu.memory_space<semaphore_mem>>) src(%dma_wait3A_80 : memref<10000x128xf32, #tpu.memory_space<hbm>>) dst(%arg10 : memref<128x128xf32, #tpu.memory_space<vmem>>)
        %add3A_81 = arith.constant 1 : i32
        %add3A_82 = arith.addi %add3A_75, %add3A_81 : i32
        %dma_start3A_83 = arith.constant 0 : i32
        %dma_start3A_84 = tpu.memref_slice %arg8[%add3A_82, %dma_start3A_83] : memref<40x128xi32, #tpu.memory_space<vmem>> -> memref<1x128xi32, #tpu.memory_space<vmem>>
        %dma_start3A_85 = tpu.memref_squeeze %dma_start3A_84 : memref<1x128xi32, #tpu.memory_space<vmem>> -> memref<128xi32, #tpu.memory_space<vmem>>
        %dma_start3A_86 = arith.constant 0 : i32
        %dma_start3A_87 = arith.constant 0 : i32
        %dma_start3A_88 = tpu.memref_slice %arg3[%dma_start3A_86, %dma_start3A_87] : memref<10000x128xf32, #tpu.memory_space<hbm>> -> memref<10000x128xf32, #tpu.memory_space<hbm>>
        tpu.enqueue_indirect_dma source(%dma_start3A_88 : memref<10000x128xf32, #tpu.memory_space<hbm>>) target(%arg11 : memref<128x128xf32, #tpu.memory_space<vmem>>) offsets(%dma_start3A_85 : memref<128xi32, #tpu.memory_space<vmem>>) semaphore(%arg14 : memref<!tpu.dma_semaphore, #tpu.memory_space<semaphore_mem>>)
        "tpu.region"() ({
          %run_scoped3A_105 = tpu.sem_alloc : memref<!tpu.dma_semaphore, #tpu.memory_space<semaphore_mem>>
          %dma_start3A_106 = arith.constant 0 : i32
          %dma_start3A_107 = tpu.memref_slice %arg9[%add3A_75, %dma_start3A_106] : memref<40x128xi32, #tpu.memory_space<vmem>> -> memref<1x128xi32, #tpu.memory_space<vmem>>
          %dma_start3A_108 = tpu.memref_squeeze %dma_start3A_107 : memref<1x128xi32, #tpu.memory_space<vmem>> -> memref<128xi32, #tpu.memory_space<vmem>>
          %dma_start3A_109 = arith.constant 0 : i32
          %dma_start3A_110 = arith.constant 0 : i32
          %dma_start3A_111 = tpu.memref_slice %arg12[%dma_start3A_109, %dma_start3A_110] : memref<10240x128xf32, #tpu.memory_space<vmem_shared>> -> memref<10240x128xf32, #tpu.memory_space<vmem_shared>>
          tpu.enqueue_indirect_dma source(%arg10 : memref<128x128xf32, #tpu.memory_space<vmem>>) target(%dma_start3A_111 : memref<10240x128xf32, #tpu.memory_space<vmem_shared>>) offsets(%dma_start3A_108 : memref<128xi32, #tpu.memory_space<vmem>>) semaphore(%run_scoped3A_105 : memref<!tpu.dma_semaphore, #tpu.memory_space<semaphore_mem>>) {add = true}
          %dma_wait3A_112 = arith.constant 0 : i32
          %dma_wait3A_113 = tpu.memref_slice %arg9[%add3A_75, %dma_wait3A_112] : memref<40x128xi32, #tpu.memory_space<vmem>> -> memref<1x128xi32, #tpu.memory_space<vmem>>
          %dma_wait3A_114 = tpu.memref_squeeze %dma_wait3A_113 : memref<1x128xi32, #tpu.memory_space<vmem>> -> memref<128xi32, #tpu.memory_space<vmem>>
          %dma_wait3A_115 = arith.constant 0 : i32
          %dma_wait3A_116 = arith.constant 0 : i32
          %dma_wait3A_117 = tpu.memref_slice %arg12[%dma_wait3A_115, %dma_wait3A_116] : memref<10240x128xf32, #tpu.memory_space<vmem_shared>> -> memref<10240x128xf32, #tpu.memory_space<vmem_shared>>
          tpu.wait_indirect_dma semaphore(%run_scoped3A_105 : memref<!tpu.dma_semaphore, #tpu.memory_space<semaphore_mem>>) src(%arg10 : memref<128x128xf32, #tpu.memory_space<vmem>>) dst(%dma_wait3A_117 : memref<10240x128xf32, #tpu.memory_space<vmem_shared>>)
          tpu.yield
        }) : () -> ()
        %add3A_89 = arith.constant 1 : i32
        %add3A_90 = arith.addi %add3A_75, %add3A_89 : i32
        %dma_wait3A_91 = arith.constant 0 : i32
        %dma_wait3A_92 = tpu.memref_slice %arg8[%add3A_90, %dma_wait3A_91] : memref<40x128xi32, #tpu.memory_space<vmem>> -> memref<1x128xi32, #tpu.memory_space<vmem>>
        %dma_wait3A_93 = tpu.memref_squeeze %dma_wait3A_92 : memref<1x128xi32, #tpu.memory_space<vmem>> -> memref<128xi32, #tpu.memory_space<vmem>>
        %dma_wait3A_94 = arith.constant 0 : i32
        %dma_wait3A_95 = arith.constant 0 : i32
        %dma_wait3A_96 = tpu.memref_slice %arg3[%dma_wait3A_94, %dma_wait3A_95] : memref<10000x128xf32, #tpu.memory_space<hbm>> -> memref<10000x128xf32, #tpu.memory_space<hbm>>
        tpu.wait_indirect_dma semaphore(%arg14 : memref<!tpu.dma_semaphore, #tpu.memory_space<semaphore_mem>>) src(%dma_wait3A_96 : memref<10000x128xf32, #tpu.memory_space<hbm>>) dst(%arg11 : memref<128x128xf32, #tpu.memory_space<vmem>>)
        %add3A_97 = arith.constant 2 : i32
        %add3A_98 = arith.addi %add3A_75, %add3A_97 : i32
        %lt3A = arith.constant 40 : i32
        %lt3A_99 = arith.cmpi slt, %add3A_98, %lt3A : i32
        %convert_element_type3A_100 = arith.extui %lt3A_99 : i1 to i32
        %cond3A_101 = arith.constant 0 : i32
        %cond3A_102 = arith.cmpi ne, %convert_element_type3A_100, %cond3A_101 : i32
        scf.if %cond3A_102 {
          %add3A_105 = arith.constant 2 : i32
          %add3A_106 = arith.addi %add3A_75, %add3A_105 : i32
          %dma_start3A_107 = arith.constant 0 : i32
          %dma_start3A_108 = tpu.memref_slice %arg8[%add3A_106, %dma_start3A_107] : memref<40x128xi32, #tpu.memory_space<vmem>> -> memref<1x128xi32, #tpu.memory_space<vmem>>
          %dma_start3A_109 = tpu.memref_squeeze %dma_start3A_108 : memref<1x128xi32, #tpu.memory_space<vmem>> -> memref<128xi32, #tpu.memory_space<vmem>>
          %dma_start3A_110 = arith.constant 0 : i32
          %dma_start3A_111 = arith.constant 0 : i32
          %dma_start3A_112 = tpu.memref_slice %arg3[%dma_start3A_110, %dma_start3A_111] : memref<10000x128xf32, #tpu.memory_space<hbm>> -> memref<10000x128xf32, #tpu.memory_space<hbm>>
          tpu.enqueue_indirect_dma source(%dma_start3A_112 : memref<10000x128xf32, #tpu.memory_space<hbm>>) target(%arg10 : memref<128x128xf32, #tpu.memory_space<vmem>>) offsets(%dma_start3A_109 : memref<128xi32, #tpu.memory_space<vmem>>) semaphore(%arg13 : memref<!tpu.dma_semaphore, #tpu.memory_space<semaphore_mem>>)
        } else {
        }
        %add3A_103 = arith.constant 1 : i32
        %add3A_104 = arith.addi %add3A_75, %add3A_103 : i32
        "tpu.region"() ({
          %run_scoped3A_105 = tpu.sem_alloc : memref<!tpu.dma_semaphore, #tpu.memory_space<semaphore_mem>>
          %dma_start3A_106 = arith.constant 0 : i32
          %dma_start3A_107 = tpu.memref_slice %arg9[%add3A_104, %dma_start3A_106] : memref<40x128xi32, #tpu.memory_space<vmem>> -> memref<1x128xi32, #tpu.memory_space<vmem>>
          %dma_start3A_108 = tpu.memref_squeeze %dma_start3A_107 : memref<1x128xi32, #tpu.memory_space<vmem>> -> memref<128xi32, #tpu.memory_space<vmem>>
          %dma_start3A_109 = arith.constant 0 : i32
          %dma_start3A_110 = arith.constant 0 : i32
          %dma_start3A_111 = tpu.memref_slice %arg12[%dma_start3A_109, %dma_start3A_110] : memref<10240x128xf32, #tpu.memory_space<vmem_shared>> -> memref<10240x128xf32, #tpu.memory_space<vmem_shared>>
          tpu.enqueue_indirect_dma source(%arg11 : memref<128x128xf32, #tpu.memory_space<vmem>>) target(%dma_start3A_111 : memref<10240x128xf32, #tpu.memory_space<vmem_shared>>) offsets(%dma_start3A_108 : memref<128xi32, #tpu.memory_space<vmem>>) semaphore(%run_scoped3A_105 : memref<!tpu.dma_semaphore, #tpu.memory_space<semaphore_mem>>) {add = true}
          %dma_wait3A_112 = arith.constant 0 : i32
          %dma_wait3A_113 = tpu.memref_slice %arg9[%add3A_104, %dma_wait3A_112] : memref<40x128xi32, #tpu.memory_space<vmem>> -> memref<1x128xi32, #tpu.memory_space<vmem>>
          %dma_wait3A_114 = tpu.memref_squeeze %dma_wait3A_113 : memref<1x128xi32, #tpu.memory_space<vmem>> -> memref<128xi32, #tpu.memory_space<vmem>>
          %dma_wait3A_115 = arith.constant 0 : i32
          %dma_wait3A_116 = arith.constant 0 : i32
          %dma_wait3A_117 = tpu.memref_slice %arg12[%dma_wait3A_115, %dma_wait3A_116] : memref<10240x128xf32, #tpu.memory_space<vmem_shared>> -> memref<10240x128xf32, #tpu.memory_space<vmem_shared>>
          tpu.wait_indirect_dma semaphore(%run_scoped3A_105 : memref<!tpu.dma_semaphore, #tpu.memory_space<semaphore_mem>>) src(%arg11 : memref<128x128xf32, #tpu.memory_space<vmem>>) dst(%dma_wait3A_117 : memref<10240x128xf32, #tpu.memory_space<vmem_shared>>)
          tpu.yield
        }) : () -> ()
      }
      %scan3A_70 = arith.constant 20 : i32
    } else {
    }
    %barrier3A_25 = arith.constant 0 : index
    tpu.barrier barrier_id(%barrier3A_25)
    %mul3A_26 = arith.constant 640 : i32
    %mul3A_27 = arith.muli %arg1, %mul3A_26 : i32
    %add3A_28 = arith.constant 0 : i32
    %add3A_29 = arith.addi %mul3A_27, %add3A_28 : i32
    "tpu.region"() ({
      %run_scoped3A = tpu.sem_alloc : memref<!tpu.dma_semaphore, #tpu.memory_space<semaphore_mem>>
      %dma_start3A = arith.constant 0 : i32
      %dma_start3A_46 = tpu.memref_slice %arg12[%add3A_29, %dma_start3A] : memref<10240x128xf32, #tpu.memory_space<vmem_shared>> -> memref<128x128xf32, #tpu.memory_space<vmem_shared>>
      %dma_start3A_47 = arith.constant 0 : i32
      %dma_start3A_48 = tpu.memref_slice %arg12[%add3A_29, %dma_start3A_47] : memref<10240x128xf32, #tpu.memory_space<vmem_shared>> -> memref<128x128xf32, #tpu.memory_space<vmem_shared>>
      tpu.enqueue_dma source(%dma_start3A_48 : memref<128x128xf32, #tpu.memory_space<vmem_shared>>) target(%arg10 : memref<128x128xf32, #tpu.memory_space<vmem>>) target_semaphore(%run_scoped3A : memref<!tpu.dma_semaphore, #tpu.memory_space<semaphore_mem>>)
      %dma_wait3A = arith.constant 0 : i32
      %dma_wait3A_49 = tpu.memref_slice %arg12[%add3A_29, %dma_wait3A] : memref<10240x128xf32, #tpu.memory_space<vmem_shared>> -> memref<128x128xf32, #tpu.memory_space<vmem_shared>>
      %dma_wait3A_50 = arith.constant 0 : i32
      %dma_wait3A_51 = tpu.memref_slice %arg12[%add3A_29, %dma_wait3A_50] : memref<10240x128xf32, #tpu.memory_space<vmem_shared>> -> memref<128x128xf32, #tpu.memory_space<vmem_shared>>
      tpu.wait_dma2 semaphore(%run_scoped3A : memref<!tpu.dma_semaphore, #tpu.memory_space<semaphore_mem>>) src(%dma_wait3A_51 : memref<128x128xf32, #tpu.memory_space<vmem_shared>>) dst(%arg10 : memref<128x128xf32, #tpu.memory_space<vmem>>)
      tpu.yield
    }) : () -> ()
    "tpu.region"() ({
      %run_scoped3A = tpu.sem_alloc : memref<!tpu.dma_semaphore, #tpu.memory_space<semaphore_mem>>
      %dma_start3A = arith.constant 0 : i32
      %dma_start3A_46 = arith.constant 0 : i32
      %dma_start3A_47 = tpu.memref_slice %arg7[%arg0, %dma_start3A, %dma_start3A_46] : memref<2x10240x128xf32, #tpu.memory_space<hbm>> -> memref<1x10240x128xf32, #tpu.memory_space<hbm>>
      %dma_start3A_48 = tpu.memref_squeeze %dma_start3A_47 : memref<1x10240x128xf32, #tpu.memory_space<hbm>> -> memref<10240x128xf32, #tpu.memory_space<hbm>>
      %dma_start3A_49 = arith.constant 0 : i32
      %dma_start3A_50 = tpu.memref_slice %dma_start3A_48[%add3A_29, %dma_start3A_49] : memref<10240x128xf32, #tpu.memory_space<hbm>> -> memref<128x128xf32, #tpu.memory_space<hbm>>
      %dma_start3A_51 = arith.constant 0 : i32
      %dma_start3A_52 = arith.constant 0 : i32
      %dma_start3A_53 = tpu.memref_slice %arg7[%arg0, %dma_start3A_51, %dma_start3A_52] : memref<2x10240x128xf32, #tpu.memory_space<hbm>> -> memref<1x10240x128xf32, #tpu.memory_space<hbm>>
      %dma_start3A_54 = tpu.memref_squeeze %dma_start3A_53 : memref<1x10240x128xf32, #tpu.memory_space<hbm>> -> memref<10240x128xf32, #tpu.memory_space<hbm>>
      %dma_start3A_55 = arith.constant 0 : i32
      %dma_start3A_56 = tpu.memref_slice %dma_start3A_54[%add3A_29, %dma_start3A_55] : memref<10240x128xf32, #tpu.memory_space<hbm>> -> memref<128x128xf32, #tpu.memory_space<hbm>>
      tpu.enqueue_dma source(%arg10 : memref<128x128xf32, #tpu.memory_space<vmem>>) target(%dma_start3A_56 : memref<128x128xf32, #tpu.memory_space<hbm>>) target_semaphore(%run_scoped3A : memref<!tpu.dma_semaphore, #tpu.memory_space<semaphore_mem>>)
      %dma_wait3A = arith.constant 0 : i32
      %dma_wait3A_57 = arith.constant 0 : i32
      %dma_wait3A_58 = tpu.memref_slice %arg7[%arg0, %dma_wait3A, %dma_wait3A_57] : memref<2x10240x128xf32, #tpu.memory_space<hbm>> -> memref<1x10240x128xf32, #tpu.memory_space<hbm>>
      %dma_wait3A_59 = tpu.memref_squeeze %dma_wait3A_58 : memref<1x10240x128xf32, #tpu.memory_space<hbm>> -> memref<10240x128xf32, #tpu.memory_space<hbm>>
      %dma_wait3A_60 = arith.constant 0 : i32
      %dma_wait3A_61 = tpu.memref_slice %dma_wait3A_59[%add3A_29, %dma_wait3A_60] : memref<10240x128xf32, #tpu.memory_space<hbm>> -> memref<128x128xf32, #tpu.memory_space<hbm>>
      %dma_wait3A_62 = arith.constant 0 : i32
      %dma_wait3A_63 = arith.constant 0 : i32
      %dma_wait3A_64 = tpu.memref_slice %arg7[%arg0, %dma_wait3A_62, %dma_wait3A_63] : memref<2x10240x128xf32, #tpu.memory_space<hbm>> -> memref<1x10240x128xf32, #tpu.memory_space<hbm>>
      %dma_wait3A_65 = tpu.memref_squeeze %dma_wait3A_64 : memref<1x10240x128xf32, #tpu.memory_space<hbm>> -> memref<10240x128xf32, #tpu.memory_space<hbm>>
      %dma_wait3A_66 = arith.constant 0 : i32
      %dma_wait3A_67 = tpu.memref_slice %dma_wait3A_65[%add3A_29, %dma_wait3A_66] : memref<10240x128xf32, #tpu.memory_space<hbm>> -> memref<128x128xf32, #tpu.memory_space<hbm>>
      tpu.wait_dma2 semaphore(%run_scoped3A : memref<!tpu.dma_semaphore, #tpu.memory_space<semaphore_mem>>) src(%arg10 : memref<128x128xf32, #tpu.memory_space<vmem>>) dst(%dma_wait3A_67 : memref<128x128xf32, #tpu.memory_space<hbm>>)
      tpu.yield
    }) : () -> ()
    %mul3A_30 = arith.constant 640 : i32
    %mul3A_31 = arith.muli %arg1, %mul3A_30 : i32
    %add3A_32 = arith.constant 128 : i32
    %add3A_33 = arith.addi %mul3A_31, %add3A_32 : i32
    "tpu.region"() ({
      %run_scoped3A = tpu.sem_alloc : memref<!tpu.dma_semaphore, #tpu.memory_space<semaphore_mem>>
      %dma_start3A = arith.constant 0 : i32
      %dma_start3A_46 = tpu.memref_slice %arg12[%add3A_33, %dma_start3A] : memref<10240x128xf32, #tpu.memory_space<vmem_shared>> -> memref<128x128xf32, #tpu.memory_space<vmem_shared>>
      %dma_start3A_47 = arith.constant 0 : i32
      %dma_start3A_48 = tpu.memref_slice %arg12[%add3A_33, %dma_start3A_47] : memref<10240x128xf32, #tpu.memory_space<vmem_shared>> -> memref<128x128xf32, #tpu.memory_space<vmem_shared>>
      tpu.enqueue_dma source(%dma_start3A_48 : memref<128x128xf32, #tpu.memory_space<vmem_shared>>) target(%arg10 : memref<128x128xf32, #tpu.memory_space<vmem>>) target_semaphore(%run_scoped3A : memref<!tpu.dma_semaphore, #tpu.memory_space<semaphore_mem>>)
      %dma_wait3A = arith.constant 0 : i32
      %dma_wait3A_49 = tpu.memref_slice %arg12[%add3A_33, %dma_wait3A] : memref<10240x128xf32, #tpu.memory_space<vmem_shared>> -> memref<128x128xf32, #tpu.memory_space<vmem_shared>>
      %dma_wait3A_50 = arith.constant 0 : i32
      %dma_wait3A_51 = tpu.memref_slice %arg12[%add3A_33, %dma_wait3A_50] : memref<10240x128xf32, #tpu.memory_space<vmem_shared>> -> memref<128x128xf32, #tpu.memory_space<vmem_shared>>
      tpu.wait_dma2 semaphore(%run_scoped3A : memref<!tpu.dma_semaphore, #tpu.memory_space<semaphore_mem>>) src(%dma_wait3A_51 : memref<128x128xf32, #tpu.memory_space<vmem_shared>>) dst(%arg10 : memref<128x128xf32, #tpu.memory_space<vmem>>)
      tpu.yield
    }) : () -> ()
    "tpu.region"() ({
      %run_scoped3A = tpu.sem_alloc : memref<!tpu.dma_semaphore, #tpu.memory_space<semaphore_mem>>
      %dma_start3A = arith.constant 0 : i32
      %dma_start3A_46 = arith.constant 0 : i32
      %dma_start3A_47 = tpu.memref_slice %arg7[%arg0, %dma_start3A, %dma_start3A_46] : memref<2x10240x128xf32, #tpu.memory_space<hbm>> -> memref<1x10240x128xf32, #tpu.memory_space<hbm>>
      %dma_start3A_48 = tpu.memref_squeeze %dma_start3A_47 : memref<1x10240x128xf32, #tpu.memory_space<hbm>> -> memref<10240x128xf32, #tpu.memory_space<hbm>>
      %dma_start3A_49 = arith.constant 0 : i32
      %dma_start3A_50 = tpu.memref_slice %dma_start3A_48[%add3A_33, %dma_start3A_49] : memref<10240x128xf32, #tpu.memory_space<hbm>> -> memref<128x128xf32, #tpu.memory_space<hbm>>
      %dma_start3A_51 = arith.constant 0 : i32
      %dma_start3A_52 = arith.constant 0 : i32
      %dma_start3A_53 = tpu.memref_slice %arg7[%arg0, %dma_start3A_51, %dma_start3A_52] : memref<2x10240x128xf32, #tpu.memory_space<hbm>> -> memref<1x10240x128xf32, #tpu.memory_space<hbm>>
      %dma_start3A_54 = tpu.memref_squeeze %dma_start3A_53 : memref<1x10240x128xf32, #tpu.memory_space<hbm>> -> memref<10240x128xf32, #tpu.memory_space<hbm>>
      %dma_start3A_55 = arith.constant 0 : i32
      %dma_start3A_56 = tpu.memref_slice %dma_start3A_54[%add3A_33, %dma_start3A_55] : memref<10240x128xf32, #tpu.memory_space<hbm>> -> memref<128x128xf32, #tpu.memory_space<hbm>>
      tpu.enqueue_dma source(%arg10 : memref<128x128xf32, #tpu.memory_space<vmem>>) target(%dma_start3A_56 : memref<128x128xf32, #tpu.memory_space<hbm>>) target_semaphore(%run_scoped3A : memref<!tpu.dma_semaphore, #tpu.memory_space<semaphore_mem>>)
      %dma_wait3A = arith.constant 0 : i32
      %dma_wait3A_57 = arith.constant 0 : i32
      %dma_wait3A_58 = tpu.memref_slice %arg7[%arg0, %dma_wait3A, %dma_wait3A_57] : memref<2x10240x128xf32, #tpu.memory_space<hbm>> -> memref<1x10240x128xf32, #tpu.memory_space<hbm>>
      %dma_wait3A_59 = tpu.memref_squeeze %dma_wait3A_58 : memref<1x10240x128xf32, #tpu.memory_space<hbm>> -> memref<10240x128xf32, #tpu.memory_space<hbm>>
      %dma_wait3A_60 = arith.constant 0 : i32
      %dma_wait3A_61 = tpu.memref_slice %dma_wait3A_59[%add3A_33, %dma_wait3A_60] : memref<10240x128xf32, #tpu.memory_space<hbm>> -> memref<128x128xf32, #tpu.memory_space<hbm>>
      %dma_wait3A_62 = arith.constant 0 : i32
      %dma_wait3A_63 = arith.constant 0 : i32
      %dma_wait3A_64 = tpu.memref_slice %arg7[%arg0, %dma_wait3A_62, %dma_wait3A_63] : memref<2x10240x128xf32, #tpu.memory_space<hbm>> -> memref<1x10240x128xf32, #tpu.memory_space<hbm>>
      %dma_wait3A_65 = tpu.memref_squeeze %dma_wait3A_64 : memref<1x10240x128xf32, #tpu.memory_space<hbm>> -> memref<10240x128xf32, #tpu.memory_space<hbm>>
      %dma_wait3A_66 = arith.constant 0 : i32
      %dma_wait3A_67 = tpu.memref_slice %dma_wait3A_65[%add3A_33, %dma_wait3A_66] : memref<10240x128xf32, #tpu.memory_space<hbm>> -> memref<128x128xf32, #tpu.memory_space<hbm>>
      tpu.wait_dma2 semaphore(%run_scoped3A : memref<!tpu.dma_semaphore, #tpu.memory_space<semaphore_mem>>) src(%arg10 : memref<128x128xf32, #tpu.memory_space<vmem>>) dst(%dma_wait3A_67 : memref<128x128xf32, #tpu.memory_space<hbm>>)
      tpu.yield
    }) : () -> ()
    %mul3A_34 = arith.constant 640 : i32
    %mul3A_35 = arith.muli %arg1, %mul3A_34 : i32
    %add3A_36 = arith.constant 256 : i32
    %add3A_37 = arith.addi %mul3A_35, %add3A_36 : i32
    "tpu.region"() ({
      %run_scoped3A = tpu.sem_alloc : memref<!tpu.dma_semaphore, #tpu.memory_space<semaphore_mem>>
      %dma_start3A = arith.constant 0 : i32
      %dma_start3A_46 = tpu.memref_slice %arg12[%add3A_37, %dma_start3A] : memref<10240x128xf32, #tpu.memory_space<vmem_shared>> -> memref<128x128xf32, #tpu.memory_space<vmem_shared>>
      %dma_start3A_47 = arith.constant 0 : i32
      %dma_start3A_48 = tpu.memref_slice %arg12[%add3A_37, %dma_start3A_47] : memref<10240x128xf32, #tpu.memory_space<vmem_shared>> -> memref<128x128xf32, #tpu.memory_space<vmem_shared>>
      tpu.enqueue_dma source(%dma_start3A_48 : memref<128x128xf32, #tpu.memory_space<vmem_shared>>) target(%arg10 : memref<128x128xf32, #tpu.memory_space<vmem>>) target_semaphore(%run_scoped3A : memref<!tpu.dma_semaphore, #tpu.memory_space<semaphore_mem>>)
      %dma_wait3A = arith.constant 0 : i32
      %dma_wait3A_49 = tpu.memref_slice %arg12[%add3A_37, %dma_wait3A] : memref<10240x128xf32, #tpu.memory_space<vmem_shared>> -> memref<128x128xf32, #tpu.memory_space<vmem_shared>>
      %dma_wait3A_50 = arith.constant 0 : i32
      %dma_wait3A_51 = tpu.memref_slice %arg12[%add3A_37, %dma_wait3A_50] : memref<10240x128xf32, #tpu.memory_space<vmem_shared>> -> memref<128x128xf32, #tpu.memory_space<vmem_shared>>
      tpu.wait_dma2 semaphore(%run_scoped3A : memref<!tpu.dma_semaphore, #tpu.memory_space<semaphore_mem>>) src(%dma_wait3A_51 : memref<128x128xf32, #tpu.memory_space<vmem_shared>>) dst(%arg10 : memref<128x128xf32, #tpu.memory_space<vmem>>)
      tpu.yield
    }) : () -> ()
    "tpu.region"() ({
      %run_scoped3A = tpu.sem_alloc : memref<!tpu.dma_semaphore, #tpu.memory_space<semaphore_mem>>
      %dma_start3A = arith.constant 0 : i32
      %dma_start3A_46 = arith.constant 0 : i32
      %dma_start3A_47 = tpu.memref_slice %arg7[%arg0, %dma_start3A, %dma_start3A_46] : memref<2x10240x128xf32, #tpu.memory_space<hbm>> -> memref<1x10240x128xf32, #tpu.memory_space<hbm>>
      %dma_start3A_48 = tpu.memref_squeeze %dma_start3A_47 : memref<1x10240x128xf32, #tpu.memory_space<hbm>> -> memref<10240x128xf32, #tpu.memory_space<hbm>>
      %dma_start3A_49 = arith.constant 0 : i32
      %dma_start3A_50 = tpu.memref_slice %dma_start3A_48[%add3A_37, %dma_start3A_49] : memref<10240x128xf32, #tpu.memory_space<hbm>> -> memref<128x128xf32, #tpu.memory_space<hbm>>
      %dma_start3A_51 = arith.constant 0 : i32
      %dma_start3A_52 = arith.constant 0 : i32
      %dma_start3A_53 = tpu.memref_slice %arg7[%arg0, %dma_start3A_51, %dma_start3A_52] : memref<2x10240x128xf32, #tpu.memory_space<hbm>> -> memref<1x10240x128xf32, #tpu.memory_space<hbm>>
      %dma_start3A_54 = tpu.memref_squeeze %dma_start3A_53 : memref<1x10240x128xf32, #tpu.memory_space<hbm>> -> memref<10240x128xf32, #tpu.memory_space<hbm>>
      %dma_start3A_55 = arith.constant 0 : i32
      %dma_start3A_56 = tpu.memref_slice %dma_start3A_54[%add3A_37, %dma_start3A_55] : memref<10240x128xf32, #tpu.memory_space<hbm>> -> memref<128x128xf32, #tpu.memory_space<hbm>>
      tpu.enqueue_dma source(%arg10 : memref<128x128xf32, #tpu.memory_space<vmem>>) target(%dma_start3A_56 : memref<128x128xf32, #tpu.memory_space<hbm>>) target_semaphore(%run_scoped3A : memref<!tpu.dma_semaphore, #tpu.memory_space<semaphore_mem>>)
      %dma_wait3A = arith.constant 0 : i32
      %dma_wait3A_57 = arith.constant 0 : i32
      %dma_wait3A_58 = tpu.memref_slice %arg7[%arg0, %dma_wait3A, %dma_wait3A_57] : memref<2x10240x128xf32, #tpu.memory_space<hbm>> -> memref<1x10240x128xf32, #tpu.memory_space<hbm>>
      %dma_wait3A_59 = tpu.memref_squeeze %dma_wait3A_58 : memref<1x10240x128xf32, #tpu.memory_space<hbm>> -> memref<10240x128xf32, #tpu.memory_space<hbm>>
      %dma_wait3A_60 = arith.constant 0 : i32
      %dma_wait3A_61 = tpu.memref_slice %dma_wait3A_59[%add3A_37, %dma_wait3A_60] : memref<10240x128xf32, #tpu.memory_space<hbm>> -> memref<128x128xf32, #tpu.memory_space<hbm>>
      %dma_wait3A_62 = arith.constant 0 : i32
      %dma_wait3A_63 = arith.constant 0 : i32
      %dma_wait3A_64 = tpu.memref_slice %arg7[%arg0, %dma_wait3A_62, %dma_wait3A_63] : memref<2x10240x128xf32, #tpu.memory_space<hbm>> -> memref<1x10240x128xf32, #tpu.memory_space<hbm>>
      %dma_wait3A_65 = tpu.memref_squeeze %dma_wait3A_64 : memref<1x10240x128xf32, #tpu.memory_space<hbm>> -> memref<10240x128xf32, #tpu.memory_space<hbm>>
      %dma_wait3A_66 = arith.constant 0 : i32
      %dma_wait3A_67 = tpu.memref_slice %dma_wait3A_65[%add3A_37, %dma_wait3A_66] : memref<10240x128xf32, #tpu.memory_space<hbm>> -> memref<128x128xf32, #tpu.memory_space<hbm>>
      tpu.wait_dma2 semaphore(%run_scoped3A : memref<!tpu.dma_semaphore, #tpu.memory_space<semaphore_mem>>) src(%arg10 : memref<128x128xf32, #tpu.memory_space<vmem>>) dst(%dma_wait3A_67 : memref<128x128xf32, #tpu.memory_space<hbm>>)
      tpu.yield
    }) : () -> ()
    %mul3A_38 = arith.constant 640 : i32
    %mul3A_39 = arith.muli %arg1, %mul3A_38 : i32
    %add3A_40 = arith.constant 384 : i32
    %add3A_41 = arith.addi %mul3A_39, %add3A_40 : i32
    "tpu.region"() ({
      %run_scoped3A = tpu.sem_alloc : memref<!tpu.dma_semaphore, #tpu.memory_space<semaphore_mem>>
      %dma_start3A = arith.constant 0 : i32
      %dma_start3A_46 = tpu.memref_slice %arg12[%add3A_41, %dma_start3A] : memref<10240x128xf32, #tpu.memory_space<vmem_shared>> -> memref<128x128xf32, #tpu.memory_space<vmem_shared>>
      %dma_start3A_47 = arith.constant 0 : i32
      %dma_start3A_48 = tpu.memref_slice %arg12[%add3A_41, %dma_start3A_47] : memref<10240x128xf32, #tpu.memory_space<vmem_shared>> -> memref<128x128xf32, #tpu.memory_space<vmem_shared>>
      tpu.enqueue_dma source(%dma_start3A_48 : memref<128x128xf32, #tpu.memory_space<vmem_shared>>) target(%arg10 : memref<128x128xf32, #tpu.memory_space<vmem>>) target_semaphore(%run_scoped3A : memref<!tpu.dma_semaphore, #tpu.memory_space<semaphore_mem>>)
      %dma_wait3A = arith.constant 0 : i32
      %dma_wait3A_49 = tpu.memref_slice %arg12[%add3A_41, %dma_wait3A] : memref<10240x128xf32, #tpu.memory_space<vmem_shared>> -> memref<128x128xf32, #tpu.memory_space<vmem_shared>>
      %dma_wait3A_50 = arith.constant 0 : i32
      %dma_wait3A_51 = tpu.memref_slice %arg12[%add3A_41, %dma_wait3A_50] : memref<10240x128xf32, #tpu.memory_space<vmem_shared>> -> memref<128x128xf32, #tpu.memory_space<vmem_shared>>
      tpu.wait_dma2 semaphore(%run_scoped3A : memref<!tpu.dma_semaphore, #tpu.memory_space<semaphore_mem>>) src(%dma_wait3A_51 : memref<128x128xf32, #tpu.memory_space<vmem_shared>>) dst(%arg10 : memref<128x128xf32, #tpu.memory_space<vmem>>)
      tpu.yield
    }) : () -> ()
    "tpu.region"() ({
      %run_scoped3A = tpu.sem_alloc : memref<!tpu.dma_semaphore, #tpu.memory_space<semaphore_mem>>
      %dma_start3A = arith.constant 0 : i32
      %dma_start3A_46 = arith.constant 0 : i32
      %dma_start3A_47 = tpu.memref_slice %arg7[%arg0, %dma_start3A, %dma_start3A_46] : memref<2x10240x128xf32, #tpu.memory_space<hbm>> -> memref<1x10240x128xf32, #tpu.memory_space<hbm>>
      %dma_start3A_48 = tpu.memref_squeeze %dma_start3A_47 : memref<1x10240x128xf32, #tpu.memory_space<hbm>> -> memref<10240x128xf32, #tpu.memory_space<hbm>>
      %dma_start3A_49 = arith.constant 0 : i32
      %dma_start3A_50 = tpu.memref_slice %dma_start3A_48[%add3A_41, %dma_start3A_49] : memref<10240x128xf32, #tpu.memory_space<hbm>> -> memref<128x128xf32, #tpu.memory_space<hbm>>
      %dma_start3A_51 = arith.constant 0 : i32
      %dma_start3A_52 = arith.constant 0 : i32
      %dma_start3A_53 = tpu.memref_slice %arg7[%arg0, %dma_start3A_51, %dma_start3A_52] : memref<2x10240x128xf32, #tpu.memory_space<hbm>> -> memref<1x10240x128xf32, #tpu.memory_space<hbm>>
      %dma_start3A_54 = tpu.memref_squeeze %dma_start3A_53 : memref<1x10240x128xf32, #tpu.memory_space<hbm>> -> memref<10240x128xf32, #tpu.memory_space<hbm>>
      %dma_start3A_55 = arith.constant 0 : i32
      %dma_start3A_56 = tpu.memref_slice %dma_start3A_54[%add3A_41, %dma_start3A_55] : memref<10240x128xf32, #tpu.memory_space<hbm>> -> memref<128x128xf32, #tpu.memory_space<hbm>>
      tpu.enqueue_dma source(%arg10 : memref<128x128xf32, #tpu.memory_space<vmem>>) target(%dma_start3A_56 : memref<128x128xf32, #tpu.memory_space<hbm>>) target_semaphore(%run_scoped3A : memref<!tpu.dma_semaphore, #tpu.memory_space<semaphore_mem>>)
      %dma_wait3A = arith.constant 0 : i32
      %dma_wait3A_57 = arith.constant 0 : i32
      %dma_wait3A_58 = tpu.memref_slice %arg7[%arg0, %dma_wait3A, %dma_wait3A_57] : memref<2x10240x128xf32, #tpu.memory_space<hbm>> -> memref<1x10240x128xf32, #tpu.memory_space<hbm>>
      %dma_wait3A_59 = tpu.memref_squeeze %dma_wait3A_58 : memref<1x10240x128xf32, #tpu.memory_space<hbm>> -> memref<10240x128xf32, #tpu.memory_space<hbm>>
      %dma_wait3A_60 = arith.constant 0 : i32
      %dma_wait3A_61 = tpu.memref_slice %dma_wait3A_59[%add3A_41, %dma_wait3A_60] : memref<10240x128xf32, #tpu.memory_space<hbm>> -> memref<128x128xf32, #tpu.memory_space<hbm>>
      %dma_wait3A_62 = arith.constant 0 : i32
      %dma_wait3A_63 = arith.constant 0 : i32
      %dma_wait3A_64 = tpu.memref_slice %arg7[%arg0, %dma_wait3A_62, %dma_wait3A_63] : memref<2x10240x128xf32, #tpu.memory_space<hbm>> -> memref<1x10240x128xf32, #tpu.memory_space<hbm>>
      %dma_wait3A_65 = tpu.memref_squeeze %dma_wait3A_64 : memref<1x10240x128xf32, #tpu.memory_space<hbm>> -> memref<10240x128xf32, #tpu.memory_space<hbm>>
      %dma_wait3A_66 = arith.constant 0 : i32
      %dma_wait3A_67 = tpu.memref_slice %dma_wait3A_65[%add3A_41, %dma_wait3A_66] : memref<10240x128xf32, #tpu.memory_space<hbm>> -> memref<128x128xf32, #tpu.memory_space<hbm>>
      tpu.wait_dma2 semaphore(%run_scoped3A : memref<!tpu.dma_semaphore, #tpu.memory_space<semaphore_mem>>) src(%arg10 : memref<128x128xf32, #tpu.memory_space<vmem>>) dst(%dma_wait3A_67 : memref<128x128xf32, #tpu.memory_space<hbm>>)
      tpu.yield
    }) : () -> ()
    %mul3A_42 = arith.constant 640 : i32
    %mul3A_43 = arith.muli %arg1, %mul3A_42 : i32
    %add3A_44 = arith.constant 512 : i32
    %add3A_45 = arith.addi %mul3A_43, %add3A_44 : i32
    "tpu.region"() ({
      %run_scoped3A = tpu.sem_alloc : memref<!tpu.dma_semaphore, #tpu.memory_space<semaphore_mem>>
      %dma_start3A = arith.constant 0 : i32
      %dma_start3A_46 = tpu.memref_slice %arg12[%add3A_45, %dma_start3A] : memref<10240x128xf32, #tpu.memory_space<vmem_shared>> -> memref<128x128xf32, #tpu.memory_space<vmem_shared>>
      %dma_start3A_47 = arith.constant 0 : i32
      %dma_start3A_48 = tpu.memref_slice %arg12[%add3A_45, %dma_start3A_47] : memref<10240x128xf32, #tpu.memory_space<vmem_shared>> -> memref<128x128xf32, #tpu.memory_space<vmem_shared>>
      tpu.enqueue_dma source(%dma_start3A_48 : memref<128x128xf32, #tpu.memory_space<vmem_shared>>) target(%arg10 : memref<128x128xf32, #tpu.memory_space<vmem>>) target_semaphore(%run_scoped3A : memref<!tpu.dma_semaphore, #tpu.memory_space<semaphore_mem>>)
      %dma_wait3A = arith.constant 0 : i32
      %dma_wait3A_49 = tpu.memref_slice %arg12[%add3A_45, %dma_wait3A] : memref<10240x128xf32, #tpu.memory_space<vmem_shared>> -> memref<128x128xf32, #tpu.memory_space<vmem_shared>>
      %dma_wait3A_50 = arith.constant 0 : i32
      %dma_wait3A_51 = tpu.memref_slice %arg12[%add3A_45, %dma_wait3A_50] : memref<10240x128xf32, #tpu.memory_space<vmem_shared>> -> memref<128x128xf32, #tpu.memory_space<vmem_shared>>
      tpu.wait_dma2 semaphore(%run_scoped3A : memref<!tpu.dma_semaphore, #tpu.memory_space<semaphore_mem>>) src(%dma_wait3A_51 : memref<128x128xf32, #tpu.memory_space<vmem_shared>>) dst(%arg10 : memref<128x128xf32, #tpu.memory_space<vmem>>)
      tpu.yield
    }) : () -> ()
    "tpu.region"() ({
      %run_scoped3A = tpu.sem_alloc : memref<!tpu.dma_semaphore, #tpu.memory_space<semaphore_mem>>
      %dma_start3A = arith.constant 0 : i32
      %dma_start3A_46 = arith.constant 0 : i32
      %dma_start3A_47 = tpu.memref_slice %arg7[%arg0, %dma_start3A, %dma_start3A_46] : memref<2x10240x128xf32, #tpu.memory_space<hbm>> -> memref<1x10240x128xf32, #tpu.memory_space<hbm>>
      %dma_start3A_48 = tpu.memref_squeeze %dma_start3A_47 : memref<1x10240x128xf32, #tpu.memory_space<hbm>> -> memref<10240x128xf32, #tpu.memory_space<hbm>>
      %dma_start3A_49 = arith.constant 0 : i32
      %dma_start3A_50 = tpu.memref_slice %dma_start3A_48[%add3A_45, %dma_start3A_49] : memref<10240x128xf32, #tpu.memory_space<hbm>> -> memref<128x128xf32, #tpu.memory_space<hbm>>
      %dma_start3A_51 = arith.constant 0 : i32
      %dma_start3A_52 = arith.constant 0 : i32
      %dma_start3A_53 = tpu.memref_slice %arg7[%arg0, %dma_start3A_51, %dma_start3A_52] : memref<2x10240x128xf32, #tpu.memory_space<hbm>> -> memref<1x10240x128xf32, #tpu.memory_space<hbm>>
      %dma_start3A_54 = tpu.memref_squeeze %dma_start3A_53 : memref<1x10240x128xf32, #tpu.memory_space<hbm>> -> memref<10240x128xf32, #tpu.memory_space<hbm>>
      %dma_start3A_55 = arith.constant 0 : i32
      %dma_start3A_56 = tpu.memref_slice %dma_start3A_54[%add3A_45, %dma_start3A_55] : memref<10240x128xf32, #tpu.memory_space<hbm>> -> memref<128x128xf32, #tpu.memory_space<hbm>>
      tpu.enqueue_dma source(%arg10 : memref<128x128xf32, #tpu.memory_space<vmem>>) target(%dma_start3A_56 : memref<128x128xf32, #tpu.memory_space<hbm>>) target_semaphore(%run_scoped3A : memref<!tpu.dma_semaphore, #tpu.memory_space<semaphore_mem>>)
      %dma_wait3A = arith.constant 0 : i32
      %dma_wait3A_57 = arith.constant 0 : i32
      %dma_wait3A_58 = tpu.memref_slice %arg7[%arg0, %dma_wait3A, %dma_wait3A_57] : memref<2x10240x128xf32, #tpu.memory_space<hbm>> -> memref<1x10240x128xf32, #tpu.memory_space<hbm>>
      %dma_wait3A_59 = tpu.memref_squeeze %dma_wait3A_58 : memref<1x10240x128xf32, #tpu.memory_space<hbm>> -> memref<10240x128xf32, #tpu.memory_space<hbm>>
      %dma_wait3A_60 = arith.constant 0 : i32
      %dma_wait3A_61 = tpu.memref_slice %dma_wait3A_59[%add3A_45, %dma_wait3A_60] : memref<10240x128xf32, #tpu.memory_space<hbm>> -> memref<128x128xf32, #tpu.memory_space<hbm>>
      %dma_wait3A_62 = arith.constant 0 : i32
      %dma_wait3A_63 = arith.constant 0 : i32
      %dma_wait3A_64 = tpu.memref_slice %arg7[%arg0, %dma_wait3A_62, %dma_wait3A_63] : memref<2x10240x128xf32, #tpu.memory_space<hbm>> -> memref<1x10240x128xf32, #tpu.memory_space<hbm>>
      %dma_wait3A_65 = tpu.memref_squeeze %dma_wait3A_64 : memref<1x10240x128xf32, #tpu.memory_space<hbm>> -> memref<10240x128xf32, #tpu.memory_space<hbm>>
      %dma_wait3A_66 = arith.constant 0 : i32
      %dma_wait3A_67 = tpu.memref_slice %dma_wait3A_65[%add3A_45, %dma_wait3A_66] : memref<10240x128xf32, #tpu.memory_space<hbm>> -> memref<128x128xf32, #tpu.memory_space<hbm>>
      tpu.wait_dma2 semaphore(%run_scoped3A : memref<!tpu.dma_semaphore, #tpu.memory_space<semaphore_mem>>) src(%arg10 : memref<128x128xf32, #tpu.memory_space<vmem>>) dst(%dma_wait3A_67 : memref<128x128xf32, #tpu.memory_space<hbm>>)
      tpu.yield
    }) : () -> ()
    return
  }
}

module attributes {stable_mosaic.version = 14 : i64} {
  func.func @_k2_body(%arg0: i32, %arg1: memref<2000x256xf32, #tpu.memory_space<vmem>>, %arg2: memref<256x256xf32, #tpu.memory_space<vmem>>, %arg3: memref<2000x2xf32, #tpu.memory_space<vmem>>, %arg4: memref<2000x128xf32, #tpu.memory_space<vmem>>, %arg5: memref<2000x128xf32, #tpu.memory_space<vmem>>) attributes {dimension_semantics = [#tpu.dimension_semantics<arbitrary>], iteration_bounds = array<i64: 5>, scalar_prefetch = 0 : i64, scratch_operands = 0 : i64, tpu.core_type = #tpu.core_type<tc>, window_params = [{transform_indices = @transform_0, window_bounds = array<i64: 2000, 256>}, {pipeline_mode = #tpu.pipeline_mode<synchronous>, transform_indices = @transform_1, window_bounds = array<i64: 256, 256>}, {transform_indices = @transform_2, window_bounds = array<i64: 2000, 2>}, {transform_indices = @transform_3, window_bounds = array<i64: 2000, 128>}, {transform_indices = @transform_4, window_bounds = array<i64: 2000, 128>}]} {
    %get3A = arith.constant 0 : index
    %get3A_0 = arith.constant 0 : index
    %get3A_1 = vector.load %arg3[%get3A, %get3A_0] : memref<2000x2xf32, #tpu.memory_space<vmem>>, vector<2000x1xf32>
    %get3A_2 = arith.constant 0 : index
    %get3A_3 = arith.constant 1 : index
    %get3A_4 = vector.load %arg3[%get3A_2, %get3A_3] : memref<2000x2xf32, #tpu.memory_space<vmem>>, vector<2000x1xf32>
    %add3A = arith.addf %get3A_1, %get3A_4 : vector<2000x1xf32>
    %max3A = arith.constant 1.000000e+00 : f32
    %max3A_5 = vector.broadcast %max3A : f32 to vector<2000x1xf32>
    %max3A_6 = arith.maximumf %add3A, %max3A_5 : vector<2000x1xf32>
    %rsqrt3A = math.rsqrt %max3A_6 : vector<2000x1xf32>
    %get3A_7 = arith.constant 0 : index
    %get3A_8 = arith.constant 0 : index
    %get3A_9 = vector.load %arg1[%get3A_7, %get3A_8] : memref<2000x256xf32, #tpu.memory_space<vmem>>, vector<2000x256xf32>
    %get3A_10 = arith.constant 0 : index
    %get3A_11 = arith.constant 0 : index
    %get3A_12 = vector.load %arg2[%get3A_10, %get3A_11] : memref<256x256xf32, #tpu.memory_space<vmem>>, vector<256x256xf32>
    %dot_general3A = arith.constant dense<0.000000e+00> : vector<2000x256xf32>
    %dot_general3A_13 = tpu.matmul %get3A_9, %get3A_12, %dot_general3A {dimension_numbers = #tpu.dot_dimension_numbers<[1], [0], [0], [1], [0, 0, 1, 1], [], []>, transpose_lhs_hint = false} : vector<2000x256xf32>, vector<256x256xf32>, vector<2000x256xf32> -> vector<2000x256xf32>
    %mul3A = vector.broadcast %rsqrt3A : vector<2000x1xf32> to vector<2000x256xf32>
    %mul3A_14 = arith.mulf %dot_general3A_13, %mul3A : vector<2000x256xf32>
    %slice3A = vector.extract_strided_slice %mul3A_14 {offsets = [0, 0], sizes = [2000, 128], strides = [1, 1]} : vector<2000x256xf32> to vector<2000x128xf32>
    %swap3A = arith.constant 0 : index
    %swap3A_15 = arith.constant 0 : index
    %swap3A_16 = vector.load %arg4[%swap3A, %swap3A_15] : memref<2000x128xf32, #tpu.memory_space<vmem>>, vector<2000x128xf32>
    tpu.vector_store %arg4[%swap3A, %swap3A_15], %slice3A {strides = array<i32>} : memref<2000x128xf32, #tpu.memory_space<vmem>>, vector<2000x128xf32>,
    %slice3A_17 = vector.extract_strided_slice %mul3A_14 {offsets = [0, 128], sizes = [2000, 128], strides = [1, 1]} : vector<2000x256xf32> to vector<2000x128xf32>
    %swap3A_18 = arith.constant 0 : index
    %swap3A_19 = arith.constant 0 : index
    %swap3A_20 = vector.load %arg5[%swap3A_18, %swap3A_19] : memref<2000x128xf32, #tpu.memory_space<vmem>>, vector<2000x128xf32>
    tpu.vector_store %arg5[%swap3A_18, %swap3A_19], %slice3A_17 {strides = array<i32>} : memref<2000x128xf32, #tpu.memory_space<vmem>>, vector<2000x128xf32>,
    return
  }
  func.func @transform_0(%arg0: i32) -> (i32, i32) {
    %c0_i32 = arith.constant 0 : i32
    %c0_i32_0 = arith.constant 0 : i32
    return %arg0, %c0_i32 : i32, i32
  }
  func.func @transform_1(%arg0: i32) -> (i32, i32) {
    %c0_i32 = arith.constant 0 : i32
    %c0_i32_0 = arith.constant 0 : i32
    %c0_i32_1 = arith.constant 0 : i32
    return %c0_i32, %c0_i32_0 : i32, i32
  }
  func.func @transform_2(%arg0: i32) -> (i32, i32) {
    %c0_i32 = arith.constant 0 : i32
    %c0_i32_0 = arith.constant 0 : i32
    return %arg0, %c0_i32 : i32, i32
  }
  func.func @transform_3(%arg0: i32) -> (i32, i32) {
    %c0_i32 = arith.constant 0 : i32
    %c0_i32_0 = arith.constant 0 : i32
    return %arg0, %c0_i32 : i32, i32
  }
  func.func @transform_4(%arg0: i32) -> (i32, i32) {
    %c0_i32 = arith.constant 0 : i32
    %c0_i32_0 = arith.constant 0 : i32
    return %arg0, %c0_i32 : i32, i32
  }
}

module attributes {stable_mosaic.version = 14 : i64} {
  func.func @_k4_body(%arg0: i32, %arg1: memref<2x2000x128xf32, #tpu.memory_space<vmem>>, %arg2: memref<2000x2xf32, #tpu.memory_space<vmem>>, %arg3: memref<1x256xf32, #tpu.memory_space<vmem>>, %arg4: memref<2000x256xf32, #tpu.memory_space<vmem>>) attributes {dimension_semantics = [#tpu.dimension_semantics<arbitrary>], iteration_bounds = array<i64: 5>, scalar_prefetch = 0 : i64, scratch_operands = 0 : i64, tpu.core_type = #tpu.core_type<tc>, window_params = [{transform_indices = @transform_0, window_bounds = array<i64: 2, 2000, 128>}, {transform_indices = @transform_1, window_bounds = array<i64: 2000, 2>}, {pipeline_mode = #tpu.pipeline_mode<synchronous>, transform_indices = @transform_2, window_bounds = array<i64: 1, 256>}, {transform_indices = @transform_3, window_bounds = array<i64: 2000, 256>}]} {
    %get3A = arith.constant 0 : index
    %get3A_0 = arith.constant 0 : index
    %get3A_1 = vector.load %arg2[%get3A, %get3A_0] : memref<2000x2xf32, #tpu.memory_space<vmem>>, vector<2000x1xf32>
    %get3A_2 = arith.constant 0 : index
    %get3A_3 = arith.constant 1 : index
    %get3A_4 = vector.load %arg2[%get3A_2, %get3A_3] : memref<2000x2xf32, #tpu.memory_space<vmem>>, vector<2000x1xf32>
    %add3A = arith.addf %get3A_1, %get3A_4 : vector<2000x1xf32>
    %max3A = arith.constant 1.000000e+00 : f32
    %max3A_5 = vector.broadcast %max3A : f32 to vector<2000x1xf32>
    %max3A_6 = arith.maximumf %add3A, %max3A_5 : vector<2000x1xf32>
    %rsqrt3A = math.rsqrt %max3A_6 : vector<2000x1xf32>
    %get3A_7 = arith.constant 0 : index
    %get3A_8 = arith.constant 0 : index
    %get3A_9 = arith.constant 0 : index
    %get3A_10 = vector.load %arg1[%get3A_7, %get3A_8, %get3A_9] : memref<2x2000x128xf32, #tpu.memory_space<vmem>>, vector<1x2000x128xf32>
    %get3A_11 = vector.shape_cast %get3A_10 : vector<1x2000x128xf32> to vector<2000x128xf32>
    %mul3A = vector.broadcast %rsqrt3A : vector<2000x1xf32> to vector<2000x128xf32>
    %mul3A_12 = arith.mulf %get3A_11, %mul3A : vector<2000x128xf32>
    %get3A_13 = arith.constant 0 : index
    %get3A_14 = arith.constant 0 : index
    %get3A_15 = vector.load %arg3[%get3A_13, %get3A_14] : memref<1x256xf32, #tpu.memory_space<vmem>>, vector<1x128xf32>
    %add3A_16 = vector.broadcast %get3A_15 : vector<1x128xf32> to vector<2000x128xf32>
    %add3A_17 = arith.addf %mul3A_12, %add3A_16 : vector<2000x128xf32>
    %swap3A = arith.constant 0 : index
    %swap3A_18 = arith.constant 0 : index
    %swap3A_19 = vector.load %arg4[%swap3A, %swap3A_18] : memref<2000x256xf32, #tpu.memory_space<vmem>>, vector<2000x128xf32>
    tpu.vector_store %arg4[%swap3A, %swap3A_18], %add3A_17 {strides = array<i32>} : memref<2000x256xf32, #tpu.memory_space<vmem>>, vector<2000x128xf32>,
    %get3A_20 = arith.constant 1 : index
    %get3A_21 = arith.constant 0 : index
    %get3A_22 = arith.constant 0 : index
    %get3A_23 = vector.load %arg1[%get3A_20, %get3A_21, %get3A_22] : memref<2x2000x128xf32, #tpu.memory_space<vmem>>, vector<1x2000x128xf32>
    %get3A_24 = vector.shape_cast %get3A_23 : vector<1x2000x128xf32> to vector<2000x128xf32>
    %mul3A_25 = vector.broadcast %rsqrt3A : vector<2000x1xf32> to vector<2000x128xf32>
    %mul3A_26 = arith.mulf %get3A_24, %mul3A_25 : vector<2000x128xf32>
    %get3A_27 = arith.constant 0 : index
    %get3A_28 = arith.constant 128 : index
    %get3A_29 = vector.load %arg3[%get3A_27, %get3A_28] : memref<1x256xf32, #tpu.memory_space<vmem>>, vector<1x128xf32>
    %add3A_30 = vector.broadcast %get3A_29 : vector<1x128xf32> to vector<2000x128xf32>
    %add3A_31 = arith.addf %mul3A_26, %add3A_30 : vector<2000x128xf32>
    %swap3A_32 = arith.constant 0 : index
    %swap3A_33 = arith.constant 128 : index
    %swap3A_34 = vector.load %arg4[%swap3A_32, %swap3A_33] : memref<2000x256xf32, #tpu.memory_space<vmem>>, vector<2000x128xf32>
    tpu.vector_store %arg4[%swap3A_32, %swap3A_33], %add3A_31 {strides = array<i32>} : memref<2000x256xf32, #tpu.memory_space<vmem>>, vector<2000x128xf32>,
    return
  }
  func.func @transform_0(%arg0: i32) -> (i32, i32, i32) {
    %c0_i32 = arith.constant 0 : i32
    %c0_i32_0 = arith.constant 0 : i32
    %c0_i32_1 = arith.constant 0 : i32
    return %c0_i32, %arg0, %c0_i32_0 : i32, i32, i32
  }
  func.func @transform_1(%arg0: i32) -> (i32, i32) {
    %c0_i32 = arith.constant 0 : i32
    %c0_i32_0 = arith.constant 0 : i32
    return %arg0, %c0_i32 : i32, i32
  }
  func.func @transform_2(%arg0: i32) -> (i32, i32) {
    %c0_i32 = arith.constant 0 : i32
    %c0_i32_0 = arith.constant 0 : i32
    %c0_i32_1 = arith.constant 0 : i32
    return %c0_i32, %c0_i32_0 : i32, i32
  }
  func.func @transform_3(%arg0: i32) -> (i32, i32) {
    %c0_i32 = arith.constant 0 : i32
    %c0_i32_0 = arith.constant 0 : i32
    return %arg0, %c0_i32 : i32, i32
  }
}

</mosaic_0001>

<sc_bundles>
// kernel: kernel.6.cloned.1.call-start
scs
__scs_entry_jumppad:
0x0: {  	(pc) =	sbr.rel $0x88, $3  }
0x1: {  	(tag) =	ssettag $0x0;
	lr =	simm.s32 $0x1  }
0x2: {  	[smem:$0x3F9D] =	sst lr;
	_ =	strace $0xD0000000  }
0x3: {  	_ = 	snop  }
0x4: {  	_ = 	snop  }
0x5: {  	_ = 	snop  }
0x6: {  	_ = 	snop  }
0x7: {  	_ = 	snop  }
__scs_overlays_trampoline_lowered:
0x8: {  	[smem:$0x3FAC] =	sst s0  }
0x9: {  	[smem:$0x3FAD] =	sst s1  }
0xa: {  	[smem:$0x3FAE] =	sst s2  }
0xb: {  	[smem:$0x3FAF] =	sst s3  }
0xc: {  	[smem:$0x3FB0] =	sst s4  }
0xd: {  	[smem:$0x3FB1] =	sst s5  }
0xe: {  	[smem:$0x3FB2] =	sst s6  }
0xf: {  	[smem:$0x3FB3] =	sst s7  }
0x10: {  	[smem:$0x3FB4] =	sst s8  }
0x11: {  	[smem:$0x3FB5] =	sst s9;
	s0 =	simm.s32 @!p0 $0x0  }
0x12: {  	s1 =	sld [smem:$0x3F9B];
	s0 =	simm.s32 @p0 $0x1  }
0x13: {  	[smem:$0x3FB6] =	sst s0;
	s0 =	simm.s32 @!p1 $0x0  }
0x14: {  	s2 =	sld [smem:$0x3F9A];
	s0 =	simm.s32 @p1 $0x1  }
0x15: {  	[smem:$0x3FB7] =	sst s0;
	s0 =	simm.s32 @!p2 $0x0  }
0x16: {  	s3 =	sld [smem:$0x3FDB];
	s0 =	simm.s32 @p2 $0x1  }
0x17: {  	s4 =	simm.s32 $0x1BF5;
	[smem:$0x3FB9] =	sst s0  }
0x18: {  	s0 =	sld [smem:$0x3F9C];
	_ =	swait.ge [sflag:s4], $0x0  }
0x19: {  	s7 =	sld [smem:$0x3F9D]  }
0x1a: {  	s8 =	sadd.s32 $0xFFFFE003, lr  }
0x1b: {  	s9 =	sadd.s32 $0xFFFFFEF7, lr;
	s5 =	simm.s32 $0xFFFFFFFF;
	p2 =	slt.u32 s8, $0xFFFFF086  }
0x1c: {  	p1 =	slt.u32 s9, $0xF7A;
	s5 =	simm.s32 @!p2 $0x0  }
0x1d: {  	s5 =	simm.s32 @p1 $0x1;
	p0 =	seq.s32 s7, s2  }
0x1e: {  	s7 =	smul.u32 @!p0 $0xF7A, s2;
	p2 =	seq.s32 @!p0 s5, $0x0  }
0x1f: {  	s9 =	smul.u32 $0xF7A, s1;
	s8 =	simm.s32 @!p0 $0x1BF5;
	p2 =	por !p2, p0  }
0x20: {  	[sflag:s8] =	ssyncset.s32 @!p0 $0xFFFFF086;
	s6 =	sadd.s32 @!p0 s3, s7;
	s7 =	simm.s32 @!p0 $0x108  }
0x21: {  	s3 =	sadd.s32 s3, s9;
	s6 =	sadd.s32 @!p0 $0x88, s6;
	s7 =	simm.s32 @p2 $0x1082  }
0x22: {  	[simem:s7], [sflag:s8] =	dma.local @!p0 [hbm:s6], $0xF7A  }
0x23: {  	s9 =	sor.u32 $0xD0000000, s2;
	s6 =	simm.s32 $0x108;
	_ =	swait.ge @!p0 [sflag:s8], $0x0  }
0x24: {  	s3 =	sadd.s32 $0x88, s3;
	s6 =	simm.s32 @!p1 $0x1082;
	[sflag:s4] =	ssyncset.s32 $0xFFFFF086  }
0x25: {  	[simem:s6], [sflag:s4] =	dma.local [hbm:s3], $0xF7A  }
0x26: {  	[smem:$0x3F9D] =	sst s1;
	(tag) =	ssettag s2;
	_ =	strace s9  }
0x27: {  	s1 =	sld [smem:$0x3FAD]  }
0x28: {  	s2 =	sld [smem:$0x3FAE]  }
0x29: {  	s4 =	sld [smem:$0x3FB0]  }
0x2a: {  	p0 =	seq.s32 s5, $0x0;
	s5 =	sld [smem:$0x3FB1]  }
0x2b: {  	s6 =	sld [smem:$0x3FB2]  }
0x2c: {  	s7 =	sld [smem:$0x3FB3]  }
0x2d: {  	s3 =	simm.s32 $0x108;
	s8 =	sld [smem:$0x3FB4]  }
0x2e: {  	s3 =	simm.s32 @!p0 $0x1082;
	s9 =	sld [smem:$0x3FB5]  }
0x2f: {  	lr =	sadd.s32 s0, s3;
	s0 =	sld [smem:$0x3FAC]  }
0x30: {  	s3 =	sld [smem:$0x3FAF]  }
0x31: {  	[smem:$0x3FB8] =	sst s10  }
0x32: {  	s10 =	sld [smem:$0x3FB6];
	_ =	sdelay $0x3  }
0x33: {  	p0 =	seq.s32 s10, $0x1;
	s10 =	sld [smem:$0x3FB8];
	_ =	sdelay $0x3  }
0x34: {  	[smem:$0x3FB8] =	sst s10  }
0x35: {  	s10 =	sld [smem:$0x3FB7];
	_ =	sdelay $0x3  }
0x36: {  	p1 =	seq.s32 s10, $0x1;
	s10 =	sld [smem:$0x3FB8];
	_ =	sdelay $0x3  }
0x37: {  	[smem:$0x3FB8] =	sst s10  }
0x38: {  	s10 =	sld [smem:$0x3FB9]  }
0x39: {  	_ = 	snop;
	(pc) =	sbr.ind lr, $3  }
0x3a: {  	_ = 	snop  }
0x3b: {  	_ = 	snop  }
0x3c: {  	p2 =	seq.s32 s10, $0x1;
	s10 =	sld [smem:$0x3FB8]  }
0x3d: {  	_ =	shalt  }
0x3e: {  	_ =	shalt  }
0x3f: {  	_ =	shalt  }
0x40: {  	_ =	shalt  }
0x41: {  	_ =	shalt  }
0x42: {  	_ =	shalt  }
0x43: {  	_ =	shalt  }
0x44: {  	_ =	shalt  }
0x45: {  	_ =	shalt  }
0x46: {  	_ =	shalt  }
0x47: {  	_ =	shalt  }
0x48: {  	_ =	shalt  }
0x49: {  	_ =	shalt  }
0x4a: {  	_ =	shalt  }
0x4b: {  	_ =	shalt  }
0x4c: {  	_ =	shalt  }
0x4d: {  	_ =	shalt  }
0x4e: {  	_ =	shalt  }
0x4f: {  	_ =	shalt  }
0x50: {  	_ =	shalt  }
0x51: {  	_ =	shalt  }
0x52: {  	_ =	shalt  }
0x53: {  	_ =	shalt  }
0x54: {  	_ =	shalt  }
0x55: {  	_ =	shalt  }
0x56: {  	_ =	shalt  }
0x57: {  	_ =	shalt  }
0x58: {  	_ =	shalt  }
0x59: {  	_ =	shalt  }
0x5a: {  	_ =	shalt  }
0x5b: {  	_ =	shalt  }
0x5c: {  	_ =	shalt  }
0x5d: {  	_ =	shalt  }
0x5e: {  	_ =	shalt  }
0x5f: {  	_ =	shalt  }
0x60: {  	_ =	shalt  }
0x61: {  	_ =	shalt  }
0x62: {  	_ =	shalt  }
0x63: {  	_ =	shalt  }
0x64: {  	_ =	shalt  }
0x65: {  	_ =	shalt  }
0x66: {  	_ =	shalt  }
0x67: {  	_ =	shalt  }
0x68: {  	_ =	shalt  }
0x69: {  	_ =	shalt  }
0x6a: {  	_ =	shalt  }
0x6b: {  	_ =	shalt  }
0x6c: {  	_ =	shalt  }
0x6d: {  	_ =	shalt  }
0x6e: {  	_ =	shalt  }
0x6f: {  	_ =	shalt  }
0x70: {  	_ =	shalt  }
0x71: {  	_ =	shalt  }
0x72: {  	_ =	shalt  }
0x73: {  	_ =	shalt  }
0x74: {  	_ =	shalt  }
0x75: {  	_ =	shalt  }
0x76: {  	_ =	shalt  }
0x77: {  	_ =	shalt  }
0x78: {  	_ =	shalt  }
0x79: {  	_ =	shalt  }
0x7a: {  	_ =	shalt  }
0x7b: {  	_ =	shalt  }
0x7c: {  	_ =	shalt  }
0x7d: {  	_ =	shalt  }
0x7e: {  	_ =	shalt  }
0x7f: {  	_ =	shalt  }
0x80: {  	_ =	shalt  }
0x81: {  	_ =	shalt  }
0x82: {  	_ =	shalt  }
0x83: {  	_ =	shalt  }
0x84: {  	_ =	shalt  }
0x85: {  	_ =	shalt  }
0x86: {  	_ =	shalt  }
0x87: {  	_ =	shalt  }
.Lfunc_end0:
.L_simem_size_0:
called_computation_lowered:
.L_overlay_start_0:
0x88: {  	s2 =	sld [smem:$0x3FD9]  }
0x89: {  	s3 =	sld [smem:$0x3FFE];
	_ =	sdelay $0x1  }
0x8a: {  	s1 =	srdreg.scid  }
0x8b: {  	s0 =	sand.u32 $0x1, s1  }
0x8c: {  	s17 =	sshll.u32 s0, $0xA;
	s2 =	sadd.s32 s3, s2  }
0x8d: {  	s2 =	sadd.s32 s2, s17  }
0x8e: {  	[smem:$0x3FC4] =	sst s2  }
0x8f: {  	_ = 	snop  }
0x90: {  	s2 =	sld [smem:$0x3FD0];
	(tm) =	ssettm $0x1  }
0x91: {  	s18 =	sld [smem:$0x3FFB];
	_ =	sdelay $0x3  }
0x92: {  	_ =	strace s18  }
0x93: {  	s3 =	sld [smem:$0x3FFC];
	_ =	sdelay $0x3  }
0x94: {  	_ =	strace s3  }
0x95: {  	s3 =	sld [smem:$0x3FFD];
	_ =	sdelay $0x3  }
0x96: {  	_ =	strace s3  }
0x97: {  	_ =	strace $0x8FFFFFFF  }
0x98: {  	s19 =	sld [smem:$0x3FDB];
	_ =	sdelay $0x1  }
0x99: {  	s4 =	simm.s32 $_scs_section_size  }
0x9a: {  	s5 =	simm.s32 $_size__tile_overlayer_lowered;
	s6 =	simm.s32 $_tile_overlayer_lowered  }
0x9b: {  	s22 =	simm.s32 $0x1BFF;
	s21 =	sshll.u32 s6, $0x1;
	s3 =	sadd.s32 s4, s19  }
0x9c: {  	s7 =	simm.s32 $0x0;
	s20 =	sshll.u32 s5, $0x1;
	s5 =	sadd.s32 s21, s3  }
0x9d: {  	[timem:s7], [sflag:s22] =	dma.local [hbm:s5], s20  }
0x9e: {  	_ =	swait.ge [sflag:s22], s20  }
0x9f: {  	s4 =	ssub.s32 $0x0, s20;
	[sflag:s22] =	ssyncset.done $0x0  }
0xa0: {  	[sflag:s22] =	ssyncadd.s32 s4;
	_ =	sdelay $0x1  }
0xa1: {  	s23 =	simm.s32 $0x1B8B  }
0xa2: {  	_ =	swait.ge [sflag:s23], $0x1  }
0xa3: {  	[sflag:s23] =	ssyncset.done $0x0  }
0xa4: {  	s25 =	simm.s32 $0x1B8E;
	s24 =	sld [smem:$0x3FFE];
	[sflag:s23] =	ssyncadd.s32 $0xFFFFFFFF  }
0xa5: {  	s26 =	simm.s32 $execute0_lowered;
	[smem:$0x3FD2] =	sst s25  }
0xa6: {  	s5 =	sshll.u32 s26, $0x1;
	_ =	strace $0x80000046;
	[dreg:$0x1] =	wrdreg $0xFFFFFFFF  }
0xa7: {  	s28 =	simm.s32 $_size_execute0_lowered;
	s3 =	sadd.s32 s3, s5;
	[dreg:$0x0] =	wrdreg $0x0  }
0xa8: {  	s5 =	sshll.u32 s28, $0x1;
	[dreg:$0x2] =	wrdreg s3  }
0xa9: {  	[dreg:$0x3] =	wrdreg s5  }
0xaa: {  	[dreg:$0x4] =	wrdreg $0xC0  }
0xab: {  	_ =	task [dreg:s7], $0x5FFFF  }
0xac: {  	[dreg:$0x1] =	wrdreg $0xFFFFFFFF  }
0xad: {  	[dreg:$0x0] =	wrdreg $0x60  }
0xae: {  	[dreg:$0x2] =	wrdreg s2  }
0xaf: {  	[dreg:$0x3] =	wrdreg s24  }
0xb0: {  	[dreg:$0x4] =	wrdreg $0xF000  }
0xb1: {  	[dreg:$0x5] =	wrdreg $0x9  }
0xb2: {  	_ =	task.clear_ibuf [dreg:s7], $0x6FFFF;
	_ =	strace $0x90000046  }
0xb3: {  	s29 =	simm.s32 $0x9;
	_ =	strace $0x80000048  }
0xb4: {  	_ =	swait.ge [sflag:s29], $0x1  }
0xb5: {  	[sflag:s29] =	ssyncadd.s32 $0xFFFFFFFF  }
0xb6: {  	_ =	strace $0x90000048  }
0xb7: {  	_ =	sfence  }
0xb8: {  	s30 =	sld [smem:$0x0];
	_ =	sdelay $0x2  }
0xb9: {  	s31 =	sshll.u32 s1, $0xD;
	s1 =	sshrl.u32 s1, $0x2  }
0xba: {  	s3 =	sand.u32 $0x4000, s31;
	s1 =	sadd.s32 s1, s30  }
0xbb: {  	s0 =	sor.u32 s3, s0;
	s1 =	sshll.u32 s1, $0x11  }
0xbc: {  	s0 =	sor.u32 s1, s0  }
0xbd: {  	s0 =	sadd.s32 $0x8F2B, s0  }
0xbe: {  	[sflag:s0] =	ssyncadd.remote.s32 $0x1  }
0xbf: {  	_ =	sfence.sel $0xFFFF  }
0xc0: {  	[dreg:$0x0] =	wrdreg $0xFFFFFFFF;
	(pc) =	sbr.abs _section_cstart, $3  }
0xc1: {  	[dreg:$0x1] =	wrdreg $0xFFFFFFFF  }
0xc2: {  	_ =	task.clear_ibuf [dreg:s7], $0x2FFFF;
	_ =	strace $0x9FFFFFFF  }
0xc3: {  	(tm) =	ssettm $0x7FFFFFFF  }
tec
execute0_lowered:
.L_overlay_start_1:
0x0: {  	(tag) =	ssettag $0x1  }
0x1: {  	s30 =	rddreg [dreg:$0x0]  }
0x2: {  	s0 =	rddreg [dreg:$0x1]  }
0x3: {  	s1 =	rddreg [dreg:$0x2];
	s2 =	simm.s32 $0x0  }
0x4: {  	s23 =	stileid.u32;
	s6 =	simm.s32 $0xC80;
	s5 =	simm.s32 $0x1  }
0x5: {  	[smem:$0x7FF] =	sst s2;
	s3 =	sadd.s32 $0x5E00, s0;
	s4 =	sadd.s32 $0x6000, s0  }
0x6: {  	s24 =	smul.u32 $0xA00, s23;
	_ =	strace $0x80000047;
	[dreg:$0x4] =	wrdreg s3  }
0x7: {  	[tilespmem:s6], [sflag:$0x1] =	stream.linear.gather [hbm4b:s4+s2], $0x280, $0x38;
	[tilespmem:$0x1180] =	vst v63  }
0x8: {  	_ =	swait.ge [sflag:s5], $0x280  }
0x9: {  	s3 =	sshrl.u32 s24, $0x2;
	[sflag:s5] =	ssyncset.done $0x0  }
0xa: {  	s7 =	sadd.s32 s3, s1;
	[sflag:s5] =	ssyncadd.s32 $0xFFFFFD80  }
0xb: {  	[spmem:s7] =	stream.linear.scatter [tilespmem:s6], [sflag:$0x1], $0x280, $0x38;
	[tilespmem:$0x1180] =	vst v63  }
0xc: {  	s25 =	stileid.u32;
	s26 =	srdreg.scid;
	_ =	swait.ge [sflag:s5], $0x280  }
0xd: {  	s8 =	simm.s32 $0xC00;
	s31 =	sand.u32 $0x1, s26;
	[sflag:s5] =	ssyncset.done $0x0  }
0xe: {  	s0 =	sshll.u32 s25, $0x1;
	s9 =	rddreg [dreg:$0x4];
	[sflag:s5] =	ssyncadd.s32 $0xFFFFFD80  }
0xf: {  	[tilespmem:s8], [sflag:$0x1] =	stream.linear.gather [hbm4b:s9+s2], $0x80, $0x38;
	[tilespmem:$0x1180] =	vst v63  }
0x10: {  	s3 =	sor.u32 s31, s0;
	_ =	swait.ge [sflag:s5], $0x80  }
0x11: {  	s3 =	smul.u32 $0x180, s3;
	[sflag:s5] =	ssyncset.done $0x0  }
0x12: {  	[sflag:s5] =	ssyncadd.s32 $0xFFFFFF80  }
0x13: {  	s9 =	sadd.s32 s30, s3;
	[bflag:$0x0] =	sbarrier.arrive $0xFFFF  }
0x14: {  	[tilespmem:s2], [sflag:$0x1] =	stream.linear.gather [hbm4b:s9+s2], $0xA00, $0x38;
	[tilespmem:$0x1180] =	vst v63  }
0x15: {  	_ =	swait.ge [sflag:s5], $0xA00  }
0x16: {  	[sflag:s5] =	ssyncset.done $0x0  }
0x17: {  	s10 =	simm.s32 $0x80;
	[sflag:s5] =	ssyncadd.s32 $0xFFFFF600  }
0x18: {  	[spmem:s1] =	stream.indirect.scatter.add.f32 [tilespmem:s8], [sflag:$0x1], $0x1, s2, s10, $0xb8;
	[tilespmem:$0x1180] =	vst v63  }
0x19: {  	_ =	swait.ge [sflag:s5], $0x80  }
0x1a: {  	[sflag:s5] =	ssyncset.done $0x0  }
0x1b: {  	[sflag:s5] =	ssyncadd.s32 $0xFFFFFF80  }
0x1c: {  	[spmem:s1] =	stream.indirect.scatter.add.f32 [tilespmem:s8], [sflag:$0x1], $0x1, s10, s10, $0xb8;
	[tilespmem:$0x1180] =	vst v63  }
0x1d: {  	_ =	swait.ge [sflag:s5], $0x80  }
0x1e: {  	[sflag:s5] =	ssyncset.done $0x0  }
0x1f: {  	s11 =	simm.s32 $0x100;
	[sflag:s5] =	ssyncadd.s32 $0xFFFFFF80  }
0x20: {  	[spmem:s1] =	stream.indirect.scatter.add.f32 [tilespmem:s8], [sflag:$0x1], $0x1, s11, s10, $0xb8;
	[tilespmem:$0x1180] =	vst v63  }
0x21: {  	_ =	swait.ge [sflag:s5], $0x80  }
0x22: {  	[sflag:s5] =	ssyncset.done $0x0  }
0x23: {  	s12 =	simm.s32 $0x180;
	[sflag:s5] =	ssyncadd.s32 $0xFFFFFF80  }
0x24: {  	[spmem:s1] =	stream.indirect.scatter.add.f32 [tilespmem:s8], [sflag:$0x1], $0x1, s12, s10, $0xb8;
	[tilespmem:$0x1180] =	vst v63  }
0x25: {  	_ =	swait.ge [sflag:s5], $0x80  }
0x26: {  	[sflag:s5] =	ssyncset.done $0x0  }
0x27: {  	s13 =	simm.s32 $0x200;
	[sflag:s5] =	ssyncadd.s32 $0xFFFFFF80  }
0x28: {  	[spmem:s1] =	stream.indirect.scatter.add.f32 [tilespmem:s8], [sflag:$0x1], $0x1, s13, s10, $0xb8;
	[tilespmem:$0x1180] =	vst v63  }
0x29: {  	_ =	swait.ge [sflag:s5], $0x80  }
0x2a: {  	[sflag:s5] =	ssyncset.done $0x0  }
0x2b: {  	s14 =	simm.s32 $0x280;
	[sflag:s5] =	ssyncadd.s32 $0xFFFFFF80  }
0x2c: {  	[spmem:s1] =	stream.indirect.scatter.add.f32 [tilespmem:s8], [sflag:$0x1], $0x1, s14, s10, $0xb8;
	[tilespmem:$0x1180] =	vst v63  }
0x2d: {  	_ =	swait.ge [sflag:s5], $0x80  }
0x2e: {  	[sflag:s5] =	ssyncset.done $0x0  }
0x2f: {  	s15 =	simm.s32 $0x300;
	[sflag:s5] =	ssyncadd.s32 $0xFFFFFF80  }
0x30: {  	[spmem:s1] =	stream.indirect.scatter.add.f32 [tilespmem:s8], [sflag:$0x1], $0x1, s15, s10, $0xb8;
	[tilespmem:$0x1180] =	vst v63  }
0x31: {  	_ =	swait.ge [sflag:s5], $0x80  }
0x32: {  	[sflag:s5] =	ssyncset.done $0x0  }
0x33: {  	s16 =	simm.s32 $0x380;
	[sflag:s5] =	ssyncadd.s32 $0xFFFFFF80  }
0x34: {  	[spmem:s1] =	stream.indirect.scatter.add.f32 [tilespmem:s8], [sflag:$0x1], $0x1, s16, s10, $0xb8;
	[tilespmem:$0x1180] =	vst v63  }
0x35: {  	_ =	swait.ge [sflag:s5], $0x80  }
0x36: {  	[sflag:s5] =	ssyncset.done $0x0  }
0x37: {  	s17 =	simm.s32 $0x400;
	[sflag:s5] =	ssyncadd.s32 $0xFFFFFF80  }
0x38: {  	[spmem:s1] =	stream.indirect.scatter.add.f32 [tilespmem:s8], [sflag:$0x1], $0x1, s17, s10, $0xb8;
	[tilespmem:$0x1180] =	vst v63  }
0x39: {  	_ =	swait.ge [sflag:s5], $0x80  }
0x3a: {  	[sflag:s5] =	ssyncset.done $0x0  }
0x3b: {  	s18 =	simm.s32 $0x480;
	[sflag:s5] =	ssyncadd.s32 $0xFFFFFF80  }
0x3c: {  	[spmem:s1] =	stream.indirect.scatter.add.f32 [tilespmem:s8], [sflag:$0x1], $0x1, s18, s10, $0xb8;
	[tilespmem:$0x1180] =	vst v63  }
0x3d: {  	_ =	swait.ge [sflag:s5], $0x80  }
0x3e: {  	[sflag:s5] =	ssyncset.done $0x0  }
0x3f: {  	s19 =	simm.s32 $0x500;
	[sflag:s5] =	ssyncadd.s32 $0xFFFFFF80  }
0x40: {  	[spmem:s1] =	stream.indirect.scatter.add.f32 [tilespmem:s8], [sflag:$0x1], $0x1, s19, s10, $0xb8;
	[tilespmem:$0x1180] =	vst v63  }
0x41: {  	_ =	swait.ge [sflag:s5], $0x80  }
0x42: {  	[sflag:s5] =	ssyncset.done $0x0  }
0x43: {  	s20 =	simm.s32 $0x580;
	[sflag:s5] =	ssyncadd.s32 $0xFFFFFF80  }
0x44: {  	[spmem:s1] =	stream.indirect.scatter.add.f32 [tilespmem:s8], [sflag:$0x1], $0x1, s20, s10, $0xb8;
	[tilespmem:$0x1180] =	vst v63  }
0x45: {  	_ =	swait.ge [sflag:s5], $0x80  }
0x46: {  	[sflag:s5] =	ssyncset.done $0x0  }
0x47: {  	s21 =	simm.s32 $0x600;
	[sflag:s5] =	ssyncadd.s32 $0xFFFFFF80  }
0x48: {  	[spmem:s1] =	stream.indirect.scatter.add.f32 [tilespmem:s8], [sflag:$0x1], $0x1, s21, s10, $0xb8;
	[tilespmem:$0x1180] =	vst v63  }
0x49: {  	_ =	swait.ge [sflag:s5], $0x80  }
0x4a: {  	[sflag:s5] =	ssyncset.done $0x0  }
0x4b: {  	s22 =	simm.s32 $0x680;
	[sflag:s5] =	ssyncadd.s32 $0xFFFFFF80  }
0x4c: {  	[spmem:s1] =	stream.indirect.scatter.add.f32 [tilespmem:s8], [sflag:$0x1], $0x1, s22, s10, $0xb8;
	[tilespmem:$0x1180] =	vst v63  }
0x4d: {  	_ =	swait.ge [sflag:s5], $0x80  }
0x4e: {  	[sflag:s5] =	ssyncset.done $0x0  }
0x4f: {  	s23 =	simm.s32 $0x700;
	[sflag:s5] =	ssyncadd.s32 $0xFFFFFF80  }
0x50: {  	[spmem:s1] =	stream.indirect.scatter.add.f32 [tilespmem:s8], [sflag:$0x1], $0x1, s23, s10, $0xb8;
	[tilespmem:$0x1180] =	vst v63  }
0x51: {  	_ =	swait.ge [sflag:s5], $0x80  }
0x52: {  	[sflag:s5] =	ssyncset.done $0x0  }
0x53: {  	s24 =	simm.s32 $0x780;
	[sflag:s5] =	ssyncadd.s32 $0xFFFFFF80  }
0x54: {  	[spmem:s1] =	stream.indirect.scatter.add.f32 [tilespmem:s8], [sflag:$0x1], $0x1, s24, s10, $0xb8;
	[tilespmem:$0x1180] =	vst v63  }
0x55: {  	_ =	swait.ge [sflag:s5], $0x80  }
0x56: {  	[sflag:s5] =	ssyncset.done $0x0  }
0x57: {  	s25 =	simm.s32 $0x800;
	[sflag:s5] =	ssyncadd.s32 $0xFFFFFF80  }
0x58: {  	[spmem:s1] =	stream.indirect.scatter.add.f32 [tilespmem:s8], [sflag:$0x1], $0x1, s25, s10, $0xb8;
	[tilespmem:$0x1180] =	vst v63  }
0x59: {  	_ =	swait.ge [sflag:s5], $0x80  }
0x5a: {  	[sflag:s5] =	ssyncset.done $0x0  }
0x5b: {  	s26 =	simm.s32 $0x880;
	[sflag:s5] =	ssyncadd.s32 $0xFFFFFF80  }
0x5c: {  	[spmem:s1] =	stream.indirect.scatter.add.f32 [tilespmem:s8], [sflag:$0x1], $0x1, s26, s10, $0xb8;
	[tilespmem:$0x1180] =	vst v63  }
0x5d: {  	_ =	swait.ge [sflag:s5], $0x80  }
0x5e: {  	[sflag:s5] =	ssyncset.done $0x0  }
0x5f: {  	s28 =	simm.s32 $0x900;
	[sflag:s5] =	ssyncadd.s32 $0xFFFFFF80  }
0x60: {  	[spmem:s1] =	stream.indirect.scatter.add.f32 [tilespmem:s8], [sflag:$0x1], $0x1, s28, s10, $0xb8;
	[tilespmem:$0x1180] =	vst v63  }
0x61: {  	_ =	swait.ge [sflag:s5], $0x80  }
0x62: {  	[sflag:s5] =	ssyncset.done $0x0  }
0x63: {  	s29 =	simm.s32 $0x980;
	[sflag:s5] =	ssyncadd.s32 $0xFFFFFF80  }
0x64: {  	[spmem:s1] =	stream.indirect.scatter.add.f32 [tilespmem:s8], [sflag:$0x1], $0x1, s29, s10, $0xb8;
	[tilespmem:$0x1180] =	vst v63  }
0x65: {  	_ =	swait.ge [sflag:s5], $0x80  }
0x66: {  	s30 =	sadd.s32 $0x3000, s30;
	[sflag:s5] =	ssyncset.done $0x0  }
0x67: {  	s30 =	sadd.s32 s3, s30;
	[sflag:s5] =	ssyncadd.s32 $0xFFFFFF80  }
0x68: {  	[tilespmem:s2], [sflag:$0x1] =	stream.linear.gather [hbm4b:s30+s2], $0xA00, $0x38;
	[tilespmem:$0x1180] =	vst v63  }
0x69: {  	_ =	swait.ge [sflag:s5], $0xA00  }
0x6a: {  	[sflag:s5] =	ssyncset.done $0x0  }
0x6b: {  	[sflag:s5] =	ssyncadd.s32 $0xFFFFF600  }
0x6c: {  	[spmem:s1] =	stream.indirect.scatter.add.f32 [tilespmem:s8], [sflag:$0x1], $0x1, s2, s10, $0xb8;
	[tilespmem:$0x1180] =	vst v63  }
0x6d: {  	_ =	swait.ge [sflag:s5], $0x80  }
0x6e: {  	[sflag:s5] =	ssyncset.done $0x0  }
0x6f: {  	[sflag:s5] =	ssyncadd.s32 $0xFFFFFF80  }
0x70: {  	[spmem:s1] =	stream.indirect.scatter.add.f32 [tilespmem:s8], [sflag:$0x1], $0x1, s10, s10, $0xb8;
	[tilespmem:$0x1180] =	vst v63  }
0x71: {  	_ =	swait.ge [sflag:s5], $0x80  }
0x72: {  	[sflag:s5] =	ssyncset.done $0x0  }
0x73: {  	[sflag:s5] =	ssyncadd.s32 $0xFFFFFF80  }
0x74: {  	[spmem:s1] =	stream.indirect.scatter.add.f32 [tilespmem:s8], [sflag:$0x1], $0x1, s11, s10, $0xb8;
	[tilespmem:$0x1180] =	vst v63  }
0x75: {  	_ =	swait.ge [sflag:s5], $0x80  }
0x76: {  	[sflag:s5] =	ssyncset.done $0x0  }
0x77: {  	[sflag:s5] =	ssyncadd.s32 $0xFFFFFF80  }
0x78: {  	[spmem:s1] =	stream.indirect.scatter.add.f32 [tilespmem:s8], [sflag:$0x1], $0x1, s12, s10, $0xb8;
	[tilespmem:$0x1180] =	vst v63  }
0x79: {  	_ =	swait.ge [sflag:s5], $0x80  }
0x7a: {  	[sflag:s5] =	ssyncset.done $0x0  }
0x7b: {  	[sflag:s5] =	ssyncadd.s32 $0xFFFFFF80  }
0x7c: {  	[spmem:s1] =	stream.indirect.scatter.add.f32 [tilespmem:s8], [sflag:$0x1], $0x1, s13, s10, $0xb8;
	[tilespmem:$0x1180] =	vst v63  }
0x7d: {  	_ =	swait.ge [sflag:s5], $0x80  }
0x7e: {  	[sflag:s5] =	ssyncset.done $0x0  }
0x7f: {  	[sflag:s5] =	ssyncadd.s32 $0xFFFFFF80  }
0x80: {  	[spmem:s1] =	stream.indirect.scatter.add.f32 [tilespmem:s8], [sflag:$0x1], $0x1, s14, s10, $0xb8;
	[tilespmem:$0x1180] =	vst v63  }
0x81: {  	_ =	swait.ge [sflag:s5], $0x80  }
0x82: {  	[sflag:s5] =	ssyncset.done $0x0  }
0x83: {  	[sflag:s5] =	ssyncadd.s32 $0xFFFFFF80  }
0x84: {  	[spmem:s1] =	stream.indirect.scatter.add.f32 [tilespmem:s8], [sflag:$0x1], $0x1, s15, s10, $0xb8;
	[tilespmem:$0x1180] =	vst v63  }
0x85: {  	_ =	swait.ge [sflag:s5], $0x80  }
0x86: {  	[sflag:s5] =	ssyncset.done $0x0  }
0x87: {  	[sflag:s5] =	ssyncadd.s32 $0xFFFFFF80  }
0x88: {  	[spmem:s1] =	stream.indirect.scatter.add.f32 [tilespmem:s8], [sflag:$0x1], $0x1, s16, s10, $0xb8;
	[tilespmem:$0x1180] =	vst v63  }
0x89: {  	_ =	swait.ge [sflag:s5], $0x80  }
0x8a: {  	[sflag:s5] =	ssyncset.done $0x0  }
0x8b: {  	[sflag:s5] =	ssyncadd.s32 $0xFFFFFF80  }
0x8c: {  	[spmem:s1] =	stream.indirect.scatter.add.f32 [tilespmem:s8], [sflag:$0x1], $0x1, s17, s10, $0xb8;
	[tilespmem:$0x1180] =	vst v63  }
0x8d: {  	_ =	swait.ge [sflag:s5], $0x80  }
0x8e: {  	[sflag:s5] =	ssyncset.done $0x0  }
0x8f: {  	[sflag:s5] =	ssyncadd.s32 $0xFFFFFF80  }
0x90: {  	[spmem:s1] =	stream.indirect.scatter.add.f32 [tilespmem:s8], [sflag:$0x1], $0x1, s18, s10, $0xb8;
	[tilespmem:$0x1180] =	vst v63  }
0x91: {  	_ =	swait.ge [sflag:s5], $0x80  }
0x92: {  	[sflag:s5] =	ssyncset.done $0x0  }
0x93: {  	[sflag:s5] =	ssyncadd.s32 $0xFFFFFF80  }
0x94: {  	[spmem:s1] =	stream.indirect.scatter.add.f32 [tilespmem:s8], [sflag:$0x1], $0x1, s19, s10, $0xb8;
	[tilespmem:$0x1180] =	vst v63  }
0x95: {  	_ =	swait.ge [sflag:s5], $0x80  }
0x96: {  	[sflag:s5] =	ssyncset.done $0x0  }
0x97: {  	[sflag:s5] =	ssyncadd.s32 $0xFFFFFF80  }
0x98: {  	[spmem:s1] =	stream.indirect.scatter.add.f32 [tilespmem:s8], [sflag:$0x1], $0x1, s20, s10, $0xb8;
	[tilespmem:$0x1180] =	vst v63  }
0x99: {  	_ =	swait.ge [sflag:s5], $0x80  }
0x9a: {  	[sflag:s5] =	ssyncset.done $0x0  }
0x9b: {  	[sflag:s5] =	ssyncadd.s32 $0xFFFFFF80  }
0x9c: {  	[spmem:s1] =	stream.indirect.scatter.add.f32 [tilespmem:s8], [sflag:$0x1], $0x1, s21, s10, $0xb8;
	[tilespmem:$0x1180] =	vst v63  }
0x9d: {  	_ =	swait.ge [sflag:s5], $0x80  }
0x9e: {  	[sflag:s5] =	ssyncset.done $0x0  }
0x9f: {  	[sflag:s5] =	ssyncadd.s32 $0xFFFFFF80  }
0xa0: {  	[spmem:s1] =	stream.indirect.scatter.add.f32 [tilespmem:s8], [sflag:$0x1], $0x1, s22, s10, $0xb8;
	[tilespmem:$0x1180] =	vst v63  }
0xa1: {  	_ =	swait.ge [sflag:s5], $0x80  }
0xa2: {  	[sflag:s5] =	ssyncset.done $0x0  }
0xa3: {  	[sflag:s5] =	ssyncadd.s32 $0xFFFFFF80  }
0xa4: {  	[spmem:s1] =	stream.indirect.scatter.add.f32 [tilespmem:s8], [sflag:$0x1], $0x1, s23, s10, $0xb8;
	[tilespmem:$0x1180] =	vst v63  }
0xa5: {  	_ =	swait.ge [sflag:s5], $0x80  }
0xa6: {  	[sflag:s5] =	ssyncset.done $0x0  }
0xa7: {  	[sflag:s5] =	ssyncadd.s32 $0xFFFFFF80  }
0xa8: {  	[spmem:s1] =	stream.indirect.scatter.add.f32 [tilespmem:s8], [sflag:$0x1], $0x1, s24, s10, $0xb8;
	[tilespmem:$0x1180] =	vst v63  }
0xa9: {  	_ =	swait.ge [sflag:s5], $0x80  }
0xaa: {  	[sflag:s5] =	ssyncset.done $0x0  }
0xab: {  	[sflag:s5] =	ssyncadd.s32 $0xFFFFFF80  }
0xac: {  	[spmem:s1] =	stream.indirect.scatter.add.f32 [tilespmem:s8], [sflag:$0x1], $0x1, s25, s10, $0xb8;
	[tilespmem:$0x1180] =	vst v63  }
0xad: {  	_ =	swait.ge [sflag:s5], $0x80  }
0xae: {  	[sflag:s5] =	ssyncset.done $0x0  }
0xaf: {  	[sflag:s5] =	ssyncadd.s32 $0xFFFFFF80  }
0xb0: {  	[spmem:s1] =	stream.indirect.scatter.add.f32 [tilespmem:s8], [sflag:$0x1], $0x1, s26, s10, $0xb8;
	[tilespmem:$0x1180] =	vst v63  }
0xb1: {  	_ =	swait.ge [sflag:s5], $0x80  }
0xb2: {  	[sflag:s5] =	ssyncset.done $0x0  }
0xb3: {  	[sflag:s5] =	ssyncadd.s32 $0xFFFFFF80  }
0xb4: {  	[spmem:s1] =	stream.indirect.scatter.add.f32 [tilespmem:s8], [sflag:$0x1], $0x1, s28, s10, $0xb8;
	[tilespmem:$0x1180] =	vst v63  }
0xb5: {  	_ =	swait.ge [sflag:s5], $0x80  }
0xb6: {  	[sflag:s5] =	ssyncset.done $0x0  }
0xb7: {  	[sflag:s5] =	ssyncadd.s32 $0xFFFFFF80  }
0xb8: {  	[spmem:s1] =	stream.indirect.scatter.add.f32 [tilespmem:s8], [sflag:$0x1], $0x1, s29, s10, $0xb8;
	[tilespmem:$0x1180] =	vst v63  }
0xb9: {  	_ =	swait.ge [sflag:s5], $0x80  }
0xba: {  	[sflag:s5] =	ssyncset.done $0x0  }
0xbb: {  	[sflag:s5] =	ssyncadd.s32 $0xFFFFFF80  }
0xbc: {  	s3 =	sshll.u32 s31, $0x4;
	s0 =	rddreg [dreg:$0x1]  }
0xbd: {  	s0 =	sadd.s32 s3, s0;
	s3 =	ssub.s32 $0x2, s31  }
0xbe: {  	[dreg:$0x5] =	wrdreg s0;
	s31 =	sshrl.u32 s3, $0x1  }
0xbf: {  	[bflag:$0x0] =	sbarrier.arrive $0xFFFF;
	s3 =	ssub.s32 s3, s31  }
0xc0: {  	[tilespmem:s6], [sflag:$0x1] =	stream.linear.gather [spmem:s7], $0x280, $0x38;
	[tilespmem:$0x1180] =	vst v63  }
0xc1: {  	s0 =	stileid.u32;
	s3 =	smax.u32 s3, $0x1;
	_ =	swait.ge [sflag:s5], $0x280  }
0xc2: {  	s0 =	smul.u32 $0xA0, s0;
	p0 =	sne.s32 s3, $0x1;
	s31 =	rddreg [dreg:$0x5]  }
.Ltmp0:
0xc3: {  	[sflag:s5] =	ssyncset.done $0x0;
	s31 =	sadd.s32 $0x6200, s31;
	(pc) =	sbr.rel @!p0 .LBB2_2-.Ltmp0, $4  }
0xc4: {  	[sflag:s5] =	ssyncadd.s32 $0xFFFFFD80;
	s31 =	sadd.s32 s0, s31  }
0xc5: {  	[hbm4b:s31+s10] =	stream.strided.scatter [tilespmem:s6], [sflag:$0x1], $0x280, s11, s10, $0x38;
	[tilespmem:$0x1180] =	vst v63  }
0xc6: {  	_ =	swait.ge [sflag:s5], $0x280  }
0xc7: {  	s0 =	sadd.s32 $0xFFFFFFFF, s3;
	[sflag:s5] =	ssyncset.done $0x0  }
.LBB2_1:
0xc8: {  	[sflag:s5] =	ssyncadd.s32 $0xFFFFFD80  }
0xc9: {  	[tilespmem:s6], [sflag:$0x1] =	stream.linear.gather [hbm4b:s4+s2], $0x280, $0x38;
	[tilespmem:$0x1180] =	vst v63  }
0xca: {  	_ =	swait.ge [sflag:s5], $0x280  }
0xcb: {  	[sflag:s5] =	ssyncset.done $0x0  }
0xcc: {  	[sflag:s5] =	ssyncadd.s32 $0xFFFFFD80  }
0xcd: {  	[spmem:s7] =	stream.linear.scatter [tilespmem:s6], [sflag:$0x1], $0x280, $0x38;
	[tilespmem:$0x1180] =	vst v63  }
0xce: {  	_ =	swait.ge [sflag:s5], $0x280  }
0xcf: {  	[sflag:s5] =	ssyncset.done $0x0  }
0xd0: {  	s3 =	rddreg [dreg:$0x4];
	[sflag:s5] =	ssyncadd.s32 $0xFFFFFD80  }
0xd1: {  	[tilespmem:s8], [sflag:$0x1] =	stream.linear.gather [hbm4b:s3+s2], $0x80, $0x38;
	[tilespmem:$0x1180] =	vst v63  }
0xd2: {  	_ =	swait.ge [sflag:s5], $0x80  }
0xd3: {  	[sflag:s5] =	ssyncset.done $0x0  }
0xd4: {  	[sflag:s5] =	ssyncadd.s32 $0xFFFFFF80  }
0xd5: {  	[bflag:$0x0] =	sbarrier.arrive $0xFFFF  }
0xd6: {  	[tilespmem:s2], [sflag:$0x1] =	stream.linear.gather [hbm4b:s9+s2], $0xA00, $0x38;
	[tilespmem:$0x1180] =	vst v63  }
0xd7: {  	_ =	swait.ge [sflag:s5], $0xA00  }
0xd8: {  	[sflag:s5] =	ssyncset.done $0x0  }
0xd9: {  	[sflag:s5] =	ssyncadd.s32 $0xFFFFF600  }
0xda: {  	[spmem:s1] =	stream.indirect.scatter.add.f32 [tilespmem:s8], [sflag:$0x1], $0x1, s2, s10, $0xb8;
	[tilespmem:$0x1180] =	vst v63  }
0xdb: {  	_ =	swait.ge [sflag:s5], $0x80  }
0xdc: {  	[sflag:s5] =	ssyncset.done $0x0  }
0xdd: {  	[sflag:s5] =	ssyncadd.s32 $0xFFFFFF80  }
0xde: {  	[spmem:s1] =	stream.indirect.scatter.add.f32 [tilespmem:s8], [sflag:$0x1], $0x1, s10, s10, $0xb8;
	[tilespmem:$0x1180] =	vst v63  }
0xdf: {  	_ =	swait.ge [sflag:s5], $0x80  }
0xe0: {  	[sflag:s5] =	ssyncset.done $0x0  }
0xe1: {  	[sflag:s5] =	ssyncadd.s32 $0xFFFFFF80  }
0xe2: {  	[spmem:s1] =	stream.indirect.scatter.add.f32 [tilespmem:s8], [sflag:$0x1], $0x1, s11, s10, $0xb8;
	[tilespmem:$0x1180] =	vst v63  }
0xe3: {  	_ =	swait.ge [sflag:s5], $0x80  }
0xe4: {  	[sflag:s5] =	ssyncset.done $0x0  }
0xe5: {  	[sflag:s5] =	ssyncadd.s32 $0xFFFFFF80  }
0xe6: {  	[spmem:s1] =	stream.indirect.scatter.add.f32 [tilespmem:s8], [sflag:$0x1], $0x1, s12, s10, $0xb8;
	[tilespmem:$0x1180] =	vst v63  }
0xe7: {  	_ =	swait.ge [sflag:s5], $0x80  }
0xe8: {  	[sflag:s5] =	ssyncset.done $0x0  }
0xe9: {  	[sflag:s5] =	ssyncadd.s32 $0xFFFFFF80  }
0xea: {  	[spmem:s1] =	stream.indirect.scatter.add.f32 [tilespmem:s8], [sflag:$0x1], $0x1, s13, s10, $0xb8;
	[tilespmem:$0x1180] =	vst v63  }
0xeb: {  	_ =	swait.ge [sflag:s5], $0x80  }
0xec: {  	[sflag:s5] =	ssyncset.done $0x0  }
0xed: {  	[sflag:s5] =	ssyncadd.s32 $0xFFFFFF80  }
0xee: {  	[spmem:s1] =	stream.indirect.scatter.add.f32 [tilespmem:s8], [sflag:$0x1], $0x1, s14, s10, $0xb8;
	[tilespmem:$0x1180] =	vst v63  }
0xef: {  	_ =	swait.ge [sflag:s5], $0x80  }
0xf0: {  	[sflag:s5] =	ssyncset.done $0x0  }
0xf1: {  	[sflag:s5] =	ssyncadd.s32 $0xFFFFFF80  }
0xf2: {  	[spmem:s1] =	stream.indirect.scatter.add.f32 [tilespmem:s8], [sflag:$0x1], $0x1, s15, s10, $0xb8;
	[tilespmem:$0x1180] =	vst v63  }
0xf3: {  	_ =	swait.ge [sflag:s5], $0x80  }
0xf4: {  	[sflag:s5] =	ssyncset.done $0x0  }
0xf5: {  	[sflag:s5] =	ssyncadd.s32 $0xFFFFFF80  }
0xf6: {  	[spmem:s1] =	stream.indirect.scatter.add.f32 [tilespmem:s8], [sflag:$0x1], $0x1, s16, s10, $0xb8;
	[tilespmem:$0x1180] =	vst v63  }
0xf7: {  	_ =	swait.ge [sflag:s5], $0x80  }
0xf8: {  	[sflag:s5] =	ssyncset.done $0x0  }
0xf9: {  	[sflag:s5] =	ssyncadd.s32 $0xFFFFFF80  }
0xfa: {  	[spmem:s1] =	stream.indirect.scatter.add.f32 [tilespmem:s8], [sflag:$0x1], $0x1, s17, s10, $0xb8;
	[tilespmem:$0x1180] =	vst v63  }
0xfb: {  	_ =	swait.ge [sflag:s5], $0x80  }
0xfc: {  	[sflag:s5] =	ssyncset.done $0x0  }
0xfd: {  	[sflag:s5] =	ssyncadd.s32 $0xFFFFFF80  }
0xfe: {  	[spmem:s1] =	stream.indirect.scatter.add.f32 [tilespmem:s8], [sflag:$0x1], $0x1, s18, s10, $0xb8;
	[tilespmem:$0x1180] =	vst v63  }
0xff: {  	_ =	swait.ge [sflag:s5], $0x80  }
0x100: {  	[sflag:s5] =	ssyncset.done $0x0  }
0x101: {  	[sflag:s5] =	ssyncadd.s32 $0xFFFFFF80  }
0x102: {  	[spmem:s1] =	stream.indirect.scatter.add.f32 [tilespmem:s8], [sflag:$0x1], $0x1, s19, s10, $0xb8;
	[tilespmem:$0x1180] =	vst v63  }
0x103: {  	_ =	swait.ge [sflag:s5], $0x80  }
0x104: {  	[sflag:s5] =	ssyncset.done $0x0  }
0x105: {  	[sflag:s5] =	ssyncadd.s32 $0xFFFFFF80  }
0x106: {  	[spmem:s1] =	stream.indirect.scatter.add.f32 [tilespmem:s8], [sflag:$0x1], $0x1, s20, s10, $0xb8;
	[tilespmem:$0x1180] =	vst v63  }
0x107: {  	_ =	swait.ge [sflag:s5], $0x80  }
0x108: {  	[sflag:s5] =	ssyncset.done $0x0  }
0x109: {  	[sflag:s5] =	ssyncadd.s32 $0xFFFFFF80  }
0x10a: {  	[spmem:s1] =	stream.indirect.scatter.add.f32 [tilespmem:s8], [sflag:$0x1], $0x1, s21, s10, $0xb8;
	[tilespmem:$0x1180] =	vst v63  }
0x10b: {  	_ =	swait.ge [sflag:s5], $0x80  }
0x10c: {  	[sflag:s5] =	ssyncset.done $0x0  }
0x10d: {  	[sflag:s5] =	ssyncadd.s32 $0xFFFFFF80  }
0x10e: {  	[spmem:s1] =	stream.indirect.scatter.add.f32 [tilespmem:s8], [sflag:$0x1], $0x1, s22, s10, $0xb8;
	[tilespmem:$0x1180] =	vst v63  }
0x10f: {  	_ =	swait.ge [sflag:s5], $0x80  }
0x110: {  	[sflag:s5] =	ssyncset.done $0x0  }
0x111: {  	[sflag:s5] =	ssyncadd.s32 $0xFFFFFF80  }
0x112: {  	[spmem:s1] =	stream.indirect.scatter.add.f32 [tilespmem:s8], [sflag:$0x1], $0x1, s23, s10, $0xb8;
	[tilespmem:$0x1180] =	vst v63  }
0x113: {  	_ =	swait.ge [sflag:s5], $0x80  }
0x114: {  	[sflag:s5] =	ssyncset.done $0x0  }
0x115: {  	[sflag:s5] =	ssyncadd.s32 $0xFFFFFF80  }
0x116: {  	[spmem:s1] =	stream.indirect.scatter.add.f32 [tilespmem:s8], [sflag:$0x1], $0x1, s24, s10, $0xb8;
	[tilespmem:$0x1180] =	vst v63  }
0x117: {  	_ =	swait.ge [sflag:s5], $0x80  }
0x118: {  	[sflag:s5] =	ssyncset.done $0x0  }
0x119: {  	[sflag:s5] =	ssyncadd.s32 $0xFFFFFF80  }
0x11a: {  	[spmem:s1] =	stream.indirect.scatter.add.f32 [tilespmem:s8], [sflag:$0x1], $0x1, s25, s10, $0xb8;
	[tilespmem:$0x1180] =	vst v63  }
0x11b: {  	_ =	swait.ge [sflag:s5], $0x80  }
0x11c: {  	[sflag:s5] =	ssyncset.done $0x0  }
0x11d: {  	[sflag:s5] =	ssyncadd.s32 $0xFFFFFF80  }
0x11e: {  	[spmem:s1] =	stream.indirect.scatter.add.f32 [tilespmem:s8], [sflag:$0x1], $0x1, s26, s10, $0xb8;
	[tilespmem:$0x1180] =	vst v63  }
0x11f: {  	_ =	swait.ge [sflag:s5], $0x80  }
0x120: {  	[sflag:s5] =	ssyncset.done $0x0  }
0x121: {  	[sflag:s5] =	ssyncadd.s32 $0xFFFFFF80  }
0x122: {  	[spmem:s1] =	stream.indirect.scatter.add.f32 [tilespmem:s8], [sflag:$0x1], $0x1, s28, s10, $0xb8;
	[tilespmem:$0x1180] =	vst v63  }
0x123: {  	_ =	swait.ge [sflag:s5], $0x80  }
0x124: {  	[sflag:s5] =	ssyncset.done $0x0  }
0x125: {  	[sflag:s5] =	ssyncadd.s32 $0xFFFFFF80  }
0x126: {  	[spmem:s1] =	stream.indirect.scatter.add.f32 [tilespmem:s8], [sflag:$0x1], $0x1, s29, s10, $0xb8;
	[tilespmem:$0x1180] =	vst v63  }
0x127: {  	_ =	swait.ge [sflag:s5], $0x80  }
0x128: {  	[sflag:s5] =	ssyncset.done $0x0  }
0x129: {  	[sflag:s5] =	ssyncadd.s32 $0xFFFFFF80  }
0x12a: {  	[tilespmem:s2], [sflag:$0x1] =	stream.linear.gather [hbm4b:s30+s2], $0xA00, $0x38;
	[tilespmem:$0x1180] =	vst v63  }
0x12b: {  	_ =	swait.ge [sflag:s5], $0xA00  }
0x12c: {  	[sflag:s5] =	ssyncset.done $0x0  }
0x12d: {  	[sflag:s5] =	ssyncadd.s32 $0xFFFFF600  }
0x12e: {  	[spmem:s1] =	stream.indirect.scatter.add.f32 [tilespmem:s8], [sflag:$0x1], $0x1, s2, s10, $0xb8;
	[tilespmem:$0x1180] =	vst v63  }
0x12f: {  	_ =	swait.ge [sflag:s5], $0x80  }
0x130: {  	[sflag:s5] =	ssyncset.done $0x0  }
0x131: {  	[sflag:s5] =	ssyncadd.s32 $0xFFFFFF80  }
0x132: {  	[spmem:s1] =	stream.indirect.scatter.add.f32 [tilespmem:s8], [sflag:$0x1], $0x1, s10, s10, $0xb8;
	[tilespmem:$0x1180] =	vst v63  }
0x133: {  	_ =	swait.ge [sflag:s5], $0x80  }
0x134: {  	[sflag:s5] =	ssyncset.done $0x0  }
0x135: {  	[sflag:s5] =	ssyncadd.s32 $0xFFFFFF80  }
0x136: {  	[spmem:s1] =	stream.indirect.scatter.add.f32 [tilespmem:s8], [sflag:$0x1], $0x1, s11, s10, $0xb8;
	[tilespmem:$0x1180] =	vst v63  }
0x137: {  	_ =	swait.ge [sflag:s5], $0x80  }
0x138: {  	[sflag:s5] =	ssyncset.done $0x0  }
0x139: {  	[sflag:s5] =	ssyncadd.s32 $0xFFFFFF80  }
0x13a: {  	[spmem:s1] =	stream.indirect.scatter.add.f32 [tilespmem:s8], [sflag:$0x1], $0x1, s12, s10, $0xb8;
	[tilespmem:$0x1180] =	vst v63  }
0x13b: {  	_ =	swait.ge [sflag:s5], $0x80  }
0x13c: {  	[sflag:s5] =	ssyncset.done $0x0  }
0x13d: {  	[sflag:s5] =	ssyncadd.s32 $0xFFFFFF80  }
0x13e: {  	[spmem:s1] =	stream.indirect.scatter.add.f32 [tilespmem:s8], [sflag:$0x1], $0x1, s13, s10, $0xb8;
	[tilespmem:$0x1180] =	vst v63  }
0x13f: {  	_ =	swait.ge [sflag:s5], $0x80  }
0x140: {  	[sflag:s5] =	ssyncset.done $0x0  }
0x141: {  	[sflag:s5] =	ssyncadd.s32 $0xFFFFFF80  }
0x142: {  	[spmem:s1] =	stream.indirect.scatter.add.f32 [tilespmem:s8], [sflag:$0x1], $0x1, s14, s10, $0xb8;
	[tilespmem:$0x1180] =	vst v63  }
0x143: {  	_ =	swait.ge [sflag:s5], $0x80  }
0x144: {  	[sflag:s5] =	ssyncset.done $0x0  }
0x145: {  	[sflag:s5] =	ssyncadd.s32 $0xFFFFFF80  }
0x146: {  	[spmem:s1] =	stream.indirect.scatter.add.f32 [tilespmem:s8], [sflag:$0x1], $0x1, s15, s10, $0xb8;
	[tilespmem:$0x1180] =	vst v63  }
0x147: {  	_ =	swait.ge [sflag:s5], $0x80  }
0x148: {  	[sflag:s5] =	ssyncset.done $0x0  }
0x149: {  	[sflag:s5] =	ssyncadd.s32 $0xFFFFFF80  }
0x14a: {  	[spmem:s1] =	stream.indirect.scatter.add.f32 [tilespmem:s8], [sflag:$0x1], $0x1, s16, s10, $0xb8;
	[tilespmem:$0x1180] =	vst v63  }
0x14b: {  	_ =	swait.ge [sflag:s5], $0x80  }
0x14c: {  	[sflag:s5] =	ssyncset.done $0x0  }
0x14d: {  	[sflag:s5] =	ssyncadd.s32 $0xFFFFFF80  }
0x14e: {  	[spmem:s1] =	stream.indirect.scatter.add.f32 [tilespmem:s8], [sflag:$0x1], $0x1, s17, s10, $0xb8;
	[tilespmem:$0x1180] =	vst v63  }
0x14f: {  	_ =	swait.ge [sflag:s5], $0x80  }
0x150: {  	[sflag:s5] =	ssyncset.done $0x0  }
0x151: {  	[sflag:s5] =	ssyncadd.s32 $0xFFFFFF80  }
0x152: {  	[spmem:s1] =	stream.indirect.scatter.add.f32 [tilespmem:s8], [sflag:$0x1], $0x1, s18, s10, $0xb8;
	[tilespmem:$0x1180] =	vst v63  }
0x153: {  	_ =	swait.ge [sflag:s5], $0x80  }
0x154: {  	[sflag:s5] =	ssyncset.done $0x0  }
0x155: {  	[sflag:s5] =	ssyncadd.s32 $0xFFFFFF80  }
0x156: {  	[spmem:s1] =	stream.indirect.scatter.add.f32 [tilespmem:s8], [sflag:$0x1], $0x1, s19, s10, $0xb8;
	[tilespmem:$0x1180] =	vst v63  }
0x157: {  	_ =	swait.ge [sflag:s5], $0x80  }
0x158: {  	[sflag:s5] =	ssyncset.done $0x0  }
0x159: {  	[sflag:s5] =	ssyncadd.s32 $0xFFFFFF80  }
0x15a: {  	[spmem:s1] =	stream.indirect.scatter.add.f32 [tilespmem:s8], [sflag:$0x1], $0x1, s20, s10, $0xb8;
	[tilespmem:$0x1180] =	vst v63  }
0x15b: {  	_ =	swait.ge [sflag:s5], $0x80  }
0x15c: {  	[sflag:s5] =	ssyncset.done $0x0  }
0x15d: {  	[sflag:s5] =	ssyncadd.s32 $0xFFFFFF80  }
0x15e: {  	[spmem:s1] =	stream.indirect.scatter.add.f32 [tilespmem:s8], [sflag:$0x1], $0x1, s21, s10, $0xb8;
	[tilespmem:$0x1180] =	vst v63  }
0x15f: {  	_ =	swait.ge [sflag:s5], $0x80  }
0x160: {  	[sflag:s5] =	ssyncset.done $0x0  }
0x161: {  	[sflag:s5] =	ssyncadd.s32 $0xFFFFFF80  }
0x162: {  	[spmem:s1] =	stream.indirect.scatter.add.f32 [tilespmem:s8], [sflag:$0x1], $0x1, s22, s10, $0xb8;
	[tilespmem:$0x1180] =	vst v63  }
0x163: {  	_ =	swait.ge [sflag:s5], $0x80  }
0x164: {  	[sflag:s5] =	ssyncset.done $0x0  }
0x165: {  	[sflag:s5] =	ssyncadd.s32 $0xFFFFFF80  }
0x166: {  	[spmem:s1] =	stream.indirect.scatter.add.f32 [tilespmem:s8], [sflag:$0x1], $0x1, s23, s10, $0xb8;
	[tilespmem:$0x1180] =	vst v63  }
0x167: {  	_ =	swait.ge [sflag:s5], $0x80  }
0x168: {  	[sflag:s5] =	ssyncset.done $0x0  }
0x169: {  	[sflag:s5] =	ssyncadd.s32 $0xFFFFFF80  }
0x16a: {  	[spmem:s1] =	stream.indirect.scatter.add.f32 [tilespmem:s8], [sflag:$0x1], $0x1, s24, s10, $0xb8;
	[tilespmem:$0x1180] =	vst v63  }
0x16b: {  	_ =	swait.ge [sflag:s5], $0x80  }
0x16c: {  	[sflag:s5] =	ssyncset.done $0x0  }
0x16d: {  	[sflag:s5] =	ssyncadd.s32 $0xFFFFFF80  }
0x16e: {  	[spmem:s1] =	stream.indirect.scatter.add.f32 [tilespmem:s8], [sflag:$0x1], $0x1, s25, s10, $0xb8;
	[tilespmem:$0x1180] =	vst v63  }
0x16f: {  	_ =	swait.ge [sflag:s5], $0x80  }
0x170: {  	[sflag:s5] =	ssyncset.done $0x0  }
0x171: {  	[sflag:s5] =	ssyncadd.s32 $0xFFFFFF80  }
0x172: {  	[spmem:s1] =	stream.indirect.scatter.add.f32 [tilespmem:s8], [sflag:$0x1], $0x1, s26, s10, $0xb8;
	[tilespmem:$0x1180] =	vst v63  }
0x173: {  	_ =	swait.ge [sflag:s5], $0x80  }
0x174: {  	[sflag:s5] =	ssyncset.done $0x0  }
0x175: {  	[sflag:s5] =	ssyncadd.s32 $0xFFFFFF80  }
0x176: {  	[spmem:s1] =	stream.indirect.scatter.add.f32 [tilespmem:s8], [sflag:$0x1], $0x1, s28, s10, $0xb8;
	[tilespmem:$0x1180] =	vst v63  }
0x177: {  	_ =	swait.ge [sflag:s5], $0x80  }
0x178: {  	[sflag:s5] =	ssyncset.done $0x0  }
0x179: {  	[sflag:s5] =	ssyncadd.s32 $0xFFFFFF80  }
0x17a: {  	[spmem:s1] =	stream.indirect.scatter.add.f32 [tilespmem:s8], [sflag:$0x1], $0x1, s29, s10, $0xb8;
	[tilespmem:$0x1180] =	vst v63  }
0x17b: {  	_ =	swait.ge [sflag:s5], $0x80  }
0x17c: {  	[sflag:s5] =	ssyncset.done $0x0  }
0x17d: {  	[sflag:s5] =	ssyncadd.s32 $0xFFFFFF80  }
0x17e: {  	[bflag:$0x0] =	sbarrier.arrive $0xFFFF  }
0x17f: {  	[tilespmem:s6], [sflag:$0x1] =	stream.linear.gather [spmem:s7], $0x280, $0x38;
	[tilespmem:$0x1180] =	vst v63  }
0x180: {  	p0 =	sne.s32 s0, $0x1;
	_ =	swait.ge [sflag:s5], $0x280  }
.Ltmp1:
0x181: {  	[sflag:s5] =	ssyncset.done $0x0;
	(pc) =	sbr.rel @p0 .LBB2_1-.Ltmp1, $4  }
0x182: {  	[sflag:s5] =	ssyncadd.s32 $0xFFFFFD80  }
0x183: {  	[hbm4b:s31+s10] =	stream.strided.scatter [tilespmem:s6], [sflag:$0x1], $0x280, s11, s10, $0x38;
	[tilespmem:$0x1180] =	vst v63  }
0x184: {  	_ =	swait.ge [sflag:s5], $0x280  }
0x185: {  	s0 =	sadd.s32 $0xFFFFFFFF, s0;
	[sflag:s5] =	ssyncset.done $0x0  }
.LBB2_2:
0x186: {  	[sflag:s5] =	ssyncadd.s32 $0xFFFFFD80  }
0x187: {  	_ =	sfence.sel $0x180000  }
0x188: {  	[bflag:$0x0] =	sbarrier.arrive $0xFFFF  }
0x189: {  	_ =	strace $0x90000047  }
0x18a: {  	s0 =	stileid.u32;
	[bflag:$0x2] =	sbarrier.arrive $0xFFFF  }
0x18b: {  	p0 =	sne.s32 s0, $0x0;
	s0 =	rddreg [dreg:$0x3]  }
0x18c: {  	s0 =	sadd.s32 @!p0 $0x100000, s0  }
0x18d: {  	[sflag:s0] =	ssyncadd.tile.s32 @!p0 $0x1;
	_ =	shalt  }
.Lfunc_end2:
_tile_overlayer_lowered:
.L_overlay_start_2:
0x18e: {  	(tag) =	ssettag $0x2  }
0x18f: {  	s0 =	rddreg [dreg:$0x0];
	s2 =	stileid.u32  }
0x190: {  	s1 =	rddreg [dreg:$0x1];
	p0 =	sne.s32 s2, $0x0  }
0x191: {  	s3 =	rddreg [dreg:$0x2];
	[bflag:$0x3] =	sbarrier.arrive $0xFFFF;
	s2 =	simm.s32 @!p0 $0x1C01  }
0x192: {  	[timem:s3], [sflag:s2] =	dma.local @!p0 [hbm:s0], s1  }
0x193: {  	s0 =	simm.s32 @!p0 $0x1  }
0x194: {  	_ =	swait.ge @!p0 [sflag:s0], s1  }
0x195: {  	s1 =	ssub.s32 @!p0 $0x0, s1;
	[sflag:s0] =	ssyncset.done @!p0 $0x0  }
0x196: {  	[sflag:s0] =	ssyncadd.s32 @!p0 s1  }
0x197: {  	[bflag:$0x3] =	sbarrier.arrive $0xFFFF  }
0x198: {  	_ =	shalt  }

// kernel: kernel.9.cloned.1.call-start
scs
__scs_entry_jumppad:
0x0: {  	(pc) =	sbr.rel $0x88, $3  }
0x1: {  	(tag) =	ssettag $0x0;
	lr =	simm.s32 $0x1  }
0x2: {  	[smem:$0x3F9D] =	sst lr;
	_ =	strace $0xD0000000  }
0x3: {  	_ = 	snop  }
0x4: {  	_ = 	snop  }
0x5: {  	_ = 	snop  }
0x6: {  	_ = 	snop  }
0x7: {  	_ = 	snop  }
__scs_overlays_trampoline_lowered:
0x8: {  	[smem:$0x3FAC] =	sst s0  }
0x9: {  	[smem:$0x3FAD] =	sst s1  }
0xa: {  	[smem:$0x3FAE] =	sst s2  }
0xb: {  	[smem:$0x3FAF] =	sst s3  }
0xc: {  	[smem:$0x3FB0] =	sst s4  }
0xd: {  	[smem:$0x3FB1] =	sst s5  }
0xe: {  	[smem:$0x3FB2] =	sst s6  }
0xf: {  	[smem:$0x3FB3] =	sst s7  }
0x10: {  	[smem:$0x3FB4] =	sst s8  }
0x11: {  	[smem:$0x3FB5] =	sst s9;
	s0 =	simm.s32 @!p0 $0x0  }
0x12: {  	s1 =	sld [smem:$0x3F9B];
	s0 =	simm.s32 @p0 $0x1  }
0x13: {  	[smem:$0x3FB6] =	sst s0;
	s0 =	simm.s32 @!p1 $0x0  }
0x14: {  	s2 =	sld [smem:$0x3F9A];
	s0 =	simm.s32 @p1 $0x1  }
0x15: {  	[smem:$0x3FB7] =	sst s0;
	s0 =	simm.s32 @!p2 $0x0  }
0x16: {  	s3 =	sld [smem:$0x3FDB];
	s0 =	simm.s32 @p2 $0x1  }
0x17: {  	s4 =	simm.s32 $0x1BF5;
	[smem:$0x3FB9] =	sst s0  }
0x18: {  	s0 =	sld [smem:$0x3F9C];
	_ =	swait.ge [sflag:s4], $0x0  }
0x19: {  	s7 =	sld [smem:$0x3F9D]  }
0x1a: {  	s8 =	sadd.s32 $0xFFFFE003, lr  }
0x1b: {  	s9 =	sadd.s32 $0xFFFFFEF7, lr;
	s5 =	simm.s32 $0xFFFFFFFF;
	p2 =	slt.u32 s8, $0xFFFFF086  }
0x1c: {  	p1 =	slt.u32 s9, $0xF7A;
	s5 =	simm.s32 @!p2 $0x0  }
0x1d: {  	s5 =	simm.s32 @p1 $0x1;
	p0 =	seq.s32 s7, s2  }
0x1e: {  	s7 =	smul.u32 @!p0 $0xF7A, s2;
	p2 =	seq.s32 @!p0 s5, $0x0  }
0x1f: {  	s9 =	smul.u32 $0xF7A, s1;
	s8 =	simm.s32 @!p0 $0x1BF5;
	p2 =	por !p2, p0  }
0x20: {  	[sflag:s8] =	ssyncset.s32 @!p0 $0xFFFFF086;
	s6 =	sadd.s32 @!p0 s3, s7;
	s7 =	simm.s32 @!p0 $0x108  }
0x21: {  	s3 =	sadd.s32 s3, s9;
	s6 =	sadd.s32 @!p0 $0x88, s6;
	s7 =	simm.s32 @p2 $0x1082  }
0x22: {  	[simem:s7], [sflag:s8] =	dma.local @!p0 [hbm:s6], $0xF7A  }
0x23: {  	s9 =	sor.u32 $0xD0000000, s2;
	s6 =	simm.s32 $0x108;
	_ =	swait.ge @!p0 [sflag:s8], $0x0  }
0x24: {  	s3 =	sadd.s32 $0x88, s3;
	s6 =	simm.s32 @!p1 $0x1082;
	[sflag:s4] =	ssyncset.s32 $0xFFFFF086  }
0x25: {  	[simem:s6], [sflag:s4] =	dma.local [hbm:s3], $0xF7A  }
0x26: {  	[smem:$0x3F9D] =	sst s1;
	(tag) =	ssettag s2;
	_ =	strace s9  }
0x27: {  	s1 =	sld [smem:$0x3FAD]  }
0x28: {  	s2 =	sld [smem:$0x3FAE]  }
0x29: {  	s4 =	sld [smem:$0x3FB0]  }
0x2a: {  	p0 =	seq.s32 s5, $0x0;
	s5 =	sld [smem:$0x3FB1]  }
0x2b: {  	s6 =	sld [smem:$0x3FB2]  }
0x2c: {  	s7 =	sld [smem:$0x3FB3]  }
0x2d: {  	s3 =	simm.s32 $0x108;
	s8 =	sld [smem:$0x3FB4]  }
0x2e: {  	s3 =	simm.s32 @!p0 $0x1082;
	s9 =	sld [smem:$0x3FB5]  }
0x2f: {  	lr =	sadd.s32 s0, s3;
	s0 =	sld [smem:$0x3FAC]  }
0x30: {  	s3 =	sld [smem:$0x3FAF]  }
0x31: {  	[smem:$0x3FB8] =	sst s10  }
0x32: {  	s10 =	sld [smem:$0x3FB6];
	_ =	sdelay $0x3  }
0x33: {  	p0 =	seq.s32 s10, $0x1;
	s10 =	sld [smem:$0x3FB8];
	_ =	sdelay $0x3  }
0x34: {  	[smem:$0x3FB8] =	sst s10  }
0x35: {  	s10 =	sld [smem:$0x3FB7];
	_ =	sdelay $0x3  }
0x36: {  	p1 =	seq.s32 s10, $0x1;
	s10 =	sld [smem:$0x3FB8];
	_ =	sdelay $0x3  }
0x37: {  	[smem:$0x3FB8] =	sst s10  }
0x38: {  	s10 =	sld [smem:$0x3FB9]  }
0x39: {  	_ = 	snop;
	(pc) =	sbr.ind lr, $3  }
0x3a: {  	_ = 	snop  }
0x3b: {  	_ = 	snop  }
0x3c: {  	p2 =	seq.s32 s10, $0x1;
	s10 =	sld [smem:$0x3FB8]  }
0x3d: {  	_ =	shalt  }
0x3e: {  	_ =	shalt  }
0x3f: {  	_ =	shalt  }
0x40: {  	_ =	shalt  }
0x41: {  	_ =	shalt  }
0x42: {  	_ =	shalt  }
0x43: {  	_ =	shalt  }
0x44: {  	_ =	shalt  }
0x45: {  	_ =	shalt  }
0x46: {  	_ =	shalt  }
0x47: {  	_ =	shalt  }
0x48: {  	_ =	shalt  }
0x49: {  	_ =	shalt  }
0x4a: {  	_ =	shalt  }
0x4b: {  	_ =	shalt  }
0x4c: {  	_ =	shalt  }
0x4d: {  	_ =	shalt  }
0x4e: {  	_ =	shalt  }
0x4f: {  	_ =	shalt  }
0x50: {  	_ =	shalt  }
0x51: {  	_ =	shalt  }
0x52: {  	_ =	shalt  }
0x53: {  	_ =	shalt  }
0x54: {  	_ =	shalt  }
0x55: {  	_ =	shalt  }
0x56: {  	_ =	shalt  }
0x57: {  	_ =	shalt  }
0x58: {  	_ =	shalt  }
0x59: {  	_ =	shalt  }
0x5a: {  	_ =	shalt  }
0x5b: {  	_ =	shalt  }
0x5c: {  	_ =	shalt  }
0x5d: {  	_ =	shalt  }
0x5e: {  	_ =	shalt  }
0x5f: {  	_ =	shalt  }
0x60: {  	_ =	shalt  }
0x61: {  	_ =	shalt  }
0x62: {  	_ =	shalt  }
0x63: {  	_ =	shalt  }
0x64: {  	_ =	shalt  }
0x65: {  	_ =	shalt  }
0x66: {  	_ =	shalt  }
0x67: {  	_ =	shalt  }
0x68: {  	_ =	shalt  }
0x69: {  	_ =	shalt  }
0x6a: {  	_ =	shalt  }
0x6b: {  	_ =	shalt  }
0x6c: {  	_ =	shalt  }
0x6d: {  	_ =	shalt  }
0x6e: {  	_ =	shalt  }
0x6f: {  	_ =	shalt  }
0x70: {  	_ =	shalt  }
0x71: {  	_ =	shalt  }
0x72: {  	_ =	shalt  }
0x73: {  	_ =	shalt  }
0x74: {  	_ =	shalt  }
0x75: {  	_ =	shalt  }
0x76: {  	_ =	shalt  }
0x77: {  	_ =	shalt  }
0x78: {  	_ =	shalt  }
0x79: {  	_ =	shalt  }
0x7a: {  	_ =	shalt  }
0x7b: {  	_ =	shalt  }
0x7c: {  	_ =	shalt  }
0x7d: {  	_ =	shalt  }
0x7e: {  	_ =	shalt  }
0x7f: {  	_ =	shalt  }
0x80: {  	_ =	shalt  }
0x81: {  	_ =	shalt  }
0x82: {  	_ =	shalt  }
0x83: {  	_ =	shalt  }
0x84: {  	_ =	shalt  }
0x85: {  	_ =	shalt  }
0x86: {  	_ =	shalt  }
0x87: {  	_ =	shalt  }
.Lfunc_end0:
.L_simem_size_0:
called_computation.1_lowered:
.L_overlay_start_0:
0x88: {  	s2 =	sld [smem:$0x3FD9]  }
0x89: {  	s3 =	sld [smem:$0x3FFE];
	_ =	sdelay $0x1  }
0x8a: {  	s1 =	srdreg.scid  }
0x8b: {  	s0 =	sand.u32 $0x1, s1  }
0x8c: {  	s17 =	sshll.u32 s0, $0xA;
	s2 =	sadd.s32 s3, s2  }
0x8d: {  	s2 =	sadd.s32 s2, s17  }
0x8e: {  	[smem:$0x3FC4] =	sst s2  }
0x8f: {  	_ = 	snop  }
0x90: {  	s2 =	sld [smem:$0x3FD0];
	(tm) =	ssettm $0x1  }
0x91: {  	s18 =	sld [smem:$0x3FFB];
	_ =	sdelay $0x3  }
0x92: {  	_ =	strace s18  }
0x93: {  	s3 =	sld [smem:$0x3FFC];
	_ =	sdelay $0x3  }
0x94: {  	_ =	strace s3  }
0x95: {  	s3 =	sld [smem:$0x3FFD];
	_ =	sdelay $0x3  }
0x96: {  	_ =	strace s3  }
0x97: {  	_ =	strace $0x8FFFFFFF  }
0x98: {  	s19 =	sld [smem:$0x3FDB];
	_ =	sdelay $0x1  }
0x99: {  	s4 =	simm.s32 $_scs_section_size  }
0x9a: {  	s5 =	simm.s32 $_size__tile_overlayer_lowered;
	s6 =	simm.s32 $_tile_overlayer_lowered  }
0x9b: {  	s22 =	simm.s32 $0x1BFF;
	s21 =	sshll.u32 s6, $0x1;
	s3 =	sadd.s32 s4, s19  }
0x9c: {  	s7 =	simm.s32 $0x0;
	s20 =	sshll.u32 s5, $0x1;
	s5 =	sadd.s32 s21, s3  }
0x9d: {  	[timem:s7], [sflag:s22] =	dma.local [hbm:s5], s20  }
0x9e: {  	_ =	swait.ge [sflag:s22], s20  }
0x9f: {  	s4 =	ssub.s32 $0x0, s20;
	[sflag:s22] =	ssyncset.done $0x0  }
0xa0: {  	[sflag:s22] =	ssyncadd.s32 s4;
	_ =	sdelay $0x1  }
0xa1: {  	s23 =	simm.s32 $0x1B8B  }
0xa2: {  	_ =	swait.ge [sflag:s23], $0x1  }
0xa3: {  	[sflag:s23] =	ssyncset.done $0x0  }
0xa4: {  	s25 =	simm.s32 $0x1B8E;
	s24 =	sld [smem:$0x3FFE];
	[sflag:s23] =	ssyncadd.s32 $0xFFFFFFFF  }
0xa5: {  	s26 =	simm.s32 $execute0_lowered;
	[smem:$0x3FD2] =	sst s25  }
0xa6: {  	s5 =	sshll.u32 s26, $0x1;
	_ =	strace $0x80000049;
	[dreg:$0x1] =	wrdreg $0xFFFFFFFF  }
0xa7: {  	s28 =	simm.s32 $_size_execute0_lowered;
	s3 =	sadd.s32 s3, s5;
	[dreg:$0x0] =	wrdreg $0x0  }
0xa8: {  	s5 =	sshll.u32 s28, $0x1;
	[dreg:$0x2] =	wrdreg s3  }
0xa9: {  	[dreg:$0x3] =	wrdreg s5  }
0xaa: {  	[dreg:$0x4] =	wrdreg $0xC0  }
0xab: {  	_ =	task [dreg:s7], $0x5FFFF  }
0xac: {  	[dreg:$0x1] =	wrdreg $0xFFFFFFFF  }
0xad: {  	[dreg:$0x0] =	wrdreg $0x60  }
0xae: {  	[dreg:$0x2] =	wrdreg s2  }
0xaf: {  	[dreg:$0x3] =	wrdreg s24  }
0xb0: {  	[dreg:$0x4] =	wrdreg $0xA8000  }
0xb1: {  	[dreg:$0x5] =	wrdreg $0x9  }
0xb2: {  	_ =	task.clear_ibuf [dreg:s7], $0x6FFFF;
	_ =	strace $0x90000049  }
0xb3: {  	s29 =	simm.s32 $0x9;
	_ =	strace $0x8000004B  }
0xb4: {  	_ =	swait.ge [sflag:s29], $0x1  }
0xb5: {  	[sflag:s29] =	ssyncadd.s32 $0xFFFFFFFF  }
0xb6: {  	_ =	strace $0x9000004B  }
0xb7: {  	_ =	sfence  }
0xb8: {  	s30 =	sld [smem:$0x0];
	_ =	sdelay $0x2  }
0xb9: {  	s31 =	sshll.u32 s1, $0xD;
	s1 =	sshrl.u32 s1, $0x2  }
0xba: {  	s3 =	sand.u32 $0x4000, s31;
	s1 =	sadd.s32 s1, s30  }
0xbb: {  	s0 =	sor.u32 s3, s0;
	s1 =	sshll.u32 s1, $0x11  }
0xbc: {  	s0 =	sor.u32 s1, s0  }
0xbd: {  	s0 =	sadd.s32 $0x8F2B, s0  }
0xbe: {  	[sflag:s0] =	ssyncadd.remote.s32 $0x1  }
0xbf: {  	_ =	sfence.sel $0xFFFF  }
0xc0: {  	[dreg:$0x0] =	wrdreg $0xFFFFFFFF;
	(pc) =	sbr.abs _section_cstart, $3  }
0xc1: {  	[dreg:$0x1] =	wrdreg $0xFFFFFFFF  }
0xc2: {  	_ =	task.clear_ibuf [dreg:s7], $0x2FFFF;
	_ =	strace $0x9FFFFFFF  }
0xc3: {  	(tm) =	ssettm $0x7FFFFFFF  }
tec
execute0_lowered:
.L_overlay_start_1:
0x0: {  	(tag) =	ssettag $0x1  }
0x1: {  	s1 =	rddreg [dreg:$0x0]  }
0x2: {  	s0 =	rddreg [dreg:$0x1]  }
0x3: {  	s3 =	rddreg [dreg:$0x2]  }
0x4: {  	s4 =	simm.s32 $0x0;
	s14 =	stileid.u32;
	s2 =	srdreg.scid  }
0x5: {  	s28 =	simm.s32 $0x1;
	s29 =	simm.s32 $0x6800;
	s30 =	simm.s32 $0x2  }
0x6: {  	s31 =	simm.s32 $0x1380;
	[smem:$0x7FF] =	sst s4;
	s5 =	smul.u32 $0x280, s14  }
0x7: {  	s2 =	sand.u32 $0x1, s2;
	s6 =	sadd.s32 $0xBC00, s0;
	s9 =	sadd.s32 $0x5E00, s0  }
0x8: {  	s10 =	smul.u32 $0x50000, s14;
	s16 =	sadd.s32 $0x3600, s0;
	_ =	strace $0x8000004A  }
0x9: {  	s8 =	smul.u32 $0x28000, s2;
	[dreg:$0x4] =	wrdreg s9;
	s20 =	ssub.s32 $0x2, s2  }
0xa: {  	p0 =	seq.s32 s2, $0x1;
	s2 =	simm.s32 $0x2780;
	s7 =	sadd.s32 s5, s0  }
0xb: {  	s21 =	sshrl.u32 s20, $0x1;
	s17 =	sadd.s32 $0x80, s5;
	s22 =	sshrl.u32 s10, $0x2  }
0xc: {  	s19 =	sadd.s32 $0x100, s5;
	s13 =	sadd.s32 s8, s0;
	s18 =	ssub.s32 s20, s21  }
0xd: {  	s23 =	sshll.u32 s17, $0x7;
	s8 =	sadd.s32 s22, s3;
	s24 =	sshll.u32 s19, $0x7  }
0xe: {  	s20 =	sadd.s32 $0x180, s5;
	s21 =	sadd.s32 $0x200, s5;
	s25 =	sadd.s32 $0x6C00, s7  }
0xf: {  	s26 =	sadd.s32 $0xE00, s7;
	s7 =	sadd.s32 $0x9400, s0;
	s22 =	smul.u32 $0x2800, s14  }
0x10: {  	s0 =	simm.s32 $0x2700;
	s9 =	sadd.s32 s23, s3;
	[dreg:$0x5] =	wrdreg s25  }
0x11: {  	s10 =	sadd.s32 s24, s3;
	s11 =	sshll.u32 s20, $0x7;
	[dreg:$0x6] =	wrdreg s26  }
0x12: {  	s12 =	sshll.u32 s21, $0x7;
	[dreg:$0x7] =	wrdreg s7;
	s15 =	sadd.s32 $0x32E00, s13  }
0x13: {  	s25 =	sshll.u32 s17, $0x4;
	s26 =	sshll.u32 s19, $0x4;
	s23 =	sshll.u32 s20, $0x4  }
.Ltmp0:
0x14: {  	s24 =	sshll.u32 s21, $0x4;
	s17 =	smax.u32 s18, $0x1;
	(pc) =	sbr.rel .LBB2_1-.Ltmp0, $4  }
0x15: {  	s18 =	simm.s32 $0x2800;
	s19 =	simm.s32 $0x3;
	s7 =	simm.s32 $0x0  }
0x16: {  	s11 =	sadd.s32 s11, s3;
	s12 =	sadd.s32 s12, s3;
	s20 =	sadd.s32 s22, s15  }
0x17: {  	s21 =	sadd.s32 s25, s15;
	s22 =	sadd.s32 s26, s15;
	s23 =	sadd.s32 s23, s15  }
0x18: {  	s24 =	sadd.s32 s24, s15;
	s25 =	simm.s32 $0x1400;
	s26 =	simm.s32 $0x80  }
.LBB2_11:
0x19: {  	[sflag:s19] =	ssyncadd.s32 $0xFFFFC000  }
0x1a: {  	_ =	swait.ge [sflag:s28], $0x4000  }
0x1b: {  	[sflag:s28] =	ssyncset.done $0x0  }
0x1c: {  	[sflag:s28] =	ssyncadd.s32 $0xFFFFC000  }
0x1d: {  	[tilespmem:s29], [sflag:$0x2] =	stream.indirect.gather [hbm4b:s6+s26], $0x80, s31, s26, $0xb8;
	[tilespmem:$0x1E800] =	vst v63  }
.LBB2_12:
0x1e: {  	[spmem:s3] =	stream.indirect.scatter.add.f32 [tilespmem:s18], [sflag:$0x3], $0x80, s0, s26, $0xb8;
	[tilespmem:$0x1E800] =	vst v63  }
0x1f: {  	_ =	swait.ge [sflag:s19], $0x4000  }
0x20: {  	[sflag:s19] =	ssyncset.done $0x0  }
0x21: {  	[sflag:s19] =	ssyncadd.s32 $0xFFFFC000  }
0x22: {  	_ =	swait.ge [sflag:s30], $0x4000  }
0x23: {  	[sflag:s30] =	ssyncset.done $0x0  }
0x24: {  	[sflag:s30] =	ssyncadd.s32 $0xFFFFC000  }
0x25: {  	[spmem:s3] =	stream.indirect.scatter.add.f32 [tilespmem:s29], [sflag:$0x3], $0x80, s2, s26, $0xb8;
	[tilespmem:$0x1E800] =	vst v63  }
0x26: {  	_ =	swait.ge [sflag:s19], $0x4000  }
0x27: {  	[sflag:s19] =	ssyncset.done $0x0  }
0x28: {  	[sflag:s19] =	ssyncadd.s32 $0xFFFFC000  }
0x29: {  	[bflag:$0x0] =	sbarrier.arrive $0xFFFF  }
0x2a: {  	[tilespmem:s18], [sflag:$0x3] =	stream.linear.gather [spmem:s8], $0x4000, $0x38;
	[tilespmem:$0x1E800] =	vst v63  }
0x2b: {  	_ =	swait.ge [sflag:s19], $0x4000  }
0x2c: {  	[sflag:s19] =	ssyncset.done $0x0  }
0x2d: {  	[sflag:s19] =	ssyncadd.s32 $0xFFFFC000  }
0x2e: {  	[hbm4b:s20+s4] =	stream.linear.scatter [tilespmem:s18], [sflag:$0x3], $0x4000, $0x38;
	[tilespmem:$0x1E800] =	vst v63  }
0x2f: {  	_ =	swait.ge [sflag:s19], $0x4000  }
0x30: {  	[sflag:s19] =	ssyncset.done $0x0  }
0x31: {  	[sflag:s19] =	ssyncadd.s32 $0xFFFFC000  }
0x32: {  	[tilespmem:s18], [sflag:$0x3] =	stream.linear.gather [spmem:s9], $0x4000, $0x38;
	[tilespmem:$0x1E800] =	vst v63  }
0x33: {  	_ =	swait.ge [sflag:s19], $0x4000  }
0x34: {  	[sflag:s19] =	ssyncset.done $0x0  }
0x35: {  	[sflag:s19] =	ssyncadd.s32 $0xFFFFC000  }
0x36: {  	[hbm4b:s21+s4] =	stream.linear.scatter [tilespmem:s18], [sflag:$0x3], $0x4000, $0x38;
	[tilespmem:$0x1E800] =	vst v63  }
0x37: {  	_ =	swait.ge [sflag:s19], $0x4000  }
0x38: {  	[sflag:s19] =	ssyncset.done $0x0  }
0x39: {  	[sflag:s19] =	ssyncadd.s32 $0xFFFFC000  }
0x3a: {  	[tilespmem:s18], [sflag:$0x3] =	stream.linear.gather [spmem:s10], $0x4000, $0x38;
	[tilespmem:$0x1E800] =	vst v63  }
0x3b: {  	_ =	swait.ge [sflag:s19], $0x4000  }
0x3c: {  	[sflag:s19] =	ssyncset.done $0x0  }
0x3d: {  	[sflag:s19] =	ssyncadd.s32 $0xFFFFC000  }
0x3e: {  	[hbm4b:s22+s4] =	stream.linear.scatter [tilespmem:s18], [sflag:$0x3], $0x4000, $0x38;
	[tilespmem:$0x1E800] =	vst v63  }
0x3f: {  	_ =	swait.ge [sflag:s19], $0x4000  }
0x40: {  	[sflag:s19] =	ssyncset.done $0x0  }
0x41: {  	[sflag:s19] =	ssyncadd.s32 $0xFFFFC000  }
0x42: {  	[tilespmem:s18], [sflag:$0x3] =	stream.linear.gather [spmem:s11], $0x4000, $0x38;
	[tilespmem:$0x1E800] =	vst v63  }
0x43: {  	_ =	swait.ge [sflag:s19], $0x4000  }
0x44: {  	[sflag:s19] =	ssyncset.done $0x0  }
0x45: {  	[sflag:s19] =	ssyncadd.s32 $0xFFFFC000  }
0x46: {  	[hbm4b:s23+s4] =	stream.linear.scatter [tilespmem:s18], [sflag:$0x3], $0x4000, $0x38;
	[tilespmem:$0x1E800] =	vst v63  }
0x47: {  	_ =	swait.ge [sflag:s19], $0x4000  }
0x48: {  	[sflag:s19] =	ssyncset.done $0x0  }
0x49: {  	[sflag:s19] =	ssyncadd.s32 $0xFFFFC000  }
0x4a: {  	[tilespmem:s18], [sflag:$0x3] =	stream.linear.gather [spmem:s12], $0x4000, $0x38;
	[tilespmem:$0x1E800] =	vst v63  }
0x4b: {  	s7 =	sadd.s32 $0x1, s7;
	_ =	swait.ge [sflag:s19], $0x4000  }
0x4c: {  	p1 =	sne.s32 s7, s17;
	[sflag:s19] =	ssyncset.done $0x0  }
.Ltmp1:
0x4d: {  	[sflag:s19] =	ssyncadd.s32 $0xFFFFC000;
	(pc) =	sbr.rel @!p1 .LBB2_13-.Ltmp1, $4  }
0x4e: {  	[hbm4b:s24+s4] =	stream.linear.scatter [tilespmem:s18], [sflag:$0x3], $0x4000, $0x38;
	[tilespmem:$0x1E800] =	vst v63  }
0x4f: {  	_ =	swait.ge [sflag:s19], $0x4000  }
0x50: {  	[sflag:s19] =	ssyncset.done $0x0  }
0x51: {  	[sflag:s19] =	ssyncadd.s32 $0xFFFFC000  }
.LBB2_1:
0x52: {  	s13 =	rddreg [dreg:$0x4]  }
0x53: {  	[tilespmem:s18], [sflag:$0x3] =	stream.linear.gather [hbm4b:s13+s4], $0x4000, $0x38;
	[tilespmem:$0x1E800] =	vst v63  }
0x54: {  	_ =	swait.ge [sflag:s19], $0x4000  }
0x55: {  	[sflag:s19] =	ssyncset.done $0x0  }
0x56: {  	[sflag:s19] =	ssyncadd.s32 $0xFFFFC000  }
0x57: {  	[spmem:s8] =	stream.linear.scatter [tilespmem:s18], [sflag:$0x3], $0x4000, $0x38;
	[tilespmem:$0x1E800] =	vst v63  }
0x58: {  	_ =	swait.ge [sflag:s19], $0x4000  }
0x59: {  	[sflag:s19] =	ssyncset.done $0x0  }
0x5a: {  	[sflag:s19] =	ssyncadd.s32 $0xFFFFC000  }
0x5b: {  	[spmem:s9] =	stream.linear.scatter [tilespmem:s18], [sflag:$0x3], $0x4000, $0x38;
	[tilespmem:$0x1E800] =	vst v63  }
0x5c: {  	_ =	swait.ge [sflag:s19], $0x4000  }
0x5d: {  	[sflag:s19] =	ssyncset.done $0x0  }
0x5e: {  	[sflag:s19] =	ssyncadd.s32 $0xFFFFC000  }
0x5f: {  	[spmem:s10] =	stream.linear.scatter [tilespmem:s18], [sflag:$0x3], $0x4000, $0x38;
	[tilespmem:$0x1E800] =	vst v63  }
0x60: {  	_ =	swait.ge [sflag:s19], $0x4000  }
0x61: {  	[sflag:s19] =	ssyncset.done $0x0  }
0x62: {  	[sflag:s19] =	ssyncadd.s32 $0xFFFFC000  }
0x63: {  	[spmem:s11] =	stream.linear.scatter [tilespmem:s18], [sflag:$0x3], $0x4000, $0x38;
	[tilespmem:$0x1E800] =	vst v63  }
0x64: {  	_ =	swait.ge [sflag:s19], $0x4000  }
0x65: {  	[sflag:s19] =	ssyncset.done $0x0  }
0x66: {  	[sflag:s19] =	ssyncadd.s32 $0xFFFFC000  }
0x67: {  	[spmem:s12] =	stream.linear.scatter [tilespmem:s18], [sflag:$0x3], $0x4000, $0x38;
	[tilespmem:$0x1E800] =	vst v63  }
0x68: {  	_ =	swait.ge [sflag:s19], $0x4000  }
0x69: {  	[sflag:s19] =	ssyncset.done $0x0  }
0x6a: {  	[sflag:s19] =	ssyncadd.s32 $0xFFFFC000  }
0x6b: {  	[bflag:$0x0] =	sbarrier.arrive $0xFFFF  }
0x6c: {  	s14 =	rddreg [dreg:$0x5]  }
0x6d: {  	[tilespmem:s4], [sflag:$0x3] =	stream.linear.gather [hbm4b:s14+s4], $0x1400, $0x38;
	[tilespmem:$0x1E800] =	vst v63  }
0x6e: {  	_ =	swait.ge [sflag:s19], $0x1400  }
0x6f: {  	[sflag:s19] =	ssyncset.done $0x0  }
.Ltmp2:
0x70: {  	s15 =	rddreg [dreg:$0x6];
	[sflag:s19] =	ssyncadd.s32 $0xFFFFEC00;
	(pc) =	sbr.rel @!p0 .LBB2_2-.Ltmp2, $4  }
0x71: {  	[tilespmem:s25], [sflag:$0x3] =	stream.linear.gather [hbm4b:s15+s4], $0x1400, $0x38;
	[tilespmem:$0x1E800] =	vst v63  }
0x72: {  	_ =	swait.ge [sflag:s19], $0x1400  }
0x73: {  	[sflag:s19] =	ssyncset.done $0x0  }
0x74: {  	s13 =	simm.s32 $0x0;
	[sflag:s19] =	ssyncadd.s32 $0xFFFFEC00  }
0x75: {  	[tilespmem:s18], [sflag:$0x1] =	stream.indirect.gather [hbm4b:s6+s26], $0x80, s13, s26, $0xb8;
	[tilespmem:$0x1E800] =	vst v63  }
0x76: {  	_ =	swait.ge [sflag:s28], $0x4000  }
0x77: {  	[sflag:s28] =	ssyncset.done $0x0  }
0x78: {  	s14 =	simm.s32 $0x80;
	[sflag:s28] =	ssyncadd.s32 $0xFFFFC000  }
0x79: {  	[tilespmem:s29], [sflag:$0x2] =	stream.indirect.gather [hbm4b:s6+s26], $0x80, s14, s26, $0xb8;
	[tilespmem:$0x1E800] =	vst v63  }
0x7a: {  	s15 =	simm.s32 $0x1400  }
0x7b: {  	[spmem:s3] =	stream.indirect.scatter.add.f32 [tilespmem:s18], [sflag:$0x3], $0x80, s15, s26, $0xb8;
	[tilespmem:$0x1E800] =	vst v63  }
0x7c: {  	_ =	swait.ge [sflag:s19], $0x4000  }
0x7d: {  	[sflag:s19] =	ssyncset.done $0x0  }
0x7e: {  	[sflag:s19] =	ssyncadd.s32 $0xFFFFC000  }
0x7f: {  	_ =	swait.ge [sflag:s30], $0x4000  }
0x80: {  	[sflag:s30] =	ssyncset.done $0x0  }
0x81: {  	s14 =	simm.s32 $0x100;
	[sflag:s30] =	ssyncadd.s32 $0xFFFFC000  }
0x82: {  	[tilespmem:s18], [sflag:$0x1] =	stream.indirect.gather [hbm4b:s6+s26], $0x80, s14, s26, $0xb8;
	[tilespmem:$0x1E800] =	vst v63  }
0x83: {  	s15 =	simm.s32 $0x1480  }
0x84: {  	[spmem:s3] =	stream.indirect.scatter.add.f32 [tilespmem:s29], [sflag:$0x3], $0x80, s15, s26, $0xb8;
	[tilespmem:$0x1E800] =	vst v63  }
0x85: {  	_ =	swait.ge [sflag:s19], $0x4000  }
0x86: {  	s13 =	simm.s32 $0x400;
	[sflag:s19] =	ssyncset.done $0x0  }
.LBB2_8:
0x87: {  	p1 =	sne.s32 s13, $0x4800  }
0x88: {  	[sflag:s19] =	ssyncadd.s32 $0xFFFFC000;
	s14 =	smov.u32 s13;
	s13 =	sadd.s32 $0x400, s13  }
0x89: {  	_ = 	snop  }
0x8a: {  	_ =	swait.ge [sflag:s28], $0x4000  }
0x8b: {  	s14 =	sshra.s32 s14, $0x2;
	[sflag:s28] =	ssyncset.done $0x0  }
0x8c: {  	s15 =	sadd.s32 $0x80, s14;
	[sflag:s28] =	ssyncadd.s32 $0xFFFFC000  }
0x8d: {  	[tilespmem:s29], [sflag:$0x2] =	stream.indirect.gather [hbm4b:s6+s26], $0x80, s15, s26, $0xb8;
	[tilespmem:$0x1E800] =	vst v63  }
0x8e: {  	s15 =	sadd.s32 $0x1400, s14  }
0x8f: {  	[spmem:s3] =	stream.indirect.scatter.add.f32 [tilespmem:s18], [sflag:$0x3], $0x80, s15, s26, $0xb8;
	[tilespmem:$0x1E800] =	vst v63  }
0x90: {  	_ =	swait.ge [sflag:s19], $0x4000  }
0x91: {  	[sflag:s19] =	ssyncset.done $0x0  }
0x92: {  	[sflag:s19] =	ssyncadd.s32 $0xFFFFC000  }
0x93: {  	_ =	swait.ge [sflag:s30], $0x4000  }
0x94: {  	[sflag:s30] =	ssyncset.done $0x0  }
0x95: {  	s15 =	sadd.s32 $0x100, s14;
	[sflag:s30] =	ssyncadd.s32 $0xFFFFC000  }
0x96: {  	[tilespmem:s18], [sflag:$0x1] =	stream.indirect.gather [hbm4b:s6+s26], $0x80, s15, s26, $0xb8;
	[tilespmem:$0x1E800] =	vst v63  }
.Ltmp3:
0x97: {  	_ = 	snop;
	(pc) =	sbr.rel @p1 .LBB2_8-.Ltmp3, $4  }
0x98: {  	s14 =	sadd.s32 $0x1480, s14  }
0x99: {  	[spmem:s3] =	stream.indirect.scatter.add.f32 [tilespmem:s29], [sflag:$0x3], $0x80, s14, s26, $0xb8;
	[tilespmem:$0x1E800] =	vst v63  }
0x9a: {  	_ =	swait.ge [sflag:s19], $0x4000  }
0x9b: {  	[sflag:s19] =	ssyncset.done $0x0  }
0x9c: {  	[sflag:s19] =	ssyncadd.s32 $0xFFFFC000  }
0x9d: {  	_ =	swait.ge [sflag:s28], $0x4000  }
0x9e: {  	[sflag:s28] =	ssyncset.done $0x0  }
0x9f: {  	[sflag:s28] =	ssyncadd.s32 $0xFFFFC000  }
0xa0: {  	[tilespmem:s29], [sflag:$0x2] =	stream.indirect.gather [hbm4b:s6+s26], $0x80, s31, s26, $0xb8;
	[tilespmem:$0x1E800] =	vst v63  }
0xa1: {  	_ = 	snop  }
0xa2: {  	[spmem:s3] =	stream.indirect.scatter.add.f32 [tilespmem:s18], [sflag:$0x3], $0x80, s0, s26, $0xb8;
	[tilespmem:$0x1E800] =	vst v63  }
0xa3: {  	_ =	swait.ge [sflag:s19], $0x4000  }
0xa4: {  	[sflag:s19] =	ssyncset.done $0x0  }
0xa5: {  	[sflag:s19] =	ssyncadd.s32 $0xFFFFC000  }
0xa6: {  	_ =	swait.ge [sflag:s30], $0x4000  }
0xa7: {  	[sflag:s30] =	ssyncset.done $0x0  }
0xa8: {  	[sflag:s30] =	ssyncadd.s32 $0xFFFFC000  }
0xa9: {  	[spmem:s3] =	stream.indirect.scatter.add.f32 [tilespmem:s29], [sflag:$0x3], $0x80, s2, s26, $0xb8;
	[tilespmem:$0x1E800] =	vst v63  }
0xaa: {  	_ =	swait.ge [sflag:s19], $0x4000  }
0xab: {  	[sflag:s19] =	ssyncset.done $0x0;
	s13 =	rddreg [dreg:$0x7]  }
0xac: {  	s14 =	simm.s32 $0x0;
	[sflag:s19] =	ssyncadd.s32 $0xFFFFC000;
	s13 =	sadd.s32 s5, s13  }
0xad: {  	[tilespmem:s14], [sflag:$0x3] =	stream.linear.gather [hbm4b:s13+s14], $0x1400, $0x38;
	[tilespmem:$0x1E800] =	vst v63  }
0xae: {  	_ =	swait.ge [sflag:s19], $0x1400  }
0xaf: {  	[sflag:s19] =	ssyncset.done $0x0  }
0xb0: {  	s15 =	sadd.s32 s5, s16;
	[sflag:s19] =	ssyncadd.s32 $0xFFFFEC00  }
0xb1: {  	[tilespmem:s25], [sflag:$0x3] =	stream.linear.gather [hbm4b:s15+s14], $0x1400, $0x38;
	[tilespmem:$0x1E800] =	vst v63  }
0xb2: {  	_ =	swait.ge [sflag:s19], $0x1400  }
0xb3: {  	[sflag:s19] =	ssyncset.done $0x0  }
0xb4: {  	[sflag:s19] =	ssyncadd.s32 $0xFFFFEC00  }
0xb5: {  	[tilespmem:s18], [sflag:$0x1] =	stream.indirect.gather [hbm4b:s6+s26], $0x80, s14, s26, $0xb8;
	[tilespmem:$0x1E800] =	vst v63  }
0xb6: {  	_ =	swait.ge [sflag:s28], $0x4000  }
0xb7: {  	[sflag:s28] =	ssyncset.done $0x0  }
0xb8: {  	s14 =	simm.s32 $0x80;
	[sflag:s28] =	ssyncadd.s32 $0xFFFFC000  }
0xb9: {  	[tilespmem:s29], [sflag:$0x2] =	stream.indirect.gather [hbm4b:s6+s26], $0x80, s14, s26, $0xb8;
	[tilespmem:$0x1E800] =	vst v63  }
0xba: {  	s15 =	simm.s32 $0x1400  }
0xbb: {  	[spmem:s3] =	stream.indirect.scatter.add.f32 [tilespmem:s18], [sflag:$0x3], $0x80, s15, s26, $0xb8;
	[tilespmem:$0x1E800] =	vst v63  }
0xbc: {  	_ =	swait.ge [sflag:s19], $0x4000  }
0xbd: {  	[sflag:s19] =	ssyncset.done $0x0  }
0xbe: {  	[sflag:s19] =	ssyncadd.s32 $0xFFFFC000  }
0xbf: {  	_ =	swait.ge [sflag:s30], $0x4000  }
0xc0: {  	[sflag:s30] =	ssyncset.done $0x0  }
0xc1: {  	s14 =	simm.s32 $0x100;
	[sflag:s30] =	ssyncadd.s32 $0xFFFFC000  }
0xc2: {  	[tilespmem:s18], [sflag:$0x1] =	stream.indirect.gather [hbm4b:s6+s26], $0x80, s14, s26, $0xb8;
	[tilespmem:$0x1E800] =	vst v63  }
0xc3: {  	s15 =	simm.s32 $0x1480  }
0xc4: {  	[spmem:s3] =	stream.indirect.scatter.add.f32 [tilespmem:s29], [sflag:$0x3], $0x80, s15, s26, $0xb8;
	[tilespmem:$0x1E800] =	vst v63  }
0xc5: {  	_ =	swait.ge [sflag:s19], $0x4000  }
0xc6: {  	s13 =	simm.s32 $0x400;
	[sflag:s19] =	ssyncset.done $0x0  }
.LBB2_10:
0xc7: {  	p1 =	sne.s32 s13, $0x4800  }
0xc8: {  	[sflag:s19] =	ssyncadd.s32 $0xFFFFC000;
	s14 =	smov.u32 s13;
	s13 =	sadd.s32 $0x400, s13  }
0xc9: {  	_ = 	snop  }
0xca: {  	_ =	swait.ge [sflag:s28], $0x4000  }
0xcb: {  	s14 =	sshra.s32 s14, $0x2;
	[sflag:s28] =	ssyncset.done $0x0  }
0xcc: {  	s15 =	sadd.s32 $0x80, s14;
	[sflag:s28] =	ssyncadd.s32 $0xFFFFC000  }
0xcd: {  	[tilespmem:s29], [sflag:$0x2] =	stream.indirect.gather [hbm4b:s6+s26], $0x80, s15, s26, $0xb8;
	[tilespmem:$0x1E800] =	vst v63  }
0xce: {  	s15 =	sadd.s32 $0x1400, s14  }
0xcf: {  	[spmem:s3] =	stream.indirect.scatter.add.f32 [tilespmem:s18], [sflag:$0x3], $0x80, s15, s26, $0xb8;
	[tilespmem:$0x1E800] =	vst v63  }
0xd0: {  	_ =	swait.ge [sflag:s19], $0x4000  }
0xd1: {  	[sflag:s19] =	ssyncset.done $0x0  }
0xd2: {  	[sflag:s19] =	ssyncadd.s32 $0xFFFFC000  }
0xd3: {  	_ =	swait.ge [sflag:s30], $0x4000  }
0xd4: {  	[sflag:s30] =	ssyncset.done $0x0  }
0xd5: {  	s15 =	sadd.s32 $0x100, s14;
	[sflag:s30] =	ssyncadd.s32 $0xFFFFC000  }
0xd6: {  	[tilespmem:s18], [sflag:$0x1] =	stream.indirect.gather [hbm4b:s6+s26], $0x80, s15, s26, $0xb8;
	[tilespmem:$0x1E800] =	vst v63  }
.Ltmp4:
0xd7: {  	_ = 	snop;
	(pc) =	sbr.rel @p1 .LBB2_10-.Ltmp4, $4  }
0xd8: {  	s14 =	sadd.s32 $0x1480, s14  }
0xd9: {  	[spmem:s3] =	stream.indirect.scatter.add.f32 [tilespmem:s29], [sflag:$0x3], $0x80, s14, s26, $0xb8;
	[tilespmem:$0x1E800] =	vst v63  }
0xda: {  	_ =	swait.ge [sflag:s19], $0x4000  }
0xdb: {  	[sflag:s19] =	ssyncset.done $0x0  }
.Ltmp5:
0xdc: {  	_ = 	snop;
	(pc) =	sbr.rel .LBB2_11-.Ltmp5, $1  }
0xdd: {  	_ =	sdelay $0x3  }
.LBB2_2:
0xde: {  	[tilespmem:s18], [sflag:$0x1] =	stream.indirect.gather [hbm4b:s1+s26], $0x80, s13, s26, $0xb8;
	[tilespmem:$0x1E800] =	vst v63  }
0xdf: {  	_ =	swait.ge [sflag:s28], $0x4000  }
0xe0: {  	[sflag:s28] =	ssyncset.done $0x0  }
0xe1: {  	s14 =	simm.s32 $0x80;
	[sflag:s28] =	ssyncadd.s32 $0xFFFFC000  }
0xe2: {  	[tilespmem:s29], [sflag:$0x2] =	stream.indirect.gather [hbm4b:s1+s26], $0x80, s14, s26, $0xb8;
	[tilespmem:$0x1E800] =	vst v63  }
0xe3: {  	s15 =	simm.s32 $0x1400  }
0xe4: {  	[spmem:s3] =	stream.indirect.scatter.add.f32 [tilespmem:s18], [sflag:$0x3], $0x80, s15, s26, $0xb8;
	[tilespmem:$0x1E800] =	vst v63  }
0xe5: {  	_ =	swait.ge [sflag:s19], $0x4000  }
0xe6: {  	[sflag:s19] =	ssyncset.done $0x0  }
0xe7: {  	[sflag:s19] =	ssyncadd.s32 $0xFFFFC000  }
0xe8: {  	_ =	swait.ge [sflag:s30], $0x4000  }
0xe9: {  	[sflag:s30] =	ssyncset.done $0x0  }
0xea: {  	s14 =	simm.s32 $0x100;
	[sflag:s30] =	ssyncadd.s32 $0xFFFFC000  }
0xeb: {  	[tilespmem:s18], [sflag:$0x1] =	stream.indirect.gather [hbm4b:s1+s26], $0x80, s14, s26, $0xb8;
	[tilespmem:$0x1E800] =	vst v63  }
0xec: {  	s15 =	simm.s32 $0x1480  }
0xed: {  	[spmem:s3] =	stream.indirect.scatter.add.f32 [tilespmem:s29], [sflag:$0x3], $0x80, s15, s26, $0xb8;
	[tilespmem:$0x1E800] =	vst v63  }
0xee: {  	_ =	swait.ge [sflag:s19], $0x4000  }
0xef: {  	s13 =	simm.s32 $0x400;
	[sflag:s19] =	ssyncset.done $0x0  }
.LBB2_3:
0xf0: {  	p1 =	sne.s32 s13, $0x4800  }
0xf1: {  	[sflag:s19] =	ssyncadd.s32 $0xFFFFC000;
	s14 =	smov.u32 s13;
	s13 =	sadd.s32 $0x400, s13  }
0xf2: {  	_ = 	snop  }
0xf3: {  	_ =	swait.ge [sflag:s28], $0x4000  }
0xf4: {  	s14 =	sshra.s32 s14, $0x2;
	[sflag:s28] =	ssyncset.done $0x0  }
0xf5: {  	s15 =	sadd.s32 $0x80, s14;
	[sflag:s28] =	ssyncadd.s32 $0xFFFFC000  }
0xf6: {  	[tilespmem:s29], [sflag:$0x2] =	stream.indirect.gather [hbm4b:s1+s26], $0x80, s15, s26, $0xb8;
	[tilespmem:$0x1E800] =	vst v63  }
0xf7: {  	s15 =	sadd.s32 $0x1400, s14  }
0xf8: {  	[spmem:s3] =	stream.indirect.scatter.add.f32 [tilespmem:s18], [sflag:$0x3], $0x80, s15, s26, $0xb8;
	[tilespmem:$0x1E800] =	vst v63  }
0xf9: {  	_ =	swait.ge [sflag:s19], $0x4000  }
0xfa: {  	[sflag:s19] =	ssyncset.done $0x0  }
0xfb: {  	[sflag:s19] =	ssyncadd.s32 $0xFFFFC000  }
0xfc: {  	_ =	swait.ge [sflag:s30], $0x4000  }
0xfd: {  	[sflag:s30] =	ssyncset.done $0x0  }
0xfe: {  	s15 =	sadd.s32 $0x100, s14;
	[sflag:s30] =	ssyncadd.s32 $0xFFFFC000  }
0xff: {  	[tilespmem:s18], [sflag:$0x1] =	stream.indirect.gather [hbm4b:s1+s26], $0x80, s15, s26, $0xb8;
	[tilespmem:$0x1E800] =	vst v63  }
.Ltmp6:
0x100: {  	_ = 	snop;
	(pc) =	sbr.rel @p1 .LBB2_3-.Ltmp6, $4  }
0x101: {  	s14 =	sadd.s32 $0x1480, s14  }
0x102: {  	[spmem:s3] =	stream.indirect.scatter.add.f32 [tilespmem:s29], [sflag:$0x3], $0x80, s14, s26, $0xb8;
	[tilespmem:$0x1E800] =	vst v63  }
0x103: {  	_ =	swait.ge [sflag:s19], $0x4000  }
0x104: {  	[sflag:s19] =	ssyncset.done $0x0  }
0x105: {  	[sflag:s19] =	ssyncadd.s32 $0xFFFFC000  }
0x106: {  	_ =	swait.ge [sflag:s28], $0x4000  }
0x107: {  	[sflag:s28] =	ssyncset.done $0x0  }
0x108: {  	[sflag:s28] =	ssyncadd.s32 $0xFFFFC000  }
0x109: {  	[tilespmem:s29], [sflag:$0x2] =	stream.indirect.gather [hbm4b:s1+s26], $0x80, s31, s26, $0xb8;
	[tilespmem:$0x1E800] =	vst v63  }
0x10a: {  	_ = 	snop  }
0x10b: {  	[spmem:s3] =	stream.indirect.scatter.add.f32 [tilespmem:s18], [sflag:$0x3], $0x80, s0, s26, $0xb8;
	[tilespmem:$0x1E800] =	vst v63  }
0x10c: {  	_ =	swait.ge [sflag:s19], $0x4000  }
0x10d: {  	[sflag:s19] =	ssyncset.done $0x0  }
0x10e: {  	[sflag:s19] =	ssyncadd.s32 $0xFFFFC000  }
0x10f: {  	_ =	swait.ge [sflag:s30], $0x4000  }
0x110: {  	[sflag:s30] =	ssyncset.done $0x0  }
0x111: {  	[sflag:s30] =	ssyncadd.s32 $0xFFFFC000  }
0x112: {  	[spmem:s3] =	stream.indirect.scatter.add.f32 [tilespmem:s29], [sflag:$0x3], $0x80, s2, s26, $0xb8;
	[tilespmem:$0x1E800] =	vst v63  }
0x113: {  	_ =	swait.ge [sflag:s19], $0x4000  }
0x114: {  	[sflag:s19] =	ssyncset.done $0x0;
	s13 =	rddreg [dreg:$0x7]  }
0x115: {  	s14 =	simm.s32 $0x0;
	[sflag:s19] =	ssyncadd.s32 $0xFFFFC000;
	s13 =	sadd.s32 s5, s13  }
0x116: {  	[tilespmem:s14], [sflag:$0x3] =	stream.linear.gather [hbm4b:s13+s14], $0x1400, $0x38;
	[tilespmem:$0x1E800] =	vst v63  }
0x117: {  	_ =	swait.ge [sflag:s19], $0x1400  }
0x118: {  	[sflag:s19] =	ssyncset.done $0x0  }
0x119: {  	s15 =	sadd.s32 s5, s16;
	[sflag:s19] =	ssyncadd.s32 $0xFFFFEC00  }
0x11a: {  	[tilespmem:s25], [sflag:$0x3] =	stream.linear.gather [hbm4b:s15+s14], $0x1400, $0x38;
	[tilespmem:$0x1E800] =	vst v63  }
0x11b: {  	_ =	swait.ge [sflag:s19], $0x1400  }
0x11c: {  	[sflag:s19] =	ssyncset.done $0x0  }
0x11d: {  	[sflag:s19] =	ssyncadd.s32 $0xFFFFEC00  }
0x11e: {  	[tilespmem:s18], [sflag:$0x1] =	stream.indirect.gather [hbm4b:s1+s26], $0x80, s14, s26, $0xb8;
	[tilespmem:$0x1E800] =	vst v63  }
0x11f: {  	_ =	swait.ge [sflag:s28], $0x4000  }
0x120: {  	[sflag:s28] =	ssyncset.done $0x0  }
0x121: {  	s14 =	simm.s32 $0x80;
	[sflag:s28] =	ssyncadd.s32 $0xFFFFC000  }
0x122: {  	[tilespmem:s29], [sflag:$0x2] =	stream.indirect.gather [hbm4b:s1+s26], $0x80, s14, s26, $0xb8;
	[tilespmem:$0x1E800] =	vst v63  }
0x123: {  	s15 =	simm.s32 $0x1400  }
0x124: {  	[spmem:s3] =	stream.indirect.scatter.add.f32 [tilespmem:s18], [sflag:$0x3], $0x80, s15, s26, $0xb8;
	[tilespmem:$0x1E800] =	vst v63  }
0x125: {  	_ =	swait.ge [sflag:s19], $0x4000  }
0x126: {  	[sflag:s19] =	ssyncset.done $0x0  }
0x127: {  	[sflag:s19] =	ssyncadd.s32 $0xFFFFC000  }
0x128: {  	_ =	swait.ge [sflag:s30], $0x4000  }
0x129: {  	[sflag:s30] =	ssyncset.done $0x0  }
0x12a: {  	s14 =	simm.s32 $0x100;
	[sflag:s30] =	ssyncadd.s32 $0xFFFFC000  }
0x12b: {  	[tilespmem:s18], [sflag:$0x1] =	stream.indirect.gather [hbm4b:s1+s26], $0x80, s14, s26, $0xb8;
	[tilespmem:$0x1E800] =	vst v63  }
0x12c: {  	s15 =	simm.s32 $0x1480  }
0x12d: {  	[spmem:s3] =	stream.indirect.scatter.add.f32 [tilespmem:s29], [sflag:$0x3], $0x80, s15, s26, $0xb8;
	[tilespmem:$0x1E800] =	vst v63  }
0x12e: {  	_ =	swait.ge [sflag:s19], $0x4000  }
0x12f: {  	s13 =	simm.s32 $0x400;
	[sflag:s19] =	ssyncset.done $0x0  }
.LBB2_5:
0x130: {  	p1 =	seq.s32 s13, $0x4800  }
0x131: {  	[sflag:s19] =	ssyncadd.s32 $0xFFFFC000;
	s14 =	smov.u32 s13;
	s13 =	sadd.s32 $0x400, s13  }
0x132: {  	_ = 	snop  }
0x133: {  	_ =	swait.ge [sflag:s28], $0x4000  }
0x134: {  	s14 =	sshra.s32 s14, $0x2;
	[sflag:s28] =	ssyncset.done $0x0  }
0x135: {  	s15 =	sadd.s32 $0x80, s14;
	[sflag:s28] =	ssyncadd.s32 $0xFFFFC000  }
0x136: {  	[tilespmem:s29], [sflag:$0x2] =	stream.indirect.gather [hbm4b:s1+s26], $0x80, s15, s26, $0xb8;
	[tilespmem:$0x1E800] =	vst v63  }
0x137: {  	s15 =	sadd.s32 $0x1400, s14  }
0x138: {  	[spmem:s3] =	stream.indirect.scatter.add.f32 [tilespmem:s18], [sflag:$0x3], $0x80, s15, s26, $0xb8;
	[tilespmem:$0x1E800] =	vst v63  }
0x139: {  	_ =	swait.ge [sflag:s19], $0x4000  }
0x13a: {  	[sflag:s19] =	ssyncset.done $0x0  }
0x13b: {  	[sflag:s19] =	ssyncadd.s32 $0xFFFFC000  }
0x13c: {  	_ =	swait.ge [sflag:s30], $0x4000  }
0x13d: {  	[sflag:s30] =	ssyncset.done $0x0  }
0x13e: {  	s15 =	sadd.s32 $0x100, s14;
	[sflag:s30] =	ssyncadd.s32 $0xFFFFC000  }
0x13f: {  	[tilespmem:s18], [sflag:$0x1] =	stream.indirect.gather [hbm4b:s1+s26], $0x80, s15, s26, $0xb8;
	[tilespmem:$0x1E800] =	vst v63  }
.Ltmp7:
0x140: {  	_ = 	snop;
	(pc) =	sbr.rel @!p1 .LBB2_5-.Ltmp7, $4  }
0x141: {  	s14 =	sadd.s32 $0x1480, s14  }
0x142: {  	[spmem:s3] =	stream.indirect.scatter.add.f32 [tilespmem:s29], [sflag:$0x3], $0x80, s14, s26, $0xb8;
	[tilespmem:$0x1E800] =	vst v63  }
0x143: {  	_ =	swait.ge [sflag:s19], $0x4000  }
0x144: {  	[sflag:s19] =	ssyncset.done $0x0  }
.Ltmp8:
0x145: {  	[sflag:s19] =	ssyncadd.s32 $0xFFFFC000;
	(pc) =	sbr.rel .LBB2_12-.Ltmp8, $4  }
0x146: {  	_ =	swait.ge [sflag:s28], $0x4000  }
0x147: {  	[sflag:s28] =	ssyncset.done $0x0  }
0x148: {  	[sflag:s28] =	ssyncadd.s32 $0xFFFFC000  }
0x149: {  	[tilespmem:s29], [sflag:$0x2] =	stream.indirect.gather [hbm4b:s1+s26], $0x80, s31, s26, $0xb8;
	[tilespmem:$0x1E800] =	vst v63  }
.LBB2_13:
0x14a: {  	_ =	sfence.sel $0x180000  }
0x14b: {  	[bflag:$0x0] =	sbarrier.arrive $0xFFFF  }
0x14c: {  	_ =	strace $0x9000004A  }
0x14d: {  	s0 =	stileid.u32;
	[bflag:$0x2] =	sbarrier.arrive $0xFFFF  }
0x14e: {  	p0 =	sne.s32 s0, $0x0;
	s0 =	rddreg [dreg:$0x3]  }
0x14f: {  	s0 =	sadd.s32 @!p0 $0x100000, s0  }
0x150: {  	[sflag:s0] =	ssyncadd.tile.s32 @!p0 $0x1;
	_ =	shalt  }
.Lfunc_end2:
_tile_overlayer_lowered:
.L_overlay_start_2:
0x151: {  	(tag) =	ssettag $0x2  }
0x152: {  	s0 =	rddreg [dreg:$0x0];
	s2 =	stileid.u32  }
0x153: {  	s1 =	rddreg [dreg:$0x1];
	p0 =	sne.s32 s2, $0x0  }
0x154: {  	s3 =	rddreg [dreg:$0x2];
	[bflag:$0x3] =	sbarrier.arrive $0xFFFF;
	s2 =	simm.s32 @!p0 $0x1C03  }
0x155: {  	[timem:s3], [sflag:s2] =	dma.local @!p0 [hbm:s0], s1  }
0x156: {  	s0 =	simm.s32 @!p0 $0x3  }
0x157: {  	_ =	swait.ge @!p0 [sflag:s0], s1  }
0x158: {  	s1 =	ssub.s32 @!p0 $0x0, s1;
	[sflag:s0] =	ssyncset.done @!p0 $0x0  }
0x159: {  	[sflag:s0] =	ssyncadd.s32 @!p0 s1  }
0x15a: {  	[bflag:$0x3] =	sbarrier.arrive $0xFFFF  }
0x15b: {  	_ =	shalt  }

</sc_bundles>
